<compile_context>
chip_gen: v7x
topology: tpu7x:2x2x1
jax: 0.10.2.dev20260603
libtpu: 0.0.44.dev20260713+nightly
codegen_flags: <defaults>
</compile_context>

<pallas_src>
import functools

import jax
import jax.numpy as jnp
from jax import lax
from jax.experimental import pallas as pl
from jax.experimental.pallas import tpu as pltpu
from jax.experimental.pallas import tpu_sc as plsc

N = 50176
D = 96
HEADS = 4
HD = 24
HP = 32
DP = HEADS * HP
GS = 128
NG = N // GS
CG = 8
NCHUNK = NG // CG
NT = 8

NC = 2
NS = 16
NW = NC * NS
RPW = N // NW
CCH = 112
KCH = RPW // CCH

@functools.cache
def _sc_kernels():
    mesh = plsc.VectorSubcoreMesh(core_axis_name="c", subcore_axis_name="s")
    common = dict(
        mesh=mesh,
        compiler_params=pltpu.CompilerParams(use_tc_tiling_on_sc=False),
        out_type=jax.ShapeDtypeStruct((N, D), jnp.float32),
        scratch_types=[
            pltpu.VMEM((KCH, CCH), jnp.int32),
            pltpu.VMEM((2, CCH, D), jnp.float32),
            pltpu.SemaphoreType.DMA,
            pltpu.SemaphoreType.DMA,
        ],
    )


    @functools.partial(pl.kernel, **common)
    def sc_gather(x_hbm, idx_hbm, out_hbm, idx_v, rows_v, gsem, wsem):
        wid = lax.axis_index("s") * NC + lax.axis_index("c")
        base = wid * RPW
        pltpu.sync_copy(idx_hbm.at[wid], idx_v)
        gh = [None] * KCH
        wh = [None] * KCH
        for j in range(KCH):
            if j >= 2:
                wh[j - 2].wait()
            gh[j] = pltpu.async_copy(
                x_hbm.at[idx_v.at[j]], rows_v.at[j % 2], gsem)
            if j >= 1:
                wh[j - 1] = pltpu.async_copy(
                    rows_v.at[(j - 1) % 2],
                    out_hbm.at[pl.ds(base + (j - 1) * CCH, CCH)], wsem)
            gh[j].wait()
        wh[KCH - 2].wait()
        pltpu.async_copy(
            rows_v.at[(KCH - 1) % 2],
            out_hbm.at[pl.ds(base + (KCH - 1) * CCH, CCH)], wsem).wait()

    @functools.partial(pl.kernel, **common)
    def sc_scatter(o_hbm, idx_hbm, out_hbm, idx_v, rows_v, gsem, wsem):
        wid = lax.axis_index("s") * NC + lax.axis_index("c")
        base = wid * RPW
        pltpu.sync_copy(idx_hbm.at[wid], idx_v)
        lh = [None] * KCH
        sh = [None] * KCH
        for j in range(KCH):
            if j >= 2:
                sh[j - 2].wait()
            lh[j] = pltpu.async_copy(
                o_hbm.at[pl.ds(base + j * CCH, CCH)], rows_v.at[j % 2], gsem)
            if j >= 1:
                sh[j - 1] = pltpu.async_copy(
                    rows_v.at[(j - 1) % 2], out_hbm.at[idx_v.at[j - 1]], wsem)
            lh[j].wait()
        sh[KCH - 2].wait()
        pltpu.async_copy(
            rows_v.at[(KCH - 1) % 2],
            out_hbm.at[idx_v.at[KCH - 1]], wsem).wait()

    return sc_gather, sc_scatter


def _attn_body(xa_ref, xb_ref, wqkv_ref, wp_ref, kg_ref, vg_ref, ones_ref,
               out_ref):
    f32 = jnp.float32
    xa = xa_ref[...]
    xb = xb_ref[...]
    wqkv = wqkv_ref[...]
    wp = wp_ref[...]
    kg = kg_ref[...]
    vg = vg_ref[...]
    ones_bd = ones_ref[...]

    def dot(a, b, dn):
        return lax.dot_general(a, b, dn, preferred_element_type=f32)

    M = CG * GS
    xc = jnp.concatenate([xa, xb], axis=0)
    qkv = dot(xc, wqkv, (((1,), (0,)), ((), ())))
    q = qkv[:M, :DP]
    kf = qkv[:, DP:2 * DP]
    vf = qkv[:, 2 * DP:]

    sg = dot(q, kg, (((1,), (0,)), ((), ())))
    pg = jnp.exp(sg)
    lg = dot(pg, ones_bd, (((1,), (0,)), ((), ())))
    o2 = dot(pg, vg, (((1,), (0,)), ((), ()))) / lg

    o_parts = []
    for h in range(HEADS):
        sl = slice(h * HP, (h + 1) * HP)
        qh = q[:, sl].reshape(CG, GS, HP)
        kh = jnp.concatenate(
            [kf[:M, sl].reshape(CG, GS, HP),
             kf[GS:, sl].reshape(CG, GS, HP)], axis=1)
        vh = jnp.concatenate(
            [vf[:M, sl].reshape(CG, GS, HP),
             vf[GS:, sl].reshape(CG, GS, HP)], axis=1)
        p = jnp.exp(dot(qh, kh, (((2,), (2,)), ((0,), (0,)))))
        l = jnp.sum(p, axis=-1, keepdims=True)
        o1 = dot(p, vh, (((2,), (1,)), ((0,), (0,)))) / l
        o_parts.append(o1.reshape(M, HP))
    o1c = jnp.concatenate(o_parts, axis=1)
    out_ref[...] = dot(o1c + o2, wp, (((1,), (0,)), ((), ())))


_attn = pl.pallas_call(
    _attn_body,
    grid=(NCHUNK,),
    in_specs=[
        pl.BlockSpec((CG * GS, D), lambda c: (c, 0)),
        pl.BlockSpec((GS, D), lambda c: (jnp.minimum(CG * c + CG, NG - 1), 0)),
        pl.BlockSpec((D, 3 * DP), lambda c: (0, 0)),
        pl.BlockSpec((DP, D), lambda c: (0, 0)),
        pl.BlockSpec((DP, HEADS * NT), lambda c: (0, 0)),
        pl.BlockSpec((HEADS * NT, DP), lambda c: (0, 0)),
        pl.BlockSpec((HEADS * NT, DP), lambda c: (0, 0)),
    ],
    out_specs=pl.BlockSpec((CG * GS, D), lambda c: (c, 0)),
    out_shape=jax.ShapeDtypeStruct((N, D), jnp.float32),
)


def _pad_heads_rows(w):
    return jnp.pad(w.reshape(HEADS, HD, D),
                   ((0, 0), (0, HP - HD), (0, 0))).reshape(DP, D)


def kernel(normed_x, idx_last, k_global, v_global, Wq, Wk, Wv, Wproj):
    x = normed_x[0]
    perm = idx_last[0, :, 0].astype(jnp.int32)
    idx3 = perm.reshape(NW, KCH, CCH)

    scale = jnp.float32(HD ** -0.5)
    wqkv = jnp.concatenate(
        [_pad_heads_rows(Wq).T * scale, _pad_heads_rows(Wk).T,
         _pad_heads_rows(Wv).T], axis=1)
    wp = _pad_heads_rows(Wproj.T)
    eye = jnp.eye(HEADS, dtype=jnp.float32)
    kgp = jnp.pad(k_global, ((0, 0), (0, 0), (0, HP - HD)))
    vgp = jnp.pad(v_global, ((0, 0), (0, 0), (0, HP - HD)))
    kg = jnp.einsum('htd,hg->hdgt', kgp, eye).reshape(DP, HEADS * NT)
    vg = jnp.einsum('htd,hg->htgd', vgp, eye).reshape(HEADS * NT, DP)
    ones_bd = jnp.kron(eye, jnp.ones((NT, HP), dtype=jnp.float32))

    sc_gather, sc_scatter = _sc_kernels()
    x_perm = sc_gather(x, idx3)
    o = _attn(x_perm, x_perm, wqkv, wp, kg, vg, ones_bd)
    y = sc_scatter(o, idx3)
    return y[None]

# --- scband reference (transcript-rebuilt; emitter-appended) ---
"""Pipeline reference for scband-tab-onnx-28424093564931 (READ-ONLY COPY).

The authoritative reference and input builder live on the scoring server;
editing this copy changes nothing except your own understanding.
"""

import jax, jax.numpy as jnp
import numpy as np

B = 1
N = 50176
DIM = 96
QK_DIM = 96
HEADS = 4
GROUP_SIZE = 128
NUM_TOKENS = 8


def manual_attention(q, k, v):
    d = q.shape[-1]
    scale = d ** (-0.5)
    scores = jnp.einsum('...id,...jd->...ij', q, k) * scale
    probs = jax.nn.softmax(scores, axis=-1)
    return jnp.einsum('...ij,...jd->...id', probs, v)


def setup_inputs(seed: int = 0):
    key = jax.random.key(seed)
    ks = jax.random.split(key, 8)
    normed_x = jax.random.normal(ks[0], (B, N, DIM), dtype=jnp.float32)
    # idx_last in the original model is a permutation produced by argsort of cluster
    # assignments; emulate with a random permutation (argsort of random values).
    perm = jnp.argsort(jax.random.uniform(ks[1], (B, N)), axis=-1)
    idx_last = perm[..., None].astype(jnp.int32)  # (B, N, 1)
    k_global = jax.random.normal(ks[2], (HEADS, NUM_TOKENS, QK_DIM // HEADS), dtype=jnp.float32)
    v_global = jax.random.normal(ks[3], (HEADS, NUM_TOKENS, DIM // HEADS), dtype=jnp.float32)
    s = 1.0 / np.sqrt(DIM)
    Wq = jax.random.normal(ks[4], (QK_DIM, DIM), dtype=jnp.float32) * s
    Wk = jax.random.normal(ks[5], (QK_DIM, DIM), dtype=jnp.float32) * s
    Wv = jax.random.normal(ks[6], (DIM, DIM), dtype=jnp.float32) * s
    Wproj = jax.random.normal(ks[7], (DIM, DIM), dtype=jnp.float32) * s
    return {'normed_x': normed_x, 'idx_last': idx_last, 'k_global': k_global,
            'v_global': v_global, 'Wq': Wq, 'Wk': Wk, 'Wv': Wv, 'Wproj': Wproj}


def reference(normed_x, idx_last, k_global, v_global, Wq, Wk, Wv, Wproj):
    x = normed_x
    B_, N_, _ = x.shape
    q = x @ Wq.T
    k = x @ Wk.T
    v = x @ Wv.T
    # gather along token dim by the cluster-sort permutation
    q = jnp.take_along_axis(q, idx_last, axis=1)
    k = jnp.take_along_axis(k, idx_last, axis=1)
    v = jnp.take_along_axis(v, idx_last, axis=1)
    gs = min(N_, GROUP_SIZE)
    ng = (N_ + gs - 1) // gs
    pad_n = ng * gs - N_
    paded_q = jnp.concatenate([q, jnp.flip(q[:, N_ - pad_n:N_, :], axis=1)], axis=1)
    paded_q = paded_q.reshape(B_, ng, gs, HEADS, -1).transpose(0, 1, 3, 2, 4)
    paded_k_raw = jnp.concatenate([k, jnp.flip(k[:, N_ - pad_n - gs:N_, :], axis=1)], axis=1)
    paded_v_raw = jnp.concatenate([v, jnp.flip(v[:, N_ - pad_n - gs:N_, :], axis=1)], axis=1)
    k_s1 = paded_k_raw[:, :ng * gs, :].reshape(B_, ng, gs, -1)
    k_s2 = paded_k_raw[:, gs:, :].reshape(B_, ng, gs, -1)
    k_windows = jnp.concatenate([k_s1, k_s2], axis=2)
    v_s1 = paded_v_raw[:, :ng * gs, :].reshape(B_, ng, gs, -1)
    v_s2 = paded_v_raw[:, gs:, :].reshape(B_, ng, gs, -1)
    v_windows = jnp.concatenate([v_s1, v_s2], axis=2)
    paded_k = k_windows.reshape(B_, ng, 2 * gs, HEADS, -1).transpose(0, 1, 3, 2, 4)
    paded_v = v_windows.reshape(B_, ng, 2 * gs, HEADS, -1).transpose(0, 1, 3, 2, 4)
    out1 = manual_attention(paded_q, paded_k, paded_v)
    kg = jnp.broadcast_to(k_global[None, None], (B_, ng) + k_global.shape)
    vg = jnp.broadcast_to(v_global[None, None], (B_, ng) + v_global.shape)
    out2 = manual_attention(paded_q, kg, vg)
    out = out1 + out2
    out = out.transpose(0, 1, 3, 2, 4).reshape(B_, ng * gs, -1)[:, :N_, :]
    # scatter back to original token order: res[b, idx[b,n], :] = out[b, n, :]
    b_idx = jnp.arange(B_)[:, None]
    out = out.at[b_idx, idx_last[:, :, 0], :].set(out)
    out = out @ Wproj.T
    return out


if False:  # reference __main__ guard neutralized (emitter)
    inp = setup_inputs()
    y = reference(**inp)
    print(y.shape, y.dtype)

if __name__ == "__main__":
    import jax
    _d = setup_inputs()
    print(jax.jit(kernel)(*tuple(_d.values())))

</pallas_src>

<mosaic_0001>
#map = affine_map<(d0, d1) -> (0, 0)>
#map1 = affine_map<(d0, d1) -> (0, 0, 0)>
module attributes {stable_mosaic.version = 14 : i64} {
  func.func @sc_gather(%arg0: i32, %arg1: i32, %arg2: memref<50176x96xf32, #tpu.memory_space<hbm>>, %arg3: memref<32x14x112xi32, #tpu.memory_space<hbm>>, %arg4: memref<50176x96xf32, #tpu.memory_space<hbm>>, %arg5: memref<14x112xi32, #tpu.memory_space<vmem>>, %arg6: memref<2x112x96xf32, #tpu.memory_space<vmem>>, %arg7: memref<!tpu.dma_semaphore, #tpu.memory_space<semaphore_mem>>, %arg8: memref<!tpu.dma_semaphore, #tpu.memory_space<semaphore_mem>>) attributes {dimension_semantics = [#tpu.dimension_semantics<core_parallel>, #tpu.dimension_semantics<subcore_parallel>], iteration_bounds = array<i64: 2, 16>, scalar_prefetch = 0 : i64, scratch_operands = 4 : i64, tpu.core_type = #tpu.core_type<sc_vector_subcore>, window_params = [{transform_indices = #map}, {transform_indices = #map1}, {transform_indices = #map}]} {
    %mul3A = arith.constant 2 : i32
    %mul3A_0 = arith.muli %arg1, %mul3A : i32
    %add3A = arith.addi %mul3A_0, %arg0 : i32
    %mul3A_1 = arith.constant 1568 : i32
    %mul3A_2 = arith.muli %add3A, %mul3A_1 : i32
    "tpu.region"() ({
      %run_scoped3A = tpu.sem_alloc : memref<!tpu.dma_semaphore, #tpu.memory_space<semaphore_mem>>
      %dma_start3A_729 = arith.constant 0 : i32
      %dma_start3A_730 = arith.constant 0 : i32
      %dma_start3A_731 = tpu.memref_slice %arg3[%add3A, %dma_start3A_729, %dma_start3A_730] : memref<32x14x112xi32, #tpu.memory_space<hbm>> -> memref<1x14x112xi32, #tpu.memory_space<hbm>>
      %dma_start3A_732 = tpu.memref_squeeze %dma_start3A_731 : memref<1x14x112xi32, #tpu.memory_space<hbm>> -> memref<14x112xi32, #tpu.memory_space<hbm>>
      %dma_start3A_733 = arith.constant 0 : i32
      %dma_start3A_734 = arith.constant 0 : i32
      %dma_start3A_735 = tpu.memref_slice %arg3[%add3A, %dma_start3A_733, %dma_start3A_734] : memref<32x14x112xi32, #tpu.memory_space<hbm>> -> memref<1x14x112xi32, #tpu.memory_space<hbm>>
      %dma_start3A_736 = tpu.memref_squeeze %dma_start3A_735 : memref<1x14x112xi32, #tpu.memory_space<hbm>> -> memref<14x112xi32, #tpu.memory_space<hbm>>
      tpu.enqueue_dma source(%dma_start3A_736 : memref<14x112xi32, #tpu.memory_space<hbm>>) target(%arg5 : memref<14x112xi32, #tpu.memory_space<vmem>>) target_semaphore(%run_scoped3A : memref<!tpu.dma_semaphore, #tpu.memory_space<semaphore_mem>>)
      %dma_wait3A_737 = arith.constant 0 : i32
      %dma_wait3A_738 = arith.constant 0 : i32
      %dma_wait3A_739 = tpu.memref_slice %arg3[%add3A, %dma_wait3A_737, %dma_wait3A_738] : memref<32x14x112xi32, #tpu.memory_space<hbm>> -> memref<1x14x112xi32, #tpu.memory_space<hbm>>
      %dma_wait3A_740 = tpu.memref_squeeze %dma_wait3A_739 : memref<1x14x112xi32, #tpu.memory_space<hbm>> -> memref<14x112xi32, #tpu.memory_space<hbm>>
      %dma_wait3A_741 = arith.constant 0 : i32
      %dma_wait3A_742 = arith.constant 0 : i32
      %dma_wait3A_743 = tpu.memref_slice %arg3[%add3A, %dma_wait3A_741, %dma_wait3A_742] : memref<32x14x112xi32, #tpu.memory_space<hbm>> -> memref<1x14x112xi32, #tpu.memory_space<hbm>>
      %dma_wait3A_744 = tpu.memref_squeeze %dma_wait3A_743 : memref<1x14x112xi32, #tpu.memory_space<hbm>> -> memref<14x112xi32, #tpu.memory_space<hbm>>
      tpu.wait_dma2 semaphore(%run_scoped3A : memref<!tpu.dma_semaphore, #tpu.memory_space<semaphore_mem>>) src(%dma_wait3A_744 : memref<14x112xi32, #tpu.memory_space<hbm>>) dst(%arg5 : memref<14x112xi32, #tpu.memory_space<vmem>>)
      tpu.yield
    }) : () -> ()
    %dma_start3A = arith.constant 0 : i32
    %dma_start3A_3 = arith.constant 0 : i32
    %dma_start3A_4 = arith.constant 0 : i32
    %dma_start3A_5 = arith.constant 0 : i32
    %dma_start3A_6 = tpu.memref_slice %arg6[%dma_start3A_3, %dma_start3A_4, %dma_start3A_5] : memref<2x112x96xf32, #tpu.memory_space<vmem>> -> memref<1x112x96xf32, #tpu.memory_space<vmem>>
    %dma_start3A_7 = tpu.memref_squeeze %dma_start3A_6 : memref<1x112x96xf32, #tpu.memory_space<vmem>> -> memref<112x96xf32, #tpu.memory_space<vmem>>
    %dma_start3A_8 = arith.constant 0 : i32
    %dma_start3A_9 = tpu.memref_slice %arg5[%dma_start3A, %dma_start3A_8] : memref<14x112xi32, #tpu.memory_space<vmem>> -> memref<1x112xi32, #tpu.memory_space<vmem>>
    %dma_start3A_10 = tpu.memref_squeeze %dma_start3A_9 : memref<1x112xi32, #tpu.memory_space<vmem>> -> memref<112xi32, #tpu.memory_space<vmem>>
    %dma_start3A_11 = arith.constant 0 : i32
    %dma_start3A_12 = arith.constant 0 : i32
    %dma_start3A_13 = tpu.memref_slice %arg2[%dma_start3A_11, %dma_start3A_12] : memref<50176x96xf32, #tpu.memory_space<hbm>> -> memref<50176x96xf32, #tpu.memory_space<hbm>>
    tpu.enqueue_indirect_dma source(%dma_start3A_13 : memref<50176x96xf32, #tpu.memory_space<hbm>>) target(%dma_start3A_7 : memref<112x96xf32, #tpu.memory_space<vmem>>) offsets(%dma_start3A_10 : memref<112xi32, #tpu.memory_space<vmem>>) semaphore(%arg7 : memref<!tpu.dma_semaphore, #tpu.memory_space<semaphore_mem>>)
    %dma_wait3A = arith.constant 0 : i32
    %dma_wait3A_14 = arith.constant 0 : i32
    %dma_wait3A_15 = arith.constant 0 : i32
    %dma_wait3A_16 = arith.constant 0 : i32
    %dma_wait3A_17 = tpu.memref_slice %arg6[%dma_wait3A_14, %dma_wait3A_15, %dma_wait3A_16] : memref<2x112x96xf32, #tpu.memory_space<vmem>> -> memref<1x112x96xf32, #tpu.memory_space<vmem>>
    %dma_wait3A_18 = tpu.memref_squeeze %dma_wait3A_17 : memref<1x112x96xf32, #tpu.memory_space<vmem>> -> memref<112x96xf32, #tpu.memory_space<vmem>>
    %dma_wait3A_19 = arith.constant 0 : i32
    %dma_wait3A_20 = tpu.memref_slice %arg5[%dma_wait3A, %dma_wait3A_19] : memref<14x112xi32, #tpu.memory_space<vmem>> -> memref<1x112xi32, #tpu.memory_space<vmem>>
    %dma_wait3A_21 = tpu.memref_squeeze %dma_wait3A_20 : memref<1x112xi32, #tpu.memory_space<vmem>> -> memref<112xi32, #tpu.memory_space<vmem>>
    %dma_wait3A_22 = arith.constant 0 : i32
    %dma_wait3A_23 = arith.constant 0 : i32
    %dma_wait3A_24 = tpu.memref_slice %arg2[%dma_wait3A_22, %dma_wait3A_23] : memref<50176x96xf32, #tpu.memory_space<hbm>> -> memref<50176x96xf32, #tpu.memory_space<hbm>>
    tpu.wait_indirect_dma semaphore(%arg7 : memref<!tpu.dma_semaphore, #tpu.memory_space<semaphore_mem>>) src(%dma_wait3A_24 : memref<50176x96xf32, #tpu.memory_space<hbm>>) dst(%dma_wait3A_18 : memref<112x96xf32, #tpu.memory_space<vmem>>)
    %dma_start3A_25 = arith.constant 1 : i32
    %dma_start3A_26 = arith.constant 1 : i32
    %dma_start3A_27 = arith.constant 0 : i32
    %dma_start3A_28 = arith.constant 0 : i32
    %dma_start3A_29 = tpu.memref_slice %arg6[%dma_start3A_26, %dma_start3A_27, %dma_start3A_28] : memref<2x112x96xf32, #tpu.memory_space<vmem>> -> memref<1x112x96xf32, #tpu.memory_space<vmem>>
    %dma_start3A_30 = tpu.memref_squeeze %dma_start3A_29 : memref<1x112x96xf32, #tpu.memory_space<vmem>> -> memref<112x96xf32, #tpu.memory_space<vmem>>
    %dma_start3A_31 = arith.constant 0 : i32
    %dma_start3A_32 = tpu.memref_slice %arg5[%dma_start3A_25, %dma_start3A_31] : memref<14x112xi32, #tpu.memory_space<vmem>> -> memref<1x112xi32, #tpu.memory_space<vmem>>
    %dma_start3A_33 = tpu.memref_squeeze %dma_start3A_32 : memref<1x112xi32, #tpu.memory_space<vmem>> -> memref<112xi32, #tpu.memory_space<vmem>>
    %dma_start3A_34 = arith.constant 0 : i32
    %dma_start3A_35 = arith.constant 0 : i32
    %dma_start3A_36 = tpu.memref_slice %arg2[%dma_start3A_34, %dma_start3A_35] : memref<50176x96xf32, #tpu.memory_space<hbm>> -> memref<50176x96xf32, #tpu.memory_space<hbm>>
    tpu.enqueue_indirect_dma source(%dma_start3A_36 : memref<50176x96xf32, #tpu.memory_space<hbm>>) target(%dma_start3A_30 : memref<112x96xf32, #tpu.memory_space<vmem>>) offsets(%dma_start3A_33 : memref<112xi32, #tpu.memory_space<vmem>>) semaphore(%arg7 : memref<!tpu.dma_semaphore, #tpu.memory_space<semaphore_mem>>)
    %add3A_37 = arith.constant 0 : i32
    %add3A_38 = arith.addi %mul3A_2, %add3A_37 : i32
    %dma_start3A_39 = arith.constant 0 : i32
    %dma_start3A_40 = arith.constant 0 : i32
    %dma_start3A_41 = arith.constant 0 : i32
    %dma_start3A_42 = tpu.memref_slice %arg6[%dma_start3A_39, %dma_start3A_40, %dma_start3A_41] : memref<2x112x96xf32, #tpu.memory_space<vmem>> -> memref<1x112x96xf32, #tpu.memory_space<vmem>>
    %dma_start3A_43 = tpu.memref_squeeze %dma_start3A_42 : memref<1x112x96xf32, #tpu.memory_space<vmem>> -> memref<112x96xf32, #tpu.memory_space<vmem>>
    %dma_start3A_44 = arith.constant 0 : i32
    %dma_start3A_45 = tpu.memref_slice %arg4[%add3A_38, %dma_start3A_44] : memref<50176x96xf32, #tpu.memory_space<hbm>> -> memref<112x96xf32, #tpu.memory_space<hbm>>
    %dma_start3A_46 = arith.constant 0 : i32
    %dma_start3A_47 = tpu.memref_slice %arg4[%add3A_38, %dma_start3A_46] : memref<50176x96xf32, #tpu.memory_space<hbm>> -> memref<112x96xf32, #tpu.memory_space<hbm>>
    %dma_start3A_48 = arith.constant 0 : i32
    %dma_start3A_49 = arith.constant 0 : i32
    %dma_start3A_50 = tpu.memref_slice %arg6[%dma_start3A_39, %dma_start3A_48, %dma_start3A_49] : memref<2x112x96xf32, #tpu.memory_space<vmem>> -> memref<1x112x96xf32, #tpu.memory_space<vmem>>
    %dma_start3A_51 = tpu.memref_squeeze %dma_start3A_50 : memref<1x112x96xf32, #tpu.memory_space<vmem>> -> memref<112x96xf32, #tpu.memory_space<vmem>>
    tpu.enqueue_dma source(%dma_start3A_51 : memref<112x96xf32, #tpu.memory_space<vmem>>) target(%dma_start3A_47 : memref<112x96xf32, #tpu.memory_space<hbm>>) target_semaphore(%arg8 : memref<!tpu.dma_semaphore, #tpu.memory_space<semaphore_mem>>)
    %dma_wait3A_52 = arith.constant 1 : i32
    %dma_wait3A_53 = arith.constant 1 : i32
    %dma_wait3A_54 = arith.constant 0 : i32
    %dma_wait3A_55 = arith.constant 0 : i32
    %dma_wait3A_56 = tpu.memref_slice %arg6[%dma_wait3A_53, %dma_wait3A_54, %dma_wait3A_55] : memref<2x112x96xf32, #tpu.memory_space<vmem>> -> memref<1x112x96xf32, #tpu.memory_space<vmem>>
    %dma_wait3A_57 = tpu.memref_squeeze %dma_wait3A_56 : memref<1x112x96xf32, #tpu.memory_space<vmem>> -> memref<112x96xf32, #tpu.memory_space<vmem>>
    %dma_wait3A_58 = arith.constant 0 : i32
    %dma_wait3A_59 = tpu.memref_slice %arg5[%dma_wait3A_52, %dma_wait3A_58] : memref<14x112xi32, #tpu.memory_space<vmem>> -> memref<1x112xi32, #tpu.memory_space<vmem>>
    %dma_wait3A_60 = tpu.memref_squeeze %dma_wait3A_59 : memref<1x112xi32, #tpu.memory_space<vmem>> -> memref<112xi32, #tpu.memory_space<vmem>>
    %dma_wait3A_61 = arith.constant 0 : i32
    %dma_wait3A_62 = arith.constant 0 : i32
    %dma_wait3A_63 = tpu.memref_slice %arg2[%dma_wait3A_61, %dma_wait3A_62] : memref<50176x96xf32, #tpu.memory_space<hbm>> -> memref<50176x96xf32, #tpu.memory_space<hbm>>
    tpu.wait_indirect_dma semaphore(%arg7 : memref<!tpu.dma_semaphore, #tpu.memory_space<semaphore_mem>>) src(%dma_wait3A_63 : memref<50176x96xf32, #tpu.memory_space<hbm>>) dst(%dma_wait3A_57 : memref<112x96xf32, #tpu.memory_space<vmem>>)
    %dma_wait3A_64 = arith.constant 0 : i32
    %dma_wait3A_65 = arith.constant 0 : i32
    %dma_wait3A_66 = arith.constant 0 : i32
    %dma_wait3A_67 = tpu.memref_slice %arg6[%dma_wait3A_64, %dma_wait3A_65, %dma_wait3A_66] : memref<2x112x96xf32, #tpu.memory_space<vmem>> -> memref<1x112x96xf32, #tpu.memory_space<vmem>>
    %dma_wait3A_68 = tpu.memref_squeeze %dma_wait3A_67 : memref<1x112x96xf32, #tpu.memory_space<vmem>> -> memref<112x96xf32, #tpu.memory_space<vmem>>
    %dma_wait3A_69 = arith.constant 0 : i32
    %dma_wait3A_70 = tpu.memref_slice %arg4[%add3A_38, %dma_wait3A_69] : memref<50176x96xf32, #tpu.memory_space<hbm>> -> memref<112x96xf32, #tpu.memory_space<hbm>>
    %dma_wait3A_71 = arith.constant 0 : i32
    %dma_wait3A_72 = tpu.memref_slice %arg4[%add3A_38, %dma_wait3A_71] : memref<50176x96xf32, #tpu.memory_space<hbm>> -> memref<112x96xf32, #tpu.memory_space<hbm>>
    %dma_wait3A_73 = arith.constant 0 : i32
    %dma_wait3A_74 = arith.constant 0 : i32
    %dma_wait3A_75 = tpu.memref_slice %arg6[%dma_wait3A_64, %dma_wait3A_73, %dma_wait3A_74] : memref<2x112x96xf32, #tpu.memory_space<vmem>> -> memref<1x112x96xf32, #tpu.memory_space<vmem>>
    %dma_wait3A_76 = tpu.memref_squeeze %dma_wait3A_75 : memref<1x112x96xf32, #tpu.memory_space<vmem>> -> memref<112x96xf32, #tpu.memory_space<vmem>>
    tpu.wait_dma2 semaphore(%arg8 : memref<!tpu.dma_semaphore, #tpu.memory_space<semaphore_mem>>) src(%dma_wait3A_76 : memref<112x96xf32, #tpu.memory_space<vmem>>) dst(%dma_wait3A_72 : memref<112x96xf32, #tpu.memory_space<hbm>>)
    %dma_start3A_77 = arith.constant 2 : i32
    %dma_start3A_78 = arith.constant 0 : i32
    %dma_start3A_79 = arith.constant 0 : i32
    %dma_start3A_80 = arith.constant 0 : i32
    %dma_start3A_81 = tpu.memref_slice %arg6[%dma_start3A_78, %dma_start3A_79, %dma_start3A_80] : memref<2x112x96xf32, #tpu.memory_space<vmem>> -> memref<1x112x96xf32, #tpu.memory_space<vmem>>
    %dma_start3A_82 = tpu.memref_squeeze %dma_start3A_81 : memref<1x112x96xf32, #tpu.memory_space<vmem>> -> memref<112x96xf32, #tpu.memory_space<vmem>>
    %dma_start3A_83 = arith.constant 0 : i32
    %dma_start3A_84 = tpu.memref_slice %arg5[%dma_start3A_77, %dma_start3A_83] : memref<14x112xi32, #tpu.memory_space<vmem>> -> memref<1x112xi32, #tpu.memory_space<vmem>>
    %dma_start3A_85 = tpu.memref_squeeze %dma_start3A_84 : memref<1x112xi32, #tpu.memory_space<vmem>> -> memref<112xi32, #tpu.memory_space<vmem>>
    %dma_start3A_86 = arith.constant 0 : i32
    %dma_start3A_87 = arith.constant 0 : i32
    %dma_start3A_88 = tpu.memref_slice %arg2[%dma_start3A_86, %dma_start3A_87] : memref<50176x96xf32, #tpu.memory_space<hbm>> -> memref<50176x96xf32, #tpu.memory_space<hbm>>
    tpu.enqueue_indirect_dma source(%dma_start3A_88 : memref<50176x96xf32, #tpu.memory_space<hbm>>) target(%dma_start3A_82 : memref<112x96xf32, #tpu.memory_space<vmem>>) offsets(%dma_start3A_85 : memref<112xi32, #tpu.memory_space<vmem>>) semaphore(%arg7 : memref<!tpu.dma_semaphore, #tpu.memory_space<semaphore_mem>>)
    %add3A_89 = arith.constant 112 : i32
    %add3A_90 = arith.addi %mul3A_2, %add3A_89 : i32
    %dma_start3A_91 = arith.constant 1 : i32
    %dma_start3A_92 = arith.constant 0 : i32
    %dma_start3A_93 = arith.constant 0 : i32
    %dma_start3A_94 = tpu.memref_slice %arg6[%dma_start3A_91, %dma_start3A_92, %dma_start3A_93] : memref<2x112x96xf32, #tpu.memory_space<vmem>> -> memref<1x112x96xf32, #tpu.memory_space<vmem>>
    %dma_start3A_95 = tpu.memref_squeeze %dma_start3A_94 : memref<1x112x96xf32, #tpu.memory_space<vmem>> -> memref<112x96xf32, #tpu.memory_space<vmem>>
    %dma_start3A_96 = arith.constant 0 : i32
    %dma_start3A_97 = tpu.memref_slice %arg4[%add3A_90, %dma_start3A_96] : memref<50176x96xf32, #tpu.memory_space<hbm>> -> memref<112x96xf32, #tpu.memory_space<hbm>>
    %dma_start3A_98 = arith.constant 0 : i32
    %dma_start3A_99 = tpu.memref_slice %arg4[%add3A_90, %dma_start3A_98] : memref<50176x96xf32, #tpu.memory_space<hbm>> -> memref<112x96xf32, #tpu.memory_space<hbm>>
    %dma_start3A_100 = arith.constant 0 : i32
    %dma_start3A_101 = arith.constant 0 : i32
    %dma_start3A_102 = tpu.memref_slice %arg6[%dma_start3A_91, %dma_start3A_100, %dma_start3A_101] : memref<2x112x96xf32, #tpu.memory_space<vmem>> -> memref<1x112x96xf32, #tpu.memory_space<vmem>>
    %dma_start3A_103 = tpu.memref_squeeze %dma_start3A_102 : memref<1x112x96xf32, #tpu.memory_space<vmem>> -> memref<112x96xf32, #tpu.memory_space<vmem>>
    tpu.enqueue_dma source(%dma_start3A_103 : memref<112x96xf32, #tpu.memory_space<vmem>>) target(%dma_start3A_99 : memref<112x96xf32, #tpu.memory_space<hbm>>) target_semaphore(%arg8 : memref<!tpu.dma_semaphore, #tpu.memory_space<semaphore_mem>>)
    %dma_wait3A_104 = arith.constant 2 : i32
    %dma_wait3A_105 = arith.constant 0 : i32
    %dma_wait3A_106 = arith.constant 0 : i32
    %dma_wait3A_107 = arith.constant 0 : i32
    %dma_wait3A_108 = tpu.memref_slice %arg6[%dma_wait3A_105, %dma_wait3A_106, %dma_wait3A_107] : memref<2x112x96xf32, #tpu.memory_space<vmem>> -> memref<1x112x96xf32, #tpu.memory_space<vmem>>
    %dma_wait3A_109 = tpu.memref_squeeze %dma_wait3A_108 : memref<1x112x96xf32, #tpu.memory_space<vmem>> -> memref<112x96xf32, #tpu.memory_space<vmem>>
    %dma_wait3A_110 = arith.constant 0 : i32
    %dma_wait3A_111 = tpu.memref_slice %arg5[%dma_wait3A_104, %dma_wait3A_110] : memref<14x112xi32, #tpu.memory_space<vmem>> -> memref<1x112xi32, #tpu.memory_space<vmem>>
    %dma_wait3A_112 = tpu.memref_squeeze %dma_wait3A_111 : memref<1x112xi32, #tpu.memory_space<vmem>> -> memref<112xi32, #tpu.memory_space<vmem>>
    %dma_wait3A_113 = arith.constant 0 : i32
    %dma_wait3A_114 = arith.constant 0 : i32
    %dma_wait3A_115 = tpu.memref_slice %arg2[%dma_wait3A_113, %dma_wait3A_114] : memref<50176x96xf32, #tpu.memory_space<hbm>> -> memref<50176x96xf32, #tpu.memory_space<hbm>>
    tpu.wait_indirect_dma semaphore(%arg7 : memref<!tpu.dma_semaphore, #tpu.memory_space<semaphore_mem>>) src(%dma_wait3A_115 : memref<50176x96xf32, #tpu.memory_space<hbm>>) dst(%dma_wait3A_109 : memref<112x96xf32, #tpu.memory_space<vmem>>)
    %dma_wait3A_116 = arith.constant 1 : i32
    %dma_wait3A_117 = arith.constant 0 : i32
    %dma_wait3A_118 = arith.constant 0 : i32
    %dma_wait3A_119 = tpu.memref_slice %arg6[%dma_wait3A_116, %dma_wait3A_117, %dma_wait3A_118] : memref<2x112x96xf32, #tpu.memory_space<vmem>> -> memref<1x112x96xf32, #tpu.memory_space<vmem>>
    %dma_wait3A_120 = tpu.memref_squeeze %dma_wait3A_119 : memref<1x112x96xf32, #tpu.memory_space<vmem>> -> memref<112x96xf32, #tpu.memory_space<vmem>>
    %dma_wait3A_121 = arith.constant 0 : i32
    %dma_wait3A_122 = tpu.memref_slice %arg4[%add3A_90, %dma_wait3A_121] : memref<50176x96xf32, #tpu.memory_space<hbm>> -> memref<112x96xf32, #tpu.memory_space<hbm>>
    %dma_wait3A_123 = arith.constant 0 : i32
    %dma_wait3A_124 = tpu.memref_slice %arg4[%add3A_90, %dma_wait3A_123] : memref<50176x96xf32, #tpu.memory_space<hbm>> -> memref<112x96xf32, #tpu.memory_space<hbm>>
    %dma_wait3A_125 = arith.constant 0 : i32
    %dma_wait3A_126 = arith.constant 0 : i32
    %dma_wait3A_127 = tpu.memref_slice %arg6[%dma_wait3A_116, %dma_wait3A_125, %dma_wait3A_126] : memref<2x112x96xf32, #tpu.memory_space<vmem>> -> memref<1x112x96xf32, #tpu.memory_space<vmem>>
    %dma_wait3A_128 = tpu.memref_squeeze %dma_wait3A_127 : memref<1x112x96xf32, #tpu.memory_space<vmem>> -> memref<112x96xf32, #tpu.memory_space<vmem>>
    tpu.wait_dma2 semaphore(%arg8 : memref<!tpu.dma_semaphore, #tpu.memory_space<semaphore_mem>>) src(%dma_wait3A_128 : memref<112x96xf32, #tpu.memory_space<vmem>>) dst(%dma_wait3A_124 : memref<112x96xf32, #tpu.memory_space<hbm>>)
    %dma_start3A_129 = arith.constant 3 : i32
    %dma_start3A_130 = arith.constant 1 : i32
    %dma_start3A_131 = arith.constant 0 : i32
    %dma_start3A_132 = arith.constant 0 : i32
    %dma_start3A_133 = tpu.memref_slice %arg6[%dma_start3A_130, %dma_start3A_131, %dma_start3A_132] : memref<2x112x96xf32, #tpu.memory_space<vmem>> -> memref<1x112x96xf32, #tpu.memory_space<vmem>>
    %dma_start3A_134 = tpu.memref_squeeze %dma_start3A_133 : memref<1x112x96xf32, #tpu.memory_space<vmem>> -> memref<112x96xf32, #tpu.memory_space<vmem>>
    %dma_start3A_135 = arith.constant 0 : i32
    %dma_start3A_136 = tpu.memref_slice %arg5[%dma_start3A_129, %dma_start3A_135] : memref<14x112xi32, #tpu.memory_space<vmem>> -> memref<1x112xi32, #tpu.memory_space<vmem>>
    %dma_start3A_137 = tpu.memref_squeeze %dma_start3A_136 : memref<1x112xi32, #tpu.memory_space<vmem>> -> memref<112xi32, #tpu.memory_space<vmem>>
    %dma_start3A_138 = arith.constant 0 : i32
    %dma_start3A_139 = arith.constant 0 : i32
    %dma_start3A_140 = tpu.memref_slice %arg2[%dma_start3A_138, %dma_start3A_139] : memref<50176x96xf32, #tpu.memory_space<hbm>> -> memref<50176x96xf32, #tpu.memory_space<hbm>>
    tpu.enqueue_indirect_dma source(%dma_start3A_140 : memref<50176x96xf32, #tpu.memory_space<hbm>>) target(%dma_start3A_134 : memref<112x96xf32, #tpu.memory_space<vmem>>) offsets(%dma_start3A_137 : memref<112xi32, #tpu.memory_space<vmem>>) semaphore(%arg7 : memref<!tpu.dma_semaphore, #tpu.memory_space<semaphore_mem>>)
    %add3A_141 = arith.constant 224 : i32
    %add3A_142 = arith.addi %mul3A_2, %add3A_141 : i32
    %dma_start3A_143 = arith.constant 0 : i32
    %dma_start3A_144 = arith.constant 0 : i32
    %dma_start3A_145 = arith.constant 0 : i32
    %dma_start3A_146 = tpu.memref_slice %arg6[%dma_start3A_143, %dma_start3A_144, %dma_start3A_145] : memref<2x112x96xf32, #tpu.memory_space<vmem>> -> memref<1x112x96xf32, #tpu.memory_space<vmem>>
    %dma_start3A_147 = tpu.memref_squeeze %dma_start3A_146 : memref<1x112x96xf32, #tpu.memory_space<vmem>> -> memref<112x96xf32, #tpu.memory_space<vmem>>
    %dma_start3A_148 = arith.constant 0 : i32
    %dma_start3A_149 = tpu.memref_slice %arg4[%add3A_142, %dma_start3A_148] : memref<50176x96xf32, #tpu.memory_space<hbm>> -> memref<112x96xf32, #tpu.memory_space<hbm>>
    %dma_start3A_150 = arith.constant 0 : i32
    %dma_start3A_151 = tpu.memref_slice %arg4[%add3A_142, %dma_start3A_150] : memref<50176x96xf32, #tpu.memory_space<hbm>> -> memref<112x96xf32, #tpu.memory_space<hbm>>
    %dma_start3A_152 = arith.constant 0 : i32
    %dma_start3A_153 = arith.constant 0 : i32
    %dma_start3A_154 = tpu.memref_slice %arg6[%dma_start3A_143, %dma_start3A_152, %dma_start3A_153] : memref<2x112x96xf32, #tpu.memory_space<vmem>> -> memref<1x112x96xf32, #tpu.memory_space<vmem>>
    %dma_start3A_155 = tpu.memref_squeeze %dma_start3A_154 : memref<1x112x96xf32, #tpu.memory_space<vmem>> -> memref<112x96xf32, #tpu.memory_space<vmem>>
    tpu.enqueue_dma source(%dma_start3A_155 : memref<112x96xf32, #tpu.memory_space<vmem>>) target(%dma_start3A_151 : memref<112x96xf32, #tpu.memory_space<hbm>>) target_semaphore(%arg8 : memref<!tpu.dma_semaphore, #tpu.memory_space<semaphore_mem>>)
    %dma_wait3A_156 = arith.constant 3 : i32
    %dma_wait3A_157 = arith.constant 1 : i32
    %dma_wait3A_158 = arith.constant 0 : i32
    %dma_wait3A_159 = arith.constant 0 : i32
    %dma_wait3A_160 = tpu.memref_slice %arg6[%dma_wait3A_157, %dma_wait3A_158, %dma_wait3A_159] : memref<2x112x96xf32, #tpu.memory_space<vmem>> -> memref<1x112x96xf32, #tpu.memory_space<vmem>>
    %dma_wait3A_161 = tpu.memref_squeeze %dma_wait3A_160 : memref<1x112x96xf32, #tpu.memory_space<vmem>> -> memref<112x96xf32, #tpu.memory_space<vmem>>
    %dma_wait3A_162 = arith.constant 0 : i32
    %dma_wait3A_163 = tpu.memref_slice %arg5[%dma_wait3A_156, %dma_wait3A_162] : memref<14x112xi32, #tpu.memory_space<vmem>> -> memref<1x112xi32, #tpu.memory_space<vmem>>
    %dma_wait3A_164 = tpu.memref_squeeze %dma_wait3A_163 : memref<1x112xi32, #tpu.memory_space<vmem>> -> memref<112xi32, #tpu.memory_space<vmem>>
    %dma_wait3A_165 = arith.constant 0 : i32
    %dma_wait3A_166 = arith.constant 0 : i32
    %dma_wait3A_167 = tpu.memref_slice %arg2[%dma_wait3A_165, %dma_wait3A_166] : memref<50176x96xf32, #tpu.memory_space<hbm>> -> memref<50176x96xf32, #tpu.memory_space<hbm>>
    tpu.wait_indirect_dma semaphore(%arg7 : memref<!tpu.dma_semaphore, #tpu.memory_space<semaphore_mem>>) src(%dma_wait3A_167 : memref<50176x96xf32, #tpu.memory_space<hbm>>) dst(%dma_wait3A_161 : memref<112x96xf32, #tpu.memory_space<vmem>>)
    %dma_wait3A_168 = arith.constant 0 : i32
    %dma_wait3A_169 = arith.constant 0 : i32
    %dma_wait3A_170 = arith.constant 0 : i32
    %dma_wait3A_171 = tpu.memref_slice %arg6[%dma_wait3A_168, %dma_wait3A_169, %dma_wait3A_170] : memref<2x112x96xf32, #tpu.memory_space<vmem>> -> memref<1x112x96xf32, #tpu.memory_space<vmem>>
    %dma_wait3A_172 = tpu.memref_squeeze %dma_wait3A_171 : memref<1x112x96xf32, #tpu.memory_space<vmem>> -> memref<112x96xf32, #tpu.memory_space<vmem>>
    %dma_wait3A_173 = arith.constant 0 : i32
    %dma_wait3A_174 = tpu.memref_slice %arg4[%add3A_142, %dma_wait3A_173] : memref<50176x96xf32, #tpu.memory_space<hbm>> -> memref<112x96xf32, #tpu.memory_space<hbm>>
    %dma_wait3A_175 = arith.constant 0 : i32
    %dma_wait3A_176 = tpu.memref_slice %arg4[%add3A_142, %dma_wait3A_175] : memref<50176x96xf32, #tpu.memory_space<hbm>> -> memref<112x96xf32, #tpu.memory_space<hbm>>
    %dma_wait3A_177 = arith.constant 0 : i32
    %dma_wait3A_178 = arith.constant 0 : i32
    %dma_wait3A_179 = tpu.memref_slice %arg6[%dma_wait3A_168, %dma_wait3A_177, %dma_wait3A_178] : memref<2x112x96xf32, #tpu.memory_space<vmem>> -> memref<1x112x96xf32, #tpu.memory_space<vmem>>
    %dma_wait3A_180 = tpu.memref_squeeze %dma_wait3A_179 : memref<1x112x96xf32, #tpu.memory_space<vmem>> -> memref<112x96xf32, #tpu.memory_space<vmem>>
    tpu.wait_dma2 semaphore(%arg8 : memref<!tpu.dma_semaphore, #tpu.memory_space<semaphore_mem>>) src(%dma_wait3A_180 : memref<112x96xf32, #tpu.memory_space<vmem>>) dst(%dma_wait3A_176 : memref<112x96xf32, #tpu.memory_space<hbm>>)
    %dma_start3A_181 = arith.constant 4 : i32
    %dma_start3A_182 = arith.constant 0 : i32
    %dma_start3A_183 = arith.constant 0 : i32
    %dma_start3A_184 = arith.constant 0 : i32
    %dma_start3A_185 = tpu.memref_slice %arg6[%dma_start3A_182, %dma_start3A_183, %dma_start3A_184] : memref<2x112x96xf32, #tpu.memory_space<vmem>> -> memref<1x112x96xf32, #tpu.memory_space<vmem>>
    %dma_start3A_186 = tpu.memref_squeeze %dma_start3A_185 : memref<1x112x96xf32, #tpu.memory_space<vmem>> -> memref<112x96xf32, #tpu.memory_space<vmem>>
    %dma_start3A_187 = arith.constant 0 : i32
    %dma_start3A_188 = tpu.memref_slice %arg5[%dma_start3A_181, %dma_start3A_187] : memref<14x112xi32, #tpu.memory_space<vmem>> -> memref<1x112xi32, #tpu.memory_space<vmem>>
    %dma_start3A_189 = tpu.memref_squeeze %dma_start3A_188 : memref<1x112xi32, #tpu.memory_space<vmem>> -> memref<112xi32, #tpu.memory_space<vmem>>
    %dma_start3A_190 = arith.constant 0 : i32
    %dma_start3A_191 = arith.constant 0 : i32
    %dma_start3A_192 = tpu.memref_slice %arg2[%dma_start3A_190, %dma_start3A_191] : memref<50176x96xf32, #tpu.memory_space<hbm>> -> memref<50176x96xf32, #tpu.memory_space<hbm>>
    tpu.enqueue_indirect_dma source(%dma_start3A_192 : memref<50176x96xf32, #tpu.memory_space<hbm>>) target(%dma_start3A_186 : memref<112x96xf32, #tpu.memory_space<vmem>>) offsets(%dma_start3A_189 : memref<112xi32, #tpu.memory_space<vmem>>) semaphore(%arg7 : memref<!tpu.dma_semaphore, #tpu.memory_space<semaphore_mem>>)
    %add3A_193 = arith.constant 336 : i32
    %add3A_194 = arith.addi %mul3A_2, %add3A_193 : i32
    %dma_start3A_195 = arith.constant 1 : i32
    %dma_start3A_196 = arith.constant 0 : i32
    %dma_start3A_197 = arith.constant 0 : i32
    %dma_start3A_198 = tpu.memref_slice %arg6[%dma_start3A_195, %dma_start3A_196, %dma_start3A_197] : memref<2x112x96xf32, #tpu.memory_space<vmem>> -> memref<1x112x96xf32, #tpu.memory_space<vmem>>
    %dma_start3A_199 = tpu.memref_squeeze %dma_start3A_198 : memref<1x112x96xf32, #tpu.memory_space<vmem>> -> memref<112x96xf32, #tpu.memory_space<vmem>>
    %dma_start3A_200 = arith.constant 0 : i32
    %dma_start3A_201 = tpu.memref_slice %arg4[%add3A_194, %dma_start3A_200] : memref<50176x96xf32, #tpu.memory_space<hbm>> -> memref<112x96xf32, #tpu.memory_space<hbm>>
    %dma_start3A_202 = arith.constant 0 : i32
    %dma_start3A_203 = tpu.memref_slice %arg4[%add3A_194, %dma_start3A_202] : memref<50176x96xf32, #tpu.memory_space<hbm>> -> memref<112x96xf32, #tpu.memory_space<hbm>>
    %dma_start3A_204 = arith.constant 0 : i32
    %dma_start3A_205 = arith.constant 0 : i32
    %dma_start3A_206 = tpu.memref_slice %arg6[%dma_start3A_195, %dma_start3A_204, %dma_start3A_205] : memref<2x112x96xf32, #tpu.memory_space<vmem>> -> memref<1x112x96xf32, #tpu.memory_space<vmem>>
    %dma_start3A_207 = tpu.memref_squeeze %dma_start3A_206 : memref<1x112x96xf32, #tpu.memory_space<vmem>> -> memref<112x96xf32, #tpu.memory_space<vmem>>
    tpu.enqueue_dma source(%dma_start3A_207 : memref<112x96xf32, #tpu.memory_space<vmem>>) target(%dma_start3A_203 : memref<112x96xf32, #tpu.memory_space<hbm>>) target_semaphore(%arg8 : memref<!tpu.dma_semaphore, #tpu.memory_space<semaphore_mem>>)
    %dma_wait3A_208 = arith.constant 4 : i32
    %dma_wait3A_209 = arith.constant 0 : i32
    %dma_wait3A_210 = arith.constant 0 : i32
    %dma_wait3A_211 = arith.constant 0 : i32
    %dma_wait3A_212 = tpu.memref_slice %arg6[%dma_wait3A_209, %dma_wait3A_210, %dma_wait3A_211] : memref<2x112x96xf32, #tpu.memory_space<vmem>> -> memref<1x112x96xf32, #tpu.memory_space<vmem>>
    %dma_wait3A_213 = tpu.memref_squeeze %dma_wait3A_212 : memref<1x112x96xf32, #tpu.memory_space<vmem>> -> memref<112x96xf32, #tpu.memory_space<vmem>>
    %dma_wait3A_214 = arith.constant 0 : i32
    %dma_wait3A_215 = tpu.memref_slice %arg5[%dma_wait3A_208, %dma_wait3A_214] : memref<14x112xi32, #tpu.memory_space<vmem>> -> memref<1x112xi32, #tpu.memory_space<vmem>>
    %dma_wait3A_216 = tpu.memref_squeeze %dma_wait3A_215 : memref<1x112xi32, #tpu.memory_space<vmem>> -> memref<112xi32, #tpu.memory_space<vmem>>
    %dma_wait3A_217 = arith.constant 0 : i32
    %dma_wait3A_218 = arith.constant 0 : i32
    %dma_wait3A_219 = tpu.memref_slice %arg2[%dma_wait3A_217, %dma_wait3A_218] : memref<50176x96xf32, #tpu.memory_space<hbm>> -> memref<50176x96xf32, #tpu.memory_space<hbm>>
    tpu.wait_indirect_dma semaphore(%arg7 : memref<!tpu.dma_semaphore, #tpu.memory_space<semaphore_mem>>) src(%dma_wait3A_219 : memref<50176x96xf32, #tpu.memory_space<hbm>>) dst(%dma_wait3A_213 : memref<112x96xf32, #tpu.memory_space<vmem>>)
    %dma_wait3A_220 = arith.constant 1 : i32
    %dma_wait3A_221 = arith.constant 0 : i32
    %dma_wait3A_222 = arith.constant 0 : i32
    %dma_wait3A_223 = tpu.memref_slice %arg6[%dma_wait3A_220, %dma_wait3A_221, %dma_wait3A_222] : memref<2x112x96xf32, #tpu.memory_space<vmem>> -> memref<1x112x96xf32, #tpu.memory_space<vmem>>
    %dma_wait3A_224 = tpu.memref_squeeze %dma_wait3A_223 : memref<1x112x96xf32, #tpu.memory_space<vmem>> -> memref<112x96xf32, #tpu.memory_space<vmem>>
    %dma_wait3A_225 = arith.constant 0 : i32
    %dma_wait3A_226 = tpu.memref_slice %arg4[%add3A_194, %dma_wait3A_225] : memref<50176x96xf32, #tpu.memory_space<hbm>> -> memref<112x96xf32, #tpu.memory_space<hbm>>
    %dma_wait3A_227 = arith.constant 0 : i32
    %dma_wait3A_228 = tpu.memref_slice %arg4[%add3A_194, %dma_wait3A_227] : memref<50176x96xf32, #tpu.memory_space<hbm>> -> memref<112x96xf32, #tpu.memory_space<hbm>>
    %dma_wait3A_229 = arith.constant 0 : i32
    %dma_wait3A_230 = arith.constant 0 : i32
    %dma_wait3A_231 = tpu.memref_slice %arg6[%dma_wait3A_220, %dma_wait3A_229, %dma_wait3A_230] : memref<2x112x96xf32, #tpu.memory_space<vmem>> -> memref<1x112x96xf32, #tpu.memory_space<vmem>>
    %dma_wait3A_232 = tpu.memref_squeeze %dma_wait3A_231 : memref<1x112x96xf32, #tpu.memory_space<vmem>> -> memref<112x96xf32, #tpu.memory_space<vmem>>
    tpu.wait_dma2 semaphore(%arg8 : memref<!tpu.dma_semaphore, #tpu.memory_space<semaphore_mem>>) src(%dma_wait3A_232 : memref<112x96xf32, #tpu.memory_space<vmem>>) dst(%dma_wait3A_228 : memref<112x96xf32, #tpu.memory_space<hbm>>)
    %dma_start3A_233 = arith.constant 5 : i32
    %dma_start3A_234 = arith.constant 1 : i32
    %dma_start3A_235 = arith.constant 0 : i32
    %dma_start3A_236 = arith.constant 0 : i32
    %dma_start3A_237 = tpu.memref_slice %arg6[%dma_start3A_234, %dma_start3A_235, %dma_start3A_236] : memref<2x112x96xf32, #tpu.memory_space<vmem>> -> memref<1x112x96xf32, #tpu.memory_space<vmem>>
    %dma_start3A_238 = tpu.memref_squeeze %dma_start3A_237 : memref<1x112x96xf32, #tpu.memory_space<vmem>> -> memref<112x96xf32, #tpu.memory_space<vmem>>
    %dma_start3A_239 = arith.constant 0 : i32
    %dma_start3A_240 = tpu.memref_slice %arg5[%dma_start3A_233, %dma_start3A_239] : memref<14x112xi32, #tpu.memory_space<vmem>> -> memref<1x112xi32, #tpu.memory_space<vmem>>
    %dma_start3A_241 = tpu.memref_squeeze %dma_start3A_240 : memref<1x112xi32, #tpu.memory_space<vmem>> -> memref<112xi32, #tpu.memory_space<vmem>>
    %dma_start3A_242 = arith.constant 0 : i32
    %dma_start3A_243 = arith.constant 0 : i32
    %dma_start3A_244 = tpu.memref_slice %arg2[%dma_start3A_242, %dma_start3A_243] : memref<50176x96xf32, #tpu.memory_space<hbm>> -> memref<50176x96xf32, #tpu.memory_space<hbm>>
    tpu.enqueue_indirect_dma source(%dma_start3A_244 : memref<50176x96xf32, #tpu.memory_space<hbm>>) target(%dma_start3A_238 : memref<112x96xf32, #tpu.memory_space<vmem>>) offsets(%dma_start3A_241 : memref<112xi32, #tpu.memory_space<vmem>>) semaphore(%arg7 : memref<!tpu.dma_semaphore, #tpu.memory_space<semaphore_mem>>)
    %add3A_245 = arith.constant 448 : i32
    %add3A_246 = arith.addi %mul3A_2, %add3A_245 : i32
    %dma_start3A_247 = arith.constant 0 : i32
    %dma_start3A_248 = arith.constant 0 : i32
    %dma_start3A_249 = arith.constant 0 : i32
    %dma_start3A_250 = tpu.memref_slice %arg6[%dma_start3A_247, %dma_start3A_248, %dma_start3A_249] : memref<2x112x96xf32, #tpu.memory_space<vmem>> -> memref<1x112x96xf32, #tpu.memory_space<vmem>>
    %dma_start3A_251 = tpu.memref_squeeze %dma_start3A_250 : memref<1x112x96xf32, #tpu.memory_space<vmem>> -> memref<112x96xf32, #tpu.memory_space<vmem>>
    %dma_start3A_252 = arith.constant 0 : i32
    %dma_start3A_253 = tpu.memref_slice %arg4[%add3A_246, %dma_start3A_252] : memref<50176x96xf32, #tpu.memory_space<hbm>> -> memref<112x96xf32, #tpu.memory_space<hbm>>
    %dma_start3A_254 = arith.constant 0 : i32
    %dma_start3A_255 = tpu.memref_slice %arg4[%add3A_246, %dma_start3A_254] : memref<50176x96xf32, #tpu.memory_space<hbm>> -> memref<112x96xf32, #tpu.memory_space<hbm>>
    %dma_start3A_256 = arith.constant 0 : i32
    %dma_start3A_257 = arith.constant 0 : i32
    %dma_start3A_258 = tpu.memref_slice %arg6[%dma_start3A_247, %dma_start3A_256, %dma_start3A_257] : memref<2x112x96xf32, #tpu.memory_space<vmem>> -> memref<1x112x96xf32, #tpu.memory_space<vmem>>
    %dma_start3A_259 = tpu.memref_squeeze %dma_start3A_258 : memref<1x112x96xf32, #tpu.memory_space<vmem>> -> memref<112x96xf32, #tpu.memory_space<vmem>>
    tpu.enqueue_dma source(%dma_start3A_259 : memref<112x96xf32, #tpu.memory_space<vmem>>) target(%dma_start3A_255 : memref<112x96xf32, #tpu.memory_space<hbm>>) target_semaphore(%arg8 : memref<!tpu.dma_semaphore, #tpu.memory_space<semaphore_mem>>)
    %dma_wait3A_260 = arith.constant 5 : i32
    %dma_wait3A_261 = arith.constant 1 : i32
    %dma_wait3A_262 = arith.constant 0 : i32
    %dma_wait3A_263 = arith.constant 0 : i32
    %dma_wait3A_264 = tpu.memref_slice %arg6[%dma_wait3A_261, %dma_wait3A_262, %dma_wait3A_263] : memref<2x112x96xf32, #tpu.memory_space<vmem>> -> memref<1x112x96xf32, #tpu.memory_space<vmem>>
    %dma_wait3A_265 = tpu.memref_squeeze %dma_wait3A_264 : memref<1x112x96xf32, #tpu.memory_space<vmem>> -> memref<112x96xf32, #tpu.memory_space<vmem>>
    %dma_wait3A_266 = arith.constant 0 : i32
    %dma_wait3A_267 = tpu.memref_slice %arg5[%dma_wait3A_260, %dma_wait3A_266] : memref<14x112xi32, #tpu.memory_space<vmem>> -> memref<1x112xi32, #tpu.memory_space<vmem>>
    %dma_wait3A_268 = tpu.memref_squeeze %dma_wait3A_267 : memref<1x112xi32, #tpu.memory_space<vmem>> -> memref<112xi32, #tpu.memory_space<vmem>>
    %dma_wait3A_269 = arith.constant 0 : i32
    %dma_wait3A_270 = arith.constant 0 : i32
    %dma_wait3A_271 = tpu.memref_slice %arg2[%dma_wait3A_269, %dma_wait3A_270] : memref<50176x96xf32, #tpu.memory_space<hbm>> -> memref<50176x96xf32, #tpu.memory_space<hbm>>
    tpu.wait_indirect_dma semaphore(%arg7 : memref<!tpu.dma_semaphore, #tpu.memory_space<semaphore_mem>>) src(%dma_wait3A_271 : memref<50176x96xf32, #tpu.memory_space<hbm>>) dst(%dma_wait3A_265 : memref<112x96xf32, #tpu.memory_space<vmem>>)
    %dma_wait3A_272 = arith.constant 0 : i32
    %dma_wait3A_273 = arith.constant 0 : i32
    %dma_wait3A_274 = arith.constant 0 : i32
    %dma_wait3A_275 = tpu.memref_slice %arg6[%dma_wait3A_272, %dma_wait3A_273, %dma_wait3A_274] : memref<2x112x96xf32, #tpu.memory_space<vmem>> -> memref<1x112x96xf32, #tpu.memory_space<vmem>>
    %dma_wait3A_276 = tpu.memref_squeeze %dma_wait3A_275 : memref<1x112x96xf32, #tpu.memory_space<vmem>> -> memref<112x96xf32, #tpu.memory_space<vmem>>
    %dma_wait3A_277 = arith.constant 0 : i32
    %dma_wait3A_278 = tpu.memref_slice %arg4[%add3A_246, %dma_wait3A_277] : memref<50176x96xf32, #tpu.memory_space<hbm>> -> memref<112x96xf32, #tpu.memory_space<hbm>>
    %dma_wait3A_279 = arith.constant 0 : i32
    %dma_wait3A_280 = tpu.memref_slice %arg4[%add3A_246, %dma_wait3A_279] : memref<50176x96xf32, #tpu.memory_space<hbm>> -> memref<112x96xf32, #tpu.memory_space<hbm>>
    %dma_wait3A_281 = arith.constant 0 : i32
    %dma_wait3A_282 = arith.constant 0 : i32
    %dma_wait3A_283 = tpu.memref_slice %arg6[%dma_wait3A_272, %dma_wait3A_281, %dma_wait3A_282] : memref<2x112x96xf32, #tpu.memory_space<vmem>> -> memref<1x112x96xf32, #tpu.memory_space<vmem>>
    %dma_wait3A_284 = tpu.memref_squeeze %dma_wait3A_283 : memref<1x112x96xf32, #tpu.memory_space<vmem>> -> memref<112x96xf32, #tpu.memory_space<vmem>>
    tpu.wait_dma2 semaphore(%arg8 : memref<!tpu.dma_semaphore, #tpu.memory_space<semaphore_mem>>) src(%dma_wait3A_284 : memref<112x96xf32, #tpu.memory_space<vmem>>) dst(%dma_wait3A_280 : memref<112x96xf32, #tpu.memory_space<hbm>>)
    %dma_start3A_285 = arith.constant 6 : i32
    %dma_start3A_286 = arith.constant 0 : i32
    %dma_start3A_287 = arith.constant 0 : i32
    %dma_start3A_288 = arith.constant 0 : i32
    %dma_start3A_289 = tpu.memref_slice %arg6[%dma_start3A_286, %dma_start3A_287, %dma_start3A_288] : memref<2x112x96xf32, #tpu.memory_space<vmem>> -> memref<1x112x96xf32, #tpu.memory_space<vmem>>
    %dma_start3A_290 = tpu.memref_squeeze %dma_start3A_289 : memref<1x112x96xf32, #tpu.memory_space<vmem>> -> memref<112x96xf32, #tpu.memory_space<vmem>>
    %dma_start3A_291 = arith.constant 0 : i32
    %dma_start3A_292 = tpu.memref_slice %arg5[%dma_start3A_285, %dma_start3A_291] : memref<14x112xi32, #tpu.memory_space<vmem>> -> memref<1x112xi32, #tpu.memory_space<vmem>>
    %dma_start3A_293 = tpu.memref_squeeze %dma_start3A_292 : memref<1x112xi32, #tpu.memory_space<vmem>> -> memref<112xi32, #tpu.memory_space<vmem>>
    %dma_start3A_294 = arith.constant 0 : i32
    %dma_start3A_295 = arith.constant 0 : i32
    %dma_start3A_296 = tpu.memref_slice %arg2[%dma_start3A_294, %dma_start3A_295] : memref<50176x96xf32, #tpu.memory_space<hbm>> -> memref<50176x96xf32, #tpu.memory_space<hbm>>
    tpu.enqueue_indirect_dma source(%dma_start3A_296 : memref<50176x96xf32, #tpu.memory_space<hbm>>) target(%dma_start3A_290 : memref<112x96xf32, #tpu.memory_space<vmem>>) offsets(%dma_start3A_293 : memref<112xi32, #tpu.memory_space<vmem>>) semaphore(%arg7 : memref<!tpu.dma_semaphore, #tpu.memory_space<semaphore_mem>>)
    %add3A_297 = arith.constant 560 : i32
    %add3A_298 = arith.addi %mul3A_2, %add3A_297 : i32
    %dma_start3A_299 = arith.constant 1 : i32
    %dma_start3A_300 = arith.constant 0 : i32
    %dma_start3A_301 = arith.constant 0 : i32
    %dma_start3A_302 = tpu.memref_slice %arg6[%dma_start3A_299, %dma_start3A_300, %dma_start3A_301] : memref<2x112x96xf32, #tpu.memory_space<vmem>> -> memref<1x112x96xf32, #tpu.memory_space<vmem>>
    %dma_start3A_303 = tpu.memref_squeeze %dma_start3A_302 : memref<1x112x96xf32, #tpu.memory_space<vmem>> -> memref<112x96xf32, #tpu.memory_space<vmem>>
    %dma_start3A_304 = arith.constant 0 : i32
    %dma_start3A_305 = tpu.memref_slice %arg4[%add3A_298, %dma_start3A_304] : memref<50176x96xf32, #tpu.memory_space<hbm>> -> memref<112x96xf32, #tpu.memory_space<hbm>>
    %dma_start3A_306 = arith.constant 0 : i32
    %dma_start3A_307 = tpu.memref_slice %arg4[%add3A_298, %dma_start3A_306] : memref<50176x96xf32, #tpu.memory_space<hbm>> -> memref<112x96xf32, #tpu.memory_space<hbm>>
    %dma_start3A_308 = arith.constant 0 : i32
    %dma_start3A_309 = arith.constant 0 : i32
    %dma_start3A_310 = tpu.memref_slice %arg6[%dma_start3A_299, %dma_start3A_308, %dma_start3A_309] : memref<2x112x96xf32, #tpu.memory_space<vmem>> -> memref<1x112x96xf32, #tpu.memory_space<vmem>>
    %dma_start3A_311 = tpu.memref_squeeze %dma_start3A_310 : memref<1x112x96xf32, #tpu.memory_space<vmem>> -> memref<112x96xf32, #tpu.memory_space<vmem>>
    tpu.enqueue_dma source(%dma_start3A_311 : memref<112x96xf32, #tpu.memory_space<vmem>>) target(%dma_start3A_307 : memref<112x96xf32, #tpu.memory_space<hbm>>) target_semaphore(%arg8 : memref<!tpu.dma_semaphore, #tpu.memory_space<semaphore_mem>>)
    %dma_wait3A_312 = arith.constant 6 : i32
    %dma_wait3A_313 = arith.constant 0 : i32
    %dma_wait3A_314 = arith.constant 0 : i32
    %dma_wait3A_315 = arith.constant 0 : i32
    %dma_wait3A_316 = tpu.memref_slice %arg6[%dma_wait3A_313, %dma_wait3A_314, %dma_wait3A_315] : memref<2x112x96xf32, #tpu.memory_space<vmem>> -> memref<1x112x96xf32, #tpu.memory_space<vmem>>
    %dma_wait3A_317 = tpu.memref_squeeze %dma_wait3A_316 : memref<1x112x96xf32, #tpu.memory_space<vmem>> -> memref<112x96xf32, #tpu.memory_space<vmem>>
    %dma_wait3A_318 = arith.constant 0 : i32
    %dma_wait3A_319 = tpu.memref_slice %arg5[%dma_wait3A_312, %dma_wait3A_318] : memref<14x112xi32, #tpu.memory_space<vmem>> -> memref<1x112xi32, #tpu.memory_space<vmem>>
    %dma_wait3A_320 = tpu.memref_squeeze %dma_wait3A_319 : memref<1x112xi32, #tpu.memory_space<vmem>> -> memref<112xi32, #tpu.memory_space<vmem>>
    %dma_wait3A_321 = arith.constant 0 : i32
    %dma_wait3A_322 = arith.constant 0 : i32
    %dma_wait3A_323 = tpu.memref_slice %arg2[%dma_wait3A_321, %dma_wait3A_322] : memref<50176x96xf32, #tpu.memory_space<hbm>> -> memref<50176x96xf32, #tpu.memory_space<hbm>>
    tpu.wait_indirect_dma semaphore(%arg7 : memref<!tpu.dma_semaphore, #tpu.memory_space<semaphore_mem>>) src(%dma_wait3A_323 : memref<50176x96xf32, #tpu.memory_space<hbm>>) dst(%dma_wait3A_317 : memref<112x96xf32, #tpu.memory_space<vmem>>)
    %dma_wait3A_324 = arith.constant 1 : i32
    %dma_wait3A_325 = arith.constant 0 : i32
    %dma_wait3A_326 = arith.constant 0 : i32
    %dma_wait3A_327 = tpu.memref_slice %arg6[%dma_wait3A_324, %dma_wait3A_325, %dma_wait3A_326] : memref<2x112x96xf32, #tpu.memory_space<vmem>> -> memref<1x112x96xf32, #tpu.memory_space<vmem>>
    %dma_wait3A_328 = tpu.memref_squeeze %dma_wait3A_327 : memref<1x112x96xf32, #tpu.memory_space<vmem>> -> memref<112x96xf32, #tpu.memory_space<vmem>>
    %dma_wait3A_329 = arith.constant 0 : i32
    %dma_wait3A_330 = tpu.memref_slice %arg4[%add3A_298, %dma_wait3A_329] : memref<50176x96xf32, #tpu.memory_space<hbm>> -> memref<112x96xf32, #tpu.memory_space<hbm>>
    %dma_wait3A_331 = arith.constant 0 : i32
    %dma_wait3A_332 = tpu.memref_slice %arg4[%add3A_298, %dma_wait3A_331] : memref<50176x96xf32, #tpu.memory_space<hbm>> -> memref<112x96xf32, #tpu.memory_space<hbm>>
    %dma_wait3A_333 = arith.constant 0 : i32
    %dma_wait3A_334 = arith.constant 0 : i32
    %dma_wait3A_335 = tpu.memref_slice %arg6[%dma_wait3A_324, %dma_wait3A_333, %dma_wait3A_334] : memref<2x112x96xf32, #tpu.memory_space<vmem>> -> memref<1x112x96xf32, #tpu.memory_space<vmem>>
    %dma_wait3A_336 = tpu.memref_squeeze %dma_wait3A_335 : memref<1x112x96xf32, #tpu.memory_space<vmem>> -> memref<112x96xf32, #tpu.memory_space<vmem>>
    tpu.wait_dma2 semaphore(%arg8 : memref<!tpu.dma_semaphore, #tpu.memory_space<semaphore_mem>>) src(%dma_wait3A_336 : memref<112x96xf32, #tpu.memory_space<vmem>>) dst(%dma_wait3A_332 : memref<112x96xf32, #tpu.memory_space<hbm>>)
    %dma_start3A_337 = arith.constant 7 : i32
    %dma_start3A_338 = arith.constant 1 : i32
    %dma_start3A_339 = arith.constant 0 : i32
    %dma_start3A_340 = arith.constant 0 : i32
    %dma_start3A_341 = tpu.memref_slice %arg6[%dma_start3A_338, %dma_start3A_339, %dma_start3A_340] : memref<2x112x96xf32, #tpu.memory_space<vmem>> -> memref<1x112x96xf32, #tpu.memory_space<vmem>>
    %dma_start3A_342 = tpu.memref_squeeze %dma_start3A_341 : memref<1x112x96xf32, #tpu.memory_space<vmem>> -> memref<112x96xf32, #tpu.memory_space<vmem>>
    %dma_start3A_343 = arith.constant 0 : i32
    %dma_start3A_344 = tpu.memref_slice %arg5[%dma_start3A_337, %dma_start3A_343] : memref<14x112xi32, #tpu.memory_space<vmem>> -> memref<1x112xi32, #tpu.memory_space<vmem>>
    %dma_start3A_345 = tpu.memref_squeeze %dma_start3A_344 : memref<1x112xi32, #tpu.memory_space<vmem>> -> memref<112xi32, #tpu.memory_space<vmem>>
    %dma_start3A_346 = arith.constant 0 : i32
    %dma_start3A_347 = arith.constant 0 : i32
    %dma_start3A_348 = tpu.memref_slice %arg2[%dma_start3A_346, %dma_start3A_347] : memref<50176x96xf32, #tpu.memory_space<hbm>> -> memref<50176x96xf32, #tpu.memory_space<hbm>>
    tpu.enqueue_indirect_dma source(%dma_start3A_348 : memref<50176x96xf32, #tpu.memory_space<hbm>>) target(%dma_start3A_342 : memref<112x96xf32, #tpu.memory_space<vmem>>) offsets(%dma_start3A_345 : memref<112xi32, #tpu.memory_space<vmem>>) semaphore(%arg7 : memref<!tpu.dma_semaphore, #tpu.memory_space<semaphore_mem>>)
    %add3A_349 = arith.constant 672 : i32
    %add3A_350 = arith.addi %mul3A_2, %add3A_349 : i32
    %dma_start3A_351 = arith.constant 0 : i32
    %dma_start3A_352 = arith.constant 0 : i32
    %dma_start3A_353 = arith.constant 0 : i32
    %dma_start3A_354 = tpu.memref_slice %arg6[%dma_start3A_351, %dma_start3A_352, %dma_start3A_353] : memref<2x112x96xf32, #tpu.memory_space<vmem>> -> memref<1x112x96xf32, #tpu.memory_space<vmem>>
    %dma_start3A_355 = tpu.memref_squeeze %dma_start3A_354 : memref<1x112x96xf32, #tpu.memory_space<vmem>> -> memref<112x96xf32, #tpu.memory_space<vmem>>
    %dma_start3A_356 = arith.constant 0 : i32
    %dma_start3A_357 = tpu.memref_slice %arg4[%add3A_350, %dma_start3A_356] : memref<50176x96xf32, #tpu.memory_space<hbm>> -> memref<112x96xf32, #tpu.memory_space<hbm>>
    %dma_start3A_358 = arith.constant 0 : i32
    %dma_start3A_359 = tpu.memref_slice %arg4[%add3A_350, %dma_start3A_358] : memref<50176x96xf32, #tpu.memory_space<hbm>> -> memref<112x96xf32, #tpu.memory_space<hbm>>
    %dma_start3A_360 = arith.constant 0 : i32
    %dma_start3A_361 = arith.constant 0 : i32
    %dma_start3A_362 = tpu.memref_slice %arg6[%dma_start3A_351, %dma_start3A_360, %dma_start3A_361] : memref<2x112x96xf32, #tpu.memory_space<vmem>> -> memref<1x112x96xf32, #tpu.memory_space<vmem>>
    %dma_start3A_363 = tpu.memref_squeeze %dma_start3A_362 : memref<1x112x96xf32, #tpu.memory_space<vmem>> -> memref<112x96xf32, #tpu.memory_space<vmem>>
    tpu.enqueue_dma source(%dma_start3A_363 : memref<112x96xf32, #tpu.memory_space<vmem>>) target(%dma_start3A_359 : memref<112x96xf32, #tpu.memory_space<hbm>>) target_semaphore(%arg8 : memref<!tpu.dma_semaphore, #tpu.memory_space<semaphore_mem>>)
    %dma_wait3A_364 = arith.constant 7 : i32
    %dma_wait3A_365 = arith.constant 1 : i32
    %dma_wait3A_366 = arith.constant 0 : i32
    %dma_wait3A_367 = arith.constant 0 : i32
    %dma_wait3A_368 = tpu.memref_slice %arg6[%dma_wait3A_365, %dma_wait3A_366, %dma_wait3A_367] : memref<2x112x96xf32, #tpu.memory_space<vmem>> -> memref<1x112x96xf32, #tpu.memory_space<vmem>>
    %dma_wait3A_369 = tpu.memref_squeeze %dma_wait3A_368 : memref<1x112x96xf32, #tpu.memory_space<vmem>> -> memref<112x96xf32, #tpu.memory_space<vmem>>
    %dma_wait3A_370 = arith.constant 0 : i32
    %dma_wait3A_371 = tpu.memref_slice %arg5[%dma_wait3A_364, %dma_wait3A_370] : memref<14x112xi32, #tpu.memory_space<vmem>> -> memref<1x112xi32, #tpu.memory_space<vmem>>
    %dma_wait3A_372 = tpu.memref_squeeze %dma_wait3A_371 : memref<1x112xi32, #tpu.memory_space<vmem>> -> memref<112xi32, #tpu.memory_space<vmem>>
    %dma_wait3A_373 = arith.constant 0 : i32
    %dma_wait3A_374 = arith.constant 0 : i32
    %dma_wait3A_375 = tpu.memref_slice %arg2[%dma_wait3A_373, %dma_wait3A_374] : memref<50176x96xf32, #tpu.memory_space<hbm>> -> memref<50176x96xf32, #tpu.memory_space<hbm>>
    tpu.wait_indirect_dma semaphore(%arg7 : memref<!tpu.dma_semaphore, #tpu.memory_space<semaphore_mem>>) src(%dma_wait3A_375 : memref<50176x96xf32, #tpu.memory_space<hbm>>) dst(%dma_wait3A_369 : memref<112x96xf32, #tpu.memory_space<vmem>>)
    %dma_wait3A_376 = arith.constant 0 : i32
    %dma_wait3A_377 = arith.constant 0 : i32
    %dma_wait3A_378 = arith.constant 0 : i32
    %dma_wait3A_379 = tpu.memref_slice %arg6[%dma_wait3A_376, %dma_wait3A_377, %dma_wait3A_378] : memref<2x112x96xf32, #tpu.memory_space<vmem>> -> memref<1x112x96xf32, #tpu.memory_space<vmem>>
    %dma_wait3A_380 = tpu.memref_squeeze %dma_wait3A_379 : memref<1x112x96xf32, #tpu.memory_space<vmem>> -> memref<112x96xf32, #tpu.memory_space<vmem>>
    %dma_wait3A_381 = arith.constant 0 : i32
    %dma_wait3A_382 = tpu.memref_slice %arg4[%add3A_350, %dma_wait3A_381] : memref<50176x96xf32, #tpu.memory_space<hbm>> -> memref<112x96xf32, #tpu.memory_space<hbm>>
    %dma_wait3A_383 = arith.constant 0 : i32
    %dma_wait3A_384 = tpu.memref_slice %arg4[%add3A_350, %dma_wait3A_383] : memref<50176x96xf32, #tpu.memory_space<hbm>> -> memref<112x96xf32, #tpu.memory_space<hbm>>
    %dma_wait3A_385 = arith.constant 0 : i32
    %dma_wait3A_386 = arith.constant 0 : i32
    %dma_wait3A_387 = tpu.memref_slice %arg6[%dma_wait3A_376, %dma_wait3A_385, %dma_wait3A_386] : memref<2x112x96xf32, #tpu.memory_space<vmem>> -> memref<1x112x96xf32, #tpu.memory_space<vmem>>
    %dma_wait3A_388 = tpu.memref_squeeze %dma_wait3A_387 : memref<1x112x96xf32, #tpu.memory_space<vmem>> -> memref<112x96xf32, #tpu.memory_space<vmem>>
    tpu.wait_dma2 semaphore(%arg8 : memref<!tpu.dma_semaphore, #tpu.memory_space<semaphore_mem>>) src(%dma_wait3A_388 : memref<112x96xf32, #tpu.memory_space<vmem>>) dst(%dma_wait3A_384 : memref<112x96xf32, #tpu.memory_space<hbm>>)
    %dma_start3A_389 = arith.constant 8 : i32
    %dma_start3A_390 = arith.constant 0 : i32
    %dma_start3A_391 = arith.constant 0 : i32
    %dma_start3A_392 = arith.constant 0 : i32
    %dma_start3A_393 = tpu.memref_slice %arg6[%dma_start3A_390, %dma_start3A_391, %dma_start3A_392] : memref<2x112x96xf32, #tpu.memory_space<vmem>> -> memref<1x112x96xf32, #tpu.memory_space<vmem>>
    %dma_start3A_394 = tpu.memref_squeeze %dma_start3A_393 : memref<1x112x96xf32, #tpu.memory_space<vmem>> -> memref<112x96xf32, #tpu.memory_space<vmem>>
    %dma_start3A_395 = arith.constant 0 : i32
    %dma_start3A_396 = tpu.memref_slice %arg5[%dma_start3A_389, %dma_start3A_395] : memref<14x112xi32, #tpu.memory_space<vmem>> -> memref<1x112xi32, #tpu.memory_space<vmem>>
    %dma_start3A_397 = tpu.memref_squeeze %dma_start3A_396 : memref<1x112xi32, #tpu.memory_space<vmem>> -> memref<112xi32, #tpu.memory_space<vmem>>
    %dma_start3A_398 = arith.constant 0 : i32
    %dma_start3A_399 = arith.constant 0 : i32
    %dma_start3A_400 = tpu.memref_slice %arg2[%dma_start3A_398, %dma_start3A_399] : memref<50176x96xf32, #tpu.memory_space<hbm>> -> memref<50176x96xf32, #tpu.memory_space<hbm>>
    tpu.enqueue_indirect_dma source(%dma_start3A_400 : memref<50176x96xf32, #tpu.memory_space<hbm>>) target(%dma_start3A_394 : memref<112x96xf32, #tpu.memory_space<vmem>>) offsets(%dma_start3A_397 : memref<112xi32, #tpu.memory_space<vmem>>) semaphore(%arg7 : memref<!tpu.dma_semaphore, #tpu.memory_space<semaphore_mem>>)
    %add3A_401 = arith.constant 784 : i32
    %add3A_402 = arith.addi %mul3A_2, %add3A_401 : i32
    %dma_start3A_403 = arith.constant 1 : i32
    %dma_start3A_404 = arith.constant 0 : i32
    %dma_start3A_405 = arith.constant 0 : i32
    %dma_start3A_406 = tpu.memref_slice %arg6[%dma_start3A_403, %dma_start3A_404, %dma_start3A_405] : memref<2x112x96xf32, #tpu.memory_space<vmem>> -> memref<1x112x96xf32, #tpu.memory_space<vmem>>
    %dma_start3A_407 = tpu.memref_squeeze %dma_start3A_406 : memref<1x112x96xf32, #tpu.memory_space<vmem>> -> memref<112x96xf32, #tpu.memory_space<vmem>>
    %dma_start3A_408 = arith.constant 0 : i32
    %dma_start3A_409 = tpu.memref_slice %arg4[%add3A_402, %dma_start3A_408] : memref<50176x96xf32, #tpu.memory_space<hbm>> -> memref<112x96xf32, #tpu.memory_space<hbm>>
    %dma_start3A_410 = arith.constant 0 : i32
    %dma_start3A_411 = tpu.memref_slice %arg4[%add3A_402, %dma_start3A_410] : memref<50176x96xf32, #tpu.memory_space<hbm>> -> memref<112x96xf32, #tpu.memory_space<hbm>>
    %dma_start3A_412 = arith.constant 0 : i32
    %dma_start3A_413 = arith.constant 0 : i32
    %dma_start3A_414 = tpu.memref_slice %arg6[%dma_start3A_403, %dma_start3A_412, %dma_start3A_413] : memref<2x112x96xf32, #tpu.memory_space<vmem>> -> memref<1x112x96xf32, #tpu.memory_space<vmem>>
    %dma_start3A_415 = tpu.memref_squeeze %dma_start3A_414 : memref<1x112x96xf32, #tpu.memory_space<vmem>> -> memref<112x96xf32, #tpu.memory_space<vmem>>
    tpu.enqueue_dma source(%dma_start3A_415 : memref<112x96xf32, #tpu.memory_space<vmem>>) target(%dma_start3A_411 : memref<112x96xf32, #tpu.memory_space<hbm>>) target_semaphore(%arg8 : memref<!tpu.dma_semaphore, #tpu.memory_space<semaphore_mem>>)
    %dma_wait3A_416 = arith.constant 8 : i32
    %dma_wait3A_417 = arith.constant 0 : i32
    %dma_wait3A_418 = arith.constant 0 : i32
    %dma_wait3A_419 = arith.constant 0 : i32
    %dma_wait3A_420 = tpu.memref_slice %arg6[%dma_wait3A_417, %dma_wait3A_418, %dma_wait3A_419] : memref<2x112x96xf32, #tpu.memory_space<vmem>> -> memref<1x112x96xf32, #tpu.memory_space<vmem>>
    %dma_wait3A_421 = tpu.memref_squeeze %dma_wait3A_420 : memref<1x112x96xf32, #tpu.memory_space<vmem>> -> memref<112x96xf32, #tpu.memory_space<vmem>>
    %dma_wait3A_422 = arith.constant 0 : i32
    %dma_wait3A_423 = tpu.memref_slice %arg5[%dma_wait3A_416, %dma_wait3A_422] : memref<14x112xi32, #tpu.memory_space<vmem>> -> memref<1x112xi32, #tpu.memory_space<vmem>>
    %dma_wait3A_424 = tpu.memref_squeeze %dma_wait3A_423 : memref<1x112xi32, #tpu.memory_space<vmem>> -> memref<112xi32, #tpu.memory_space<vmem>>
    %dma_wait3A_425 = arith.constant 0 : i32
    %dma_wait3A_426 = arith.constant 0 : i32
    %dma_wait3A_427 = tpu.memref_slice %arg2[%dma_wait3A_425, %dma_wait3A_426] : memref<50176x96xf32, #tpu.memory_space<hbm>> -> memref<50176x96xf32, #tpu.memory_space<hbm>>
    tpu.wait_indirect_dma semaphore(%arg7 : memref<!tpu.dma_semaphore, #tpu.memory_space<semaphore_mem>>) src(%dma_wait3A_427 : memref<50176x96xf32, #tpu.memory_space<hbm>>) dst(%dma_wait3A_421 : memref<112x96xf32, #tpu.memory_space<vmem>>)
    %dma_wait3A_428 = arith.constant 1 : i32
    %dma_wait3A_429 = arith.constant 0 : i32
    %dma_wait3A_430 = arith.constant 0 : i32
    %dma_wait3A_431 = tpu.memref_slice %arg6[%dma_wait3A_428, %dma_wait3A_429, %dma_wait3A_430] : memref<2x112x96xf32, #tpu.memory_space<vmem>> -> memref<1x112x96xf32, #tpu.memory_space<vmem>>
    %dma_wait3A_432 = tpu.memref_squeeze %dma_wait3A_431 : memref<1x112x96xf32, #tpu.memory_space<vmem>> -> memref<112x96xf32, #tpu.memory_space<vmem>>
    %dma_wait3A_433 = arith.constant 0 : i32
    %dma_wait3A_434 = tpu.memref_slice %arg4[%add3A_402, %dma_wait3A_433] : memref<50176x96xf32, #tpu.memory_space<hbm>> -> memref<112x96xf32, #tpu.memory_space<hbm>>
    %dma_wait3A_435 = arith.constant 0 : i32
    %dma_wait3A_436 = tpu.memref_slice %arg4[%add3A_402, %dma_wait3A_435] : memref<50176x96xf32, #tpu.memory_space<hbm>> -> memref<112x96xf32, #tpu.memory_space<hbm>>
    %dma_wait3A_437 = arith.constant 0 : i32
    %dma_wait3A_438 = arith.constant 0 : i32
    %dma_wait3A_439 = tpu.memref_slice %arg6[%dma_wait3A_428, %dma_wait3A_437, %dma_wait3A_438] : memref<2x112x96xf32, #tpu.memory_space<vmem>> -> memref<1x112x96xf32, #tpu.memory_space<vmem>>
    %dma_wait3A_440 = tpu.memref_squeeze %dma_wait3A_439 : memref<1x112x96xf32, #tpu.memory_space<vmem>> -> memref<112x96xf32, #tpu.memory_space<vmem>>
    tpu.wait_dma2 semaphore(%arg8 : memref<!tpu.dma_semaphore, #tpu.memory_space<semaphore_mem>>) src(%dma_wait3A_440 : memref<112x96xf32, #tpu.memory_space<vmem>>) dst(%dma_wait3A_436 : memref<112x96xf32, #tpu.memory_space<hbm>>)
    %dma_start3A_441 = arith.constant 9 : i32
    %dma_start3A_442 = arith.constant 1 : i32
    %dma_start3A_443 = arith.constant 0 : i32
    %dma_start3A_444 = arith.constant 0 : i32
    %dma_start3A_445 = tpu.memref_slice %arg6[%dma_start3A_442, %dma_start3A_443, %dma_start3A_444] : memref<2x112x96xf32, #tpu.memory_space<vmem>> -> memref<1x112x96xf32, #tpu.memory_space<vmem>>
    %dma_start3A_446 = tpu.memref_squeeze %dma_start3A_445 : memref<1x112x96xf32, #tpu.memory_space<vmem>> -> memref<112x96xf32, #tpu.memory_space<vmem>>
    %dma_start3A_447 = arith.constant 0 : i32
    %dma_start3A_448 = tpu.memref_slice %arg5[%dma_start3A_441, %dma_start3A_447] : memref<14x112xi32, #tpu.memory_space<vmem>> -> memref<1x112xi32, #tpu.memory_space<vmem>>
    %dma_start3A_449 = tpu.memref_squeeze %dma_start3A_448 : memref<1x112xi32, #tpu.memory_space<vmem>> -> memref<112xi32, #tpu.memory_space<vmem>>
    %dma_start3A_450 = arith.constant 0 : i32
    %dma_start3A_451 = arith.constant 0 : i32
    %dma_start3A_452 = tpu.memref_slice %arg2[%dma_start3A_450, %dma_start3A_451] : memref<50176x96xf32, #tpu.memory_space<hbm>> -> memref<50176x96xf32, #tpu.memory_space<hbm>>
    tpu.enqueue_indirect_dma source(%dma_start3A_452 : memref<50176x96xf32, #tpu.memory_space<hbm>>) target(%dma_start3A_446 : memref<112x96xf32, #tpu.memory_space<vmem>>) offsets(%dma_start3A_449 : memref<112xi32, #tpu.memory_space<vmem>>) semaphore(%arg7 : memref<!tpu.dma_semaphore, #tpu.memory_space<semaphore_mem>>)
    %add3A_453 = arith.constant 896 : i32
    %add3A_454 = arith.addi %mul3A_2, %add3A_453 : i32
    %dma_start3A_455 = arith.constant 0 : i32
    %dma_start3A_456 = arith.constant 0 : i32
    %dma_start3A_457 = arith.constant 0 : i32
    %dma_start3A_458 = tpu.memref_slice %arg6[%dma_start3A_455, %dma_start3A_456, %dma_start3A_457] : memref<2x112x96xf32, #tpu.memory_space<vmem>> -> memref<1x112x96xf32, #tpu.memory_space<vmem>>
    %dma_start3A_459 = tpu.memref_squeeze %dma_start3A_458 : memref<1x112x96xf32, #tpu.memory_space<vmem>> -> memref<112x96xf32, #tpu.memory_space<vmem>>
    %dma_start3A_460 = arith.constant 0 : i32
    %dma_start3A_461 = tpu.memref_slice %arg4[%add3A_454, %dma_start3A_460] : memref<50176x96xf32, #tpu.memory_space<hbm>> -> memref<112x96xf32, #tpu.memory_space<hbm>>
    %dma_start3A_462 = arith.constant 0 : i32
    %dma_start3A_463 = tpu.memref_slice %arg4[%add3A_454, %dma_start3A_462] : memref<50176x96xf32, #tpu.memory_space<hbm>> -> memref<112x96xf32, #tpu.memory_space<hbm>>
    %dma_start3A_464 = arith.constant 0 : i32
    %dma_start3A_465 = arith.constant 0 : i32
    %dma_start3A_466 = tpu.memref_slice %arg6[%dma_start3A_455, %dma_start3A_464, %dma_start3A_465] : memref<2x112x96xf32, #tpu.memory_space<vmem>> -> memref<1x112x96xf32, #tpu.memory_space<vmem>>
    %dma_start3A_467 = tpu.memref_squeeze %dma_start3A_466 : memref<1x112x96xf32, #tpu.memory_space<vmem>> -> memref<112x96xf32, #tpu.memory_space<vmem>>
    tpu.enqueue_dma source(%dma_start3A_467 : memref<112x96xf32, #tpu.memory_space<vmem>>) target(%dma_start3A_463 : memref<112x96xf32, #tpu.memory_space<hbm>>) target_semaphore(%arg8 : memref<!tpu.dma_semaphore, #tpu.memory_space<semaphore_mem>>)
    %dma_wait3A_468 = arith.constant 9 : i32
    %dma_wait3A_469 = arith.constant 1 : i32
    %dma_wait3A_470 = arith.constant 0 : i32
    %dma_wait3A_471 = arith.constant 0 : i32
    %dma_wait3A_472 = tpu.memref_slice %arg6[%dma_wait3A_469, %dma_wait3A_470, %dma_wait3A_471] : memref<2x112x96xf32, #tpu.memory_space<vmem>> -> memref<1x112x96xf32, #tpu.memory_space<vmem>>
    %dma_wait3A_473 = tpu.memref_squeeze %dma_wait3A_472 : memref<1x112x96xf32, #tpu.memory_space<vmem>> -> memref<112x96xf32, #tpu.memory_space<vmem>>
    %dma_wait3A_474 = arith.constant 0 : i32
    %dma_wait3A_475 = tpu.memref_slice %arg5[%dma_wait3A_468, %dma_wait3A_474] : memref<14x112xi32, #tpu.memory_space<vmem>> -> memref<1x112xi32, #tpu.memory_space<vmem>>
    %dma_wait3A_476 = tpu.memref_squeeze %dma_wait3A_475 : memref<1x112xi32, #tpu.memory_space<vmem>> -> memref<112xi32, #tpu.memory_space<vmem>>
    %dma_wait3A_477 = arith.constant 0 : i32
    %dma_wait3A_478 = arith.constant 0 : i32
    %dma_wait3A_479 = tpu.memref_slice %arg2[%dma_wait3A_477, %dma_wait3A_478] : memref<50176x96xf32, #tpu.memory_space<hbm>> -> memref<50176x96xf32, #tpu.memory_space<hbm>>
    tpu.wait_indirect_dma semaphore(%arg7 : memref<!tpu.dma_semaphore, #tpu.memory_space<semaphore_mem>>) src(%dma_wait3A_479 : memref<50176x96xf32, #tpu.memory_space<hbm>>) dst(%dma_wait3A_473 : memref<112x96xf32, #tpu.memory_space<vmem>>)
    %dma_wait3A_480 = arith.constant 0 : i32
    %dma_wait3A_481 = arith.constant 0 : i32
    %dma_wait3A_482 = arith.constant 0 : i32
    %dma_wait3A_483 = tpu.memref_slice %arg6[%dma_wait3A_480, %dma_wait3A_481, %dma_wait3A_482] : memref<2x112x96xf32, #tpu.memory_space<vmem>> -> memref<1x112x96xf32, #tpu.memory_space<vmem>>
    %dma_wait3A_484 = tpu.memref_squeeze %dma_wait3A_483 : memref<1x112x96xf32, #tpu.memory_space<vmem>> -> memref<112x96xf32, #tpu.memory_space<vmem>>
    %dma_wait3A_485 = arith.constant 0 : i32
    %dma_wait3A_486 = tpu.memref_slice %arg4[%add3A_454, %dma_wait3A_485] : memref<50176x96xf32, #tpu.memory_space<hbm>> -> memref<112x96xf32, #tpu.memory_space<hbm>>
    %dma_wait3A_487 = arith.constant 0 : i32
    %dma_wait3A_488 = tpu.memref_slice %arg4[%add3A_454, %dma_wait3A_487] : memref<50176x96xf32, #tpu.memory_space<hbm>> -> memref<112x96xf32, #tpu.memory_space<hbm>>
    %dma_wait3A_489 = arith.constant 0 : i32
    %dma_wait3A_490 = arith.constant 0 : i32
    %dma_wait3A_491 = tpu.memref_slice %arg6[%dma_wait3A_480, %dma_wait3A_489, %dma_wait3A_490] : memref<2x112x96xf32, #tpu.memory_space<vmem>> -> memref<1x112x96xf32, #tpu.memory_space<vmem>>
    %dma_wait3A_492 = tpu.memref_squeeze %dma_wait3A_491 : memref<1x112x96xf32, #tpu.memory_space<vmem>> -> memref<112x96xf32, #tpu.memory_space<vmem>>
    tpu.wait_dma2 semaphore(%arg8 : memref<!tpu.dma_semaphore, #tpu.memory_space<semaphore_mem>>) src(%dma_wait3A_492 : memref<112x96xf32, #tpu.memory_space<vmem>>) dst(%dma_wait3A_488 : memref<112x96xf32, #tpu.memory_space<hbm>>)
    %dma_start3A_493 = arith.constant 10 : i32
    %dma_start3A_494 = arith.constant 0 : i32
    %dma_start3A_495 = arith.constant 0 : i32
    %dma_start3A_496 = arith.constant 0 : i32
    %dma_start3A_497 = tpu.memref_slice %arg6[%dma_start3A_494, %dma_start3A_495, %dma_start3A_496] : memref<2x112x96xf32, #tpu.memory_space<vmem>> -> memref<1x112x96xf32, #tpu.memory_space<vmem>>
    %dma_start3A_498 = tpu.memref_squeeze %dma_start3A_497 : memref<1x112x96xf32, #tpu.memory_space<vmem>> -> memref<112x96xf32, #tpu.memory_space<vmem>>
    %dma_start3A_499 = arith.constant 0 : i32
    %dma_start3A_500 = tpu.memref_slice %arg5[%dma_start3A_493, %dma_start3A_499] : memref<14x112xi32, #tpu.memory_space<vmem>> -> memref<1x112xi32, #tpu.memory_space<vmem>>
    %dma_start3A_501 = tpu.memref_squeeze %dma_start3A_500 : memref<1x112xi32, #tpu.memory_space<vmem>> -> memref<112xi32, #tpu.memory_space<vmem>>
    %dma_start3A_502 = arith.constant 0 : i32
    %dma_start3A_503 = arith.constant 0 : i32
    %dma_start3A_504 = tpu.memref_slice %arg2[%dma_start3A_502, %dma_start3A_503] : memref<50176x96xf32, #tpu.memory_space<hbm>> -> memref<50176x96xf32, #tpu.memory_space<hbm>>
    tpu.enqueue_indirect_dma source(%dma_start3A_504 : memref<50176x96xf32, #tpu.memory_space<hbm>>) target(%dma_start3A_498 : memref<112x96xf32, #tpu.memory_space<vmem>>) offsets(%dma_start3A_501 : memref<112xi32, #tpu.memory_space<vmem>>) semaphore(%arg7 : memref<!tpu.dma_semaphore, #tpu.memory_space<semaphore_mem>>)
    %add3A_505 = arith.constant 1008 : i32
    %add3A_506 = arith.addi %mul3A_2, %add3A_505 : i32
    %dma_start3A_507 = arith.constant 1 : i32
    %dma_start3A_508 = arith.constant 0 : i32
    %dma_start3A_509 = arith.constant 0 : i32
    %dma_start3A_510 = tpu.memref_slice %arg6[%dma_start3A_507, %dma_start3A_508, %dma_start3A_509] : memref<2x112x96xf32, #tpu.memory_space<vmem>> -> memref<1x112x96xf32, #tpu.memory_space<vmem>>
    %dma_start3A_511 = tpu.memref_squeeze %dma_start3A_510 : memref<1x112x96xf32, #tpu.memory_space<vmem>> -> memref<112x96xf32, #tpu.memory_space<vmem>>
    %dma_start3A_512 = arith.constant 0 : i32
    %dma_start3A_513 = tpu.memref_slice %arg4[%add3A_506, %dma_start3A_512] : memref<50176x96xf32, #tpu.memory_space<hbm>> -> memref<112x96xf32, #tpu.memory_space<hbm>>
    %dma_start3A_514 = arith.constant 0 : i32
    %dma_start3A_515 = tpu.memref_slice %arg4[%add3A_506, %dma_start3A_514] : memref<50176x96xf32, #tpu.memory_space<hbm>> -> memref<112x96xf32, #tpu.memory_space<hbm>>
    %dma_start3A_516 = arith.constant 0 : i32
    %dma_start3A_517 = arith.constant 0 : i32
    %dma_start3A_518 = tpu.memref_slice %arg6[%dma_start3A_507, %dma_start3A_516, %dma_start3A_517] : memref<2x112x96xf32, #tpu.memory_space<vmem>> -> memref<1x112x96xf32, #tpu.memory_space<vmem>>
    %dma_start3A_519 = tpu.memref_squeeze %dma_start3A_518 : memref<1x112x96xf32, #tpu.memory_space<vmem>> -> memref<112x96xf32, #tpu.memory_space<vmem>>
    tpu.enqueue_dma source(%dma_start3A_519 : memref<112x96xf32, #tpu.memory_space<vmem>>) target(%dma_start3A_515 : memref<112x96xf32, #tpu.memory_space<hbm>>) target_semaphore(%arg8 : memref<!tpu.dma_semaphore, #tpu.memory_space<semaphore_mem>>)
    %dma_wait3A_520 = arith.constant 10 : i32
    %dma_wait3A_521 = arith.constant 0 : i32
    %dma_wait3A_522 = arith.constant 0 : i32
    %dma_wait3A_523 = arith.constant 0 : i32
    %dma_wait3A_524 = tpu.memref_slice %arg6[%dma_wait3A_521, %dma_wait3A_522, %dma_wait3A_523] : memref<2x112x96xf32, #tpu.memory_space<vmem>> -> memref<1x112x96xf32, #tpu.memory_space<vmem>>
    %dma_wait3A_525 = tpu.memref_squeeze %dma_wait3A_524 : memref<1x112x96xf32, #tpu.memory_space<vmem>> -> memref<112x96xf32, #tpu.memory_space<vmem>>
    %dma_wait3A_526 = arith.constant 0 : i32
    %dma_wait3A_527 = tpu.memref_slice %arg5[%dma_wait3A_520, %dma_wait3A_526] : memref<14x112xi32, #tpu.memory_space<vmem>> -> memref<1x112xi32, #tpu.memory_space<vmem>>
    %dma_wait3A_528 = tpu.memref_squeeze %dma_wait3A_527 : memref<1x112xi32, #tpu.memory_space<vmem>> -> memref<112xi32, #tpu.memory_space<vmem>>
    %dma_wait3A_529 = arith.constant 0 : i32
    %dma_wait3A_530 = arith.constant 0 : i32
    %dma_wait3A_531 = tpu.memref_slice %arg2[%dma_wait3A_529, %dma_wait3A_530] : memref<50176x96xf32, #tpu.memory_space<hbm>> -> memref<50176x96xf32, #tpu.memory_space<hbm>>
    tpu.wait_indirect_dma semaphore(%arg7 : memref<!tpu.dma_semaphore, #tpu.memory_space<semaphore_mem>>) src(%dma_wait3A_531 : memref<50176x96xf32, #tpu.memory_space<hbm>>) dst(%dma_wait3A_525 : memref<112x96xf32, #tpu.memory_space<vmem>>)
    %dma_wait3A_532 = arith.constant 1 : i32
    %dma_wait3A_533 = arith.constant 0 : i32
    %dma_wait3A_534 = arith.constant 0 : i32
    %dma_wait3A_535 = tpu.memref_slice %arg6[%dma_wait3A_532, %dma_wait3A_533, %dma_wait3A_534] : memref<2x112x96xf32, #tpu.memory_space<vmem>> -> memref<1x112x96xf32, #tpu.memory_space<vmem>>
    %dma_wait3A_536 = tpu.memref_squeeze %dma_wait3A_535 : memref<1x112x96xf32, #tpu.memory_space<vmem>> -> memref<112x96xf32, #tpu.memory_space<vmem>>
    %dma_wait3A_537 = arith.constant 0 : i32
    %dma_wait3A_538 = tpu.memref_slice %arg4[%add3A_506, %dma_wait3A_537] : memref<50176x96xf32, #tpu.memory_space<hbm>> -> memref<112x96xf32, #tpu.memory_space<hbm>>
    %dma_wait3A_539 = arith.constant 0 : i32
    %dma_wait3A_540 = tpu.memref_slice %arg4[%add3A_506, %dma_wait3A_539] : memref<50176x96xf32, #tpu.memory_space<hbm>> -> memref<112x96xf32, #tpu.memory_space<hbm>>
    %dma_wait3A_541 = arith.constant 0 : i32
    %dma_wait3A_542 = arith.constant 0 : i32
    %dma_wait3A_543 = tpu.memref_slice %arg6[%dma_wait3A_532, %dma_wait3A_541, %dma_wait3A_542] : memref<2x112x96xf32, #tpu.memory_space<vmem>> -> memref<1x112x96xf32, #tpu.memory_space<vmem>>
    %dma_wait3A_544 = tpu.memref_squeeze %dma_wait3A_543 : memref<1x112x96xf32, #tpu.memory_space<vmem>> -> memref<112x96xf32, #tpu.memory_space<vmem>>
    tpu.wait_dma2 semaphore(%arg8 : memref<!tpu.dma_semaphore, #tpu.memory_space<semaphore_mem>>) src(%dma_wait3A_544 : memref<112x96xf32, #tpu.memory_space<vmem>>) dst(%dma_wait3A_540 : memref<112x96xf32, #tpu.memory_space<hbm>>)
    %dma_start3A_545 = arith.constant 11 : i32
    %dma_start3A_546 = arith.constant 1 : i32
    %dma_start3A_547 = arith.constant 0 : i32
    %dma_start3A_548 = arith.constant 0 : i32
    %dma_start3A_549 = tpu.memref_slice %arg6[%dma_start3A_546, %dma_start3A_547, %dma_start3A_548] : memref<2x112x96xf32, #tpu.memory_space<vmem>> -> memref<1x112x96xf32, #tpu.memory_space<vmem>>
    %dma_start3A_550 = tpu.memref_squeeze %dma_start3A_549 : memref<1x112x96xf32, #tpu.memory_space<vmem>> -> memref<112x96xf32, #tpu.memory_space<vmem>>
    %dma_start3A_551 = arith.constant 0 : i32
    %dma_start3A_552 = tpu.memref_slice %arg5[%dma_start3A_545, %dma_start3A_551] : memref<14x112xi32, #tpu.memory_space<vmem>> -> memref<1x112xi32, #tpu.memory_space<vmem>>
    %dma_start3A_553 = tpu.memref_squeeze %dma_start3A_552 : memref<1x112xi32, #tpu.memory_space<vmem>> -> memref<112xi32, #tpu.memory_space<vmem>>
    %dma_start3A_554 = arith.constant 0 : i32
    %dma_start3A_555 = arith.constant 0 : i32
    %dma_start3A_556 = tpu.memref_slice %arg2[%dma_start3A_554, %dma_start3A_555] : memref<50176x96xf32, #tpu.memory_space<hbm>> -> memref<50176x96xf32, #tpu.memory_space<hbm>>
    tpu.enqueue_indirect_dma source(%dma_start3A_556 : memref<50176x96xf32, #tpu.memory_space<hbm>>) target(%dma_start3A_550 : memref<112x96xf32, #tpu.memory_space<vmem>>) offsets(%dma_start3A_553 : memref<112xi32, #tpu.memory_space<vmem>>) semaphore(%arg7 : memref<!tpu.dma_semaphore, #tpu.memory_space<semaphore_mem>>)
    %add3A_557 = arith.constant 1120 : i32
    %add3A_558 = arith.addi %mul3A_2, %add3A_557 : i32
    %dma_start3A_559 = arith.constant 0 : i32
    %dma_start3A_560 = arith.constant 0 : i32
    %dma_start3A_561 = arith.constant 0 : i32
    %dma_start3A_562 = tpu.memref_slice %arg6[%dma_start3A_559, %dma_start3A_560, %dma_start3A_561] : memref<2x112x96xf32, #tpu.memory_space<vmem>> -> memref<1x112x96xf32, #tpu.memory_space<vmem>>
    %dma_start3A_563 = tpu.memref_squeeze %dma_start3A_562 : memref<1x112x96xf32, #tpu.memory_space<vmem>> -> memref<112x96xf32, #tpu.memory_space<vmem>>
    %dma_start3A_564 = arith.constant 0 : i32
    %dma_start3A_565 = tpu.memref_slice %arg4[%add3A_558, %dma_start3A_564] : memref<50176x96xf32, #tpu.memory_space<hbm>> -> memref<112x96xf32, #tpu.memory_space<hbm>>
    %dma_start3A_566 = arith.constant 0 : i32
    %dma_start3A_567 = tpu.memref_slice %arg4[%add3A_558, %dma_start3A_566] : memref<50176x96xf32, #tpu.memory_space<hbm>> -> memref<112x96xf32, #tpu.memory_space<hbm>>
    %dma_start3A_568 = arith.constant 0 : i32
    %dma_start3A_569 = arith.constant 0 : i32
    %dma_start3A_570 = tpu.memref_slice %arg6[%dma_start3A_559, %dma_start3A_568, %dma_start3A_569] : memref<2x112x96xf32, #tpu.memory_space<vmem>> -> memref<1x112x96xf32, #tpu.memory_space<vmem>>
    %dma_start3A_571 = tpu.memref_squeeze %dma_start3A_570 : memref<1x112x96xf32, #tpu.memory_space<vmem>> -> memref<112x96xf32, #tpu.memory_space<vmem>>
    tpu.enqueue_dma source(%dma_start3A_571 : memref<112x96xf32, #tpu.memory_space<vmem>>) target(%dma_start3A_567 : memref<112x96xf32, #tpu.memory_space<hbm>>) target_semaphore(%arg8 : memref<!tpu.dma_semaphore, #tpu.memory_space<semaphore_mem>>)
    %dma_wait3A_572 = arith.constant 11 : i32
    %dma_wait3A_573 = arith.constant 1 : i32
    %dma_wait3A_574 = arith.constant 0 : i32
    %dma_wait3A_575 = arith.constant 0 : i32
    %dma_wait3A_576 = tpu.memref_slice %arg6[%dma_wait3A_573, %dma_wait3A_574, %dma_wait3A_575] : memref<2x112x96xf32, #tpu.memory_space<vmem>> -> memref<1x112x96xf32, #tpu.memory_space<vmem>>
    %dma_wait3A_577 = tpu.memref_squeeze %dma_wait3A_576 : memref<1x112x96xf32, #tpu.memory_space<vmem>> -> memref<112x96xf32, #tpu.memory_space<vmem>>
    %dma_wait3A_578 = arith.constant 0 : i32
    %dma_wait3A_579 = tpu.memref_slice %arg5[%dma_wait3A_572, %dma_wait3A_578] : memref<14x112xi32, #tpu.memory_space<vmem>> -> memref<1x112xi32, #tpu.memory_space<vmem>>
    %dma_wait3A_580 = tpu.memref_squeeze %dma_wait3A_579 : memref<1x112xi32, #tpu.memory_space<vmem>> -> memref<112xi32, #tpu.memory_space<vmem>>
    %dma_wait3A_581 = arith.constant 0 : i32
    %dma_wait3A_582 = arith.constant 0 : i32
    %dma_wait3A_583 = tpu.memref_slice %arg2[%dma_wait3A_581, %dma_wait3A_582] : memref<50176x96xf32, #tpu.memory_space<hbm>> -> memref<50176x96xf32, #tpu.memory_space<hbm>>
    tpu.wait_indirect_dma semaphore(%arg7 : memref<!tpu.dma_semaphore, #tpu.memory_space<semaphore_mem>>) src(%dma_wait3A_583 : memref<50176x96xf32, #tpu.memory_space<hbm>>) dst(%dma_wait3A_577 : memref<112x96xf32, #tpu.memory_space<vmem>>)
    %dma_wait3A_584 = arith.constant 0 : i32
    %dma_wait3A_585 = arith.constant 0 : i32
    %dma_wait3A_586 = arith.constant 0 : i32
    %dma_wait3A_587 = tpu.memref_slice %arg6[%dma_wait3A_584, %dma_wait3A_585, %dma_wait3A_586] : memref<2x112x96xf32, #tpu.memory_space<vmem>> -> memref<1x112x96xf32, #tpu.memory_space<vmem>>
    %dma_wait3A_588 = tpu.memref_squeeze %dma_wait3A_587 : memref<1x112x96xf32, #tpu.memory_space<vmem>> -> memref<112x96xf32, #tpu.memory_space<vmem>>
    %dma_wait3A_589 = arith.constant 0 : i32
    %dma_wait3A_590 = tpu.memref_slice %arg4[%add3A_558, %dma_wait3A_589] : memref<50176x96xf32, #tpu.memory_space<hbm>> -> memref<112x96xf32, #tpu.memory_space<hbm>>
    %dma_wait3A_591 = arith.constant 0 : i32
    %dma_wait3A_592 = tpu.memref_slice %arg4[%add3A_558, %dma_wait3A_591] : memref<50176x96xf32, #tpu.memory_space<hbm>> -> memref<112x96xf32, #tpu.memory_space<hbm>>
    %dma_wait3A_593 = arith.constant 0 : i32
    %dma_wait3A_594 = arith.constant 0 : i32
    %dma_wait3A_595 = tpu.memref_slice %arg6[%dma_wait3A_584, %dma_wait3A_593, %dma_wait3A_594] : memref<2x112x96xf32, #tpu.memory_space<vmem>> -> memref<1x112x96xf32, #tpu.memory_space<vmem>>
    %dma_wait3A_596 = tpu.memref_squeeze %dma_wait3A_595 : memref<1x112x96xf32, #tpu.memory_space<vmem>> -> memref<112x96xf32, #tpu.memory_space<vmem>>
    tpu.wait_dma2 semaphore(%arg8 : memref<!tpu.dma_semaphore, #tpu.memory_space<semaphore_mem>>) src(%dma_wait3A_596 : memref<112x96xf32, #tpu.memory_space<vmem>>) dst(%dma_wait3A_592 : memref<112x96xf32, #tpu.memory_space<hbm>>)
    %dma_start3A_597 = arith.constant 12 : i32
    %dma_start3A_598 = arith.constant 0 : i32
    %dma_start3A_599 = arith.constant 0 : i32
    %dma_start3A_600 = arith.constant 0 : i32
    %dma_start3A_601 = tpu.memref_slice %arg6[%dma_start3A_598, %dma_start3A_599, %dma_start3A_600] : memref<2x112x96xf32, #tpu.memory_space<vmem>> -> memref<1x112x96xf32, #tpu.memory_space<vmem>>
    %dma_start3A_602 = tpu.memref_squeeze %dma_start3A_601 : memref<1x112x96xf32, #tpu.memory_space<vmem>> -> memref<112x96xf32, #tpu.memory_space<vmem>>
    %dma_start3A_603 = arith.constant 0 : i32
    %dma_start3A_604 = tpu.memref_slice %arg5[%dma_start3A_597, %dma_start3A_603] : memref<14x112xi32, #tpu.memory_space<vmem>> -> memref<1x112xi32, #tpu.memory_space<vmem>>
    %dma_start3A_605 = tpu.memref_squeeze %dma_start3A_604 : memref<1x112xi32, #tpu.memory_space<vmem>> -> memref<112xi32, #tpu.memory_space<vmem>>
    %dma_start3A_606 = arith.constant 0 : i32
    %dma_start3A_607 = arith.constant 0 : i32
    %dma_start3A_608 = tpu.memref_slice %arg2[%dma_start3A_606, %dma_start3A_607] : memref<50176x96xf32, #tpu.memory_space<hbm>> -> memref<50176x96xf32, #tpu.memory_space<hbm>>
    tpu.enqueue_indirect_dma source(%dma_start3A_608 : memref<50176x96xf32, #tpu.memory_space<hbm>>) target(%dma_start3A_602 : memref<112x96xf32, #tpu.memory_space<vmem>>) offsets(%dma_start3A_605 : memref<112xi32, #tpu.memory_space<vmem>>) semaphore(%arg7 : memref<!tpu.dma_semaphore, #tpu.memory_space<semaphore_mem>>)
    %add3A_609 = arith.constant 1232 : i32
    %add3A_610 = arith.addi %mul3A_2, %add3A_609 : i32
    %dma_start3A_611 = arith.constant 1 : i32
    %dma_start3A_612 = arith.constant 0 : i32
    %dma_start3A_613 = arith.constant 0 : i32
    %dma_start3A_614 = tpu.memref_slice %arg6[%dma_start3A_611, %dma_start3A_612, %dma_start3A_613] : memref<2x112x96xf32, #tpu.memory_space<vmem>> -> memref<1x112x96xf32, #tpu.memory_space<vmem>>
    %dma_start3A_615 = tpu.memref_squeeze %dma_start3A_614 : memref<1x112x96xf32, #tpu.memory_space<vmem>> -> memref<112x96xf32, #tpu.memory_space<vmem>>
    %dma_start3A_616 = arith.constant 0 : i32
    %dma_start3A_617 = tpu.memref_slice %arg4[%add3A_610, %dma_start3A_616] : memref<50176x96xf32, #tpu.memory_space<hbm>> -> memref<112x96xf32, #tpu.memory_space<hbm>>
    %dma_start3A_618 = arith.constant 0 : i32
    %dma_start3A_619 = tpu.memref_slice %arg4[%add3A_610, %dma_start3A_618] : memref<50176x96xf32, #tpu.memory_space<hbm>> -> memref<112x96xf32, #tpu.memory_space<hbm>>
    %dma_start3A_620 = arith.constant 0 : i32
    %dma_start3A_621 = arith.constant 0 : i32
    %dma_start3A_622 = tpu.memref_slice %arg6[%dma_start3A_611, %dma_start3A_620, %dma_start3A_621] : memref<2x112x96xf32, #tpu.memory_space<vmem>> -> memref<1x112x96xf32, #tpu.memory_space<vmem>>
    %dma_start3A_623 = tpu.memref_squeeze %dma_start3A_622 : memref<1x112x96xf32, #tpu.memory_space<vmem>> -> memref<112x96xf32, #tpu.memory_space<vmem>>
    tpu.enqueue_dma source(%dma_start3A_623 : memref<112x96xf32, #tpu.memory_space<vmem>>) target(%dma_start3A_619 : memref<112x96xf32, #tpu.memory_space<hbm>>) target_semaphore(%arg8 : memref<!tpu.dma_semaphore, #tpu.memory_space<semaphore_mem>>)
    %dma_wait3A_624 = arith.constant 12 : i32
    %dma_wait3A_625 = arith.constant 0 : i32
    %dma_wait3A_626 = arith.constant 0 : i32
    %dma_wait3A_627 = arith.constant 0 : i32
    %dma_wait3A_628 = tpu.memref_slice %arg6[%dma_wait3A_625, %dma_wait3A_626, %dma_wait3A_627] : memref<2x112x96xf32, #tpu.memory_space<vmem>> -> memref<1x112x96xf32, #tpu.memory_space<vmem>>
    %dma_wait3A_629 = tpu.memref_squeeze %dma_wait3A_628 : memref<1x112x96xf32, #tpu.memory_space<vmem>> -> memref<112x96xf32, #tpu.memory_space<vmem>>
    %dma_wait3A_630 = arith.constant 0 : i32
    %dma_wait3A_631 = tpu.memref_slice %arg5[%dma_wait3A_624, %dma_wait3A_630] : memref<14x112xi32, #tpu.memory_space<vmem>> -> memref<1x112xi32, #tpu.memory_space<vmem>>
    %dma_wait3A_632 = tpu.memref_squeeze %dma_wait3A_631 : memref<1x112xi32, #tpu.memory_space<vmem>> -> memref<112xi32, #tpu.memory_space<vmem>>
    %dma_wait3A_633 = arith.constant 0 : i32
    %dma_wait3A_634 = arith.constant 0 : i32
    %dma_wait3A_635 = tpu.memref_slice %arg2[%dma_wait3A_633, %dma_wait3A_634] : memref<50176x96xf32, #tpu.memory_space<hbm>> -> memref<50176x96xf32, #tpu.memory_space<hbm>>
    tpu.wait_indirect_dma semaphore(%arg7 : memref<!tpu.dma_semaphore, #tpu.memory_space<semaphore_mem>>) src(%dma_wait3A_635 : memref<50176x96xf32, #tpu.memory_space<hbm>>) dst(%dma_wait3A_629 : memref<112x96xf32, #tpu.memory_space<vmem>>)
    %dma_wait3A_636 = arith.constant 1 : i32
    %dma_wait3A_637 = arith.constant 0 : i32
    %dma_wait3A_638 = arith.constant 0 : i32
    %dma_wait3A_639 = tpu.memref_slice %arg6[%dma_wait3A_636, %dma_wait3A_637, %dma_wait3A_638] : memref<2x112x96xf32, #tpu.memory_space<vmem>> -> memref<1x112x96xf32, #tpu.memory_space<vmem>>
    %dma_wait3A_640 = tpu.memref_squeeze %dma_wait3A_639 : memref<1x112x96xf32, #tpu.memory_space<vmem>> -> memref<112x96xf32, #tpu.memory_space<vmem>>
    %dma_wait3A_641 = arith.constant 0 : i32
    %dma_wait3A_642 = tpu.memref_slice %arg4[%add3A_610, %dma_wait3A_641] : memref<50176x96xf32, #tpu.memory_space<hbm>> -> memref<112x96xf32, #tpu.memory_space<hbm>>
    %dma_wait3A_643 = arith.constant 0 : i32
    %dma_wait3A_644 = tpu.memref_slice %arg4[%add3A_610, %dma_wait3A_643] : memref<50176x96xf32, #tpu.memory_space<hbm>> -> memref<112x96xf32, #tpu.memory_space<hbm>>
    %dma_wait3A_645 = arith.constant 0 : i32
    %dma_wait3A_646 = arith.constant 0 : i32
    %dma_wait3A_647 = tpu.memref_slice %arg6[%dma_wait3A_636, %dma_wait3A_645, %dma_wait3A_646] : memref<2x112x96xf32, #tpu.memory_space<vmem>> -> memref<1x112x96xf32, #tpu.memory_space<vmem>>
    %dma_wait3A_648 = tpu.memref_squeeze %dma_wait3A_647 : memref<1x112x96xf32, #tpu.memory_space<vmem>> -> memref<112x96xf32, #tpu.memory_space<vmem>>
    tpu.wait_dma2 semaphore(%arg8 : memref<!tpu.dma_semaphore, #tpu.memory_space<semaphore_mem>>) src(%dma_wait3A_648 : memref<112x96xf32, #tpu.memory_space<vmem>>) dst(%dma_wait3A_644 : memref<112x96xf32, #tpu.memory_space<hbm>>)
    %dma_start3A_649 = arith.constant 13 : i32
    %dma_start3A_650 = arith.constant 1 : i32
    %dma_start3A_651 = arith.constant 0 : i32
    %dma_start3A_652 = arith.constant 0 : i32
    %dma_start3A_653 = tpu.memref_slice %arg6[%dma_start3A_650, %dma_start3A_651, %dma_start3A_652] : memref<2x112x96xf32, #tpu.memory_space<vmem>> -> memref<1x112x96xf32, #tpu.memory_space<vmem>>
    %dma_start3A_654 = tpu.memref_squeeze %dma_start3A_653 : memref<1x112x96xf32, #tpu.memory_space<vmem>> -> memref<112x96xf32, #tpu.memory_space<vmem>>
    %dma_start3A_655 = arith.constant 0 : i32
    %dma_start3A_656 = tpu.memref_slice %arg5[%dma_start3A_649, %dma_start3A_655] : memref<14x112xi32, #tpu.memory_space<vmem>> -> memref<1x112xi32, #tpu.memory_space<vmem>>
    %dma_start3A_657 = tpu.memref_squeeze %dma_start3A_656 : memref<1x112xi32, #tpu.memory_space<vmem>> -> memref<112xi32, #tpu.memory_space<vmem>>
    %dma_start3A_658 = arith.constant 0 : i32
    %dma_start3A_659 = arith.constant 0 : i32
    %dma_start3A_660 = tpu.memref_slice %arg2[%dma_start3A_658, %dma_start3A_659] : memref<50176x96xf32, #tpu.memory_space<hbm>> -> memref<50176x96xf32, #tpu.memory_space<hbm>>
    tpu.enqueue_indirect_dma source(%dma_start3A_660 : memref<50176x96xf32, #tpu.memory_space<hbm>>) target(%dma_start3A_654 : memref<112x96xf32, #tpu.memory_space<vmem>>) offsets(%dma_start3A_657 : memref<112xi32, #tpu.memory_space<vmem>>) semaphore(%arg7 : memref<!tpu.dma_semaphore, #tpu.memory_space<semaphore_mem>>)
    %add3A_661 = arith.constant 1344 : i32
    %add3A_662 = arith.addi %mul3A_2, %add3A_661 : i32
    %dma_start3A_663 = arith.constant 0 : i32
    %dma_start3A_664 = arith.constant 0 : i32
    %dma_start3A_665 = arith.constant 0 : i32
    %dma_start3A_666 = tpu.memref_slice %arg6[%dma_start3A_663, %dma_start3A_664, %dma_start3A_665] : memref<2x112x96xf32, #tpu.memory_space<vmem>> -> memref<1x112x96xf32, #tpu.memory_space<vmem>>
    %dma_start3A_667 = tpu.memref_squeeze %dma_start3A_666 : memref<1x112x96xf32, #tpu.memory_space<vmem>> -> memref<112x96xf32, #tpu.memory_space<vmem>>
    %dma_start3A_668 = arith.constant 0 : i32
    %dma_start3A_669 = tpu.memref_slice %arg4[%add3A_662, %dma_start3A_668] : memref<50176x96xf32, #tpu.memory_space<hbm>> -> memref<112x96xf32, #tpu.memory_space<hbm>>
    %dma_start3A_670 = arith.constant 0 : i32
    %dma_start3A_671 = tpu.memref_slice %arg4[%add3A_662, %dma_start3A_670] : memref<50176x96xf32, #tpu.memory_space<hbm>> -> memref<112x96xf32, #tpu.memory_space<hbm>>
    %dma_start3A_672 = arith.constant 0 : i32
    %dma_start3A_673 = arith.constant 0 : i32
    %dma_start3A_674 = tpu.memref_slice %arg6[%dma_start3A_663, %dma_start3A_672, %dma_start3A_673] : memref<2x112x96xf32, #tpu.memory_space<vmem>> -> memref<1x112x96xf32, #tpu.memory_space<vmem>>
    %dma_start3A_675 = tpu.memref_squeeze %dma_start3A_674 : memref<1x112x96xf32, #tpu.memory_space<vmem>> -> memref<112x96xf32, #tpu.memory_space<vmem>>
    tpu.enqueue_dma source(%dma_start3A_675 : memref<112x96xf32, #tpu.memory_space<vmem>>) target(%dma_start3A_671 : memref<112x96xf32, #tpu.memory_space<hbm>>) target_semaphore(%arg8 : memref<!tpu.dma_semaphore, #tpu.memory_space<semaphore_mem>>)
    %dma_wait3A_676 = arith.constant 13 : i32
    %dma_wait3A_677 = arith.constant 1 : i32
    %dma_wait3A_678 = arith.constant 0 : i32
    %dma_wait3A_679 = arith.constant 0 : i32
    %dma_wait3A_680 = tpu.memref_slice %arg6[%dma_wait3A_677, %dma_wait3A_678, %dma_wait3A_679] : memref<2x112x96xf32, #tpu.memory_space<vmem>> -> memref<1x112x96xf32, #tpu.memory_space<vmem>>
    %dma_wait3A_681 = tpu.memref_squeeze %dma_wait3A_680 : memref<1x112x96xf32, #tpu.memory_space<vmem>> -> memref<112x96xf32, #tpu.memory_space<vmem>>
    %dma_wait3A_682 = arith.constant 0 : i32
    %dma_wait3A_683 = tpu.memref_slice %arg5[%dma_wait3A_676, %dma_wait3A_682] : memref<14x112xi32, #tpu.memory_space<vmem>> -> memref<1x112xi32, #tpu.memory_space<vmem>>
    %dma_wait3A_684 = tpu.memref_squeeze %dma_wait3A_683 : memref<1x112xi32, #tpu.memory_space<vmem>> -> memref<112xi32, #tpu.memory_space<vmem>>
    %dma_wait3A_685 = arith.constant 0 : i32
    %dma_wait3A_686 = arith.constant 0 : i32
    %dma_wait3A_687 = tpu.memref_slice %arg2[%dma_wait3A_685, %dma_wait3A_686] : memref<50176x96xf32, #tpu.memory_space<hbm>> -> memref<50176x96xf32, #tpu.memory_space<hbm>>
    tpu.wait_indirect_dma semaphore(%arg7 : memref<!tpu.dma_semaphore, #tpu.memory_space<semaphore_mem>>) src(%dma_wait3A_687 : memref<50176x96xf32, #tpu.memory_space<hbm>>) dst(%dma_wait3A_681 : memref<112x96xf32, #tpu.memory_space<vmem>>)
    %dma_wait3A_688 = arith.constant 0 : i32
    %dma_wait3A_689 = arith.constant 0 : i32
    %dma_wait3A_690 = arith.constant 0 : i32
    %dma_wait3A_691 = tpu.memref_slice %arg6[%dma_wait3A_688, %dma_wait3A_689, %dma_wait3A_690] : memref<2x112x96xf32, #tpu.memory_space<vmem>> -> memref<1x112x96xf32, #tpu.memory_space<vmem>>
    %dma_wait3A_692 = tpu.memref_squeeze %dma_wait3A_691 : memref<1x112x96xf32, #tpu.memory_space<vmem>> -> memref<112x96xf32, #tpu.memory_space<vmem>>
    %dma_wait3A_693 = arith.constant 0 : i32
    %dma_wait3A_694 = tpu.memref_slice %arg4[%add3A_662, %dma_wait3A_693] : memref<50176x96xf32, #tpu.memory_space<hbm>> -> memref<112x96xf32, #tpu.memory_space<hbm>>
    %dma_wait3A_695 = arith.constant 0 : i32
    %dma_wait3A_696 = tpu.memref_slice %arg4[%add3A_662, %dma_wait3A_695] : memref<50176x96xf32, #tpu.memory_space<hbm>> -> memref<112x96xf32, #tpu.memory_space<hbm>>
    %dma_wait3A_697 = arith.constant 0 : i32
    %dma_wait3A_698 = arith.constant 0 : i32
    %dma_wait3A_699 = tpu.memref_slice %arg6[%dma_wait3A_688, %dma_wait3A_697, %dma_wait3A_698] : memref<2x112x96xf32, #tpu.memory_space<vmem>> -> memref<1x112x96xf32, #tpu.memory_space<vmem>>
    %dma_wait3A_700 = tpu.memref_squeeze %dma_wait3A_699 : memref<1x112x96xf32, #tpu.memory_space<vmem>> -> memref<112x96xf32, #tpu.memory_space<vmem>>
    tpu.wait_dma2 semaphore(%arg8 : memref<!tpu.dma_semaphore, #tpu.memory_space<semaphore_mem>>) src(%dma_wait3A_700 : memref<112x96xf32, #tpu.memory_space<vmem>>) dst(%dma_wait3A_696 : memref<112x96xf32, #tpu.memory_space<hbm>>)
    %add3A_701 = arith.constant 1456 : i32
    %add3A_702 = arith.addi %mul3A_2, %add3A_701 : i32
    %dma_start3A_703 = arith.constant 1 : i32
    %dma_start3A_704 = arith.constant 0 : i32
    %dma_start3A_705 = arith.constant 0 : i32
    %dma_start3A_706 = tpu.memref_slice %arg6[%dma_start3A_703, %dma_start3A_704, %dma_start3A_705] : memref<2x112x96xf32, #tpu.memory_space<vmem>> -> memref<1x112x96xf32, #tpu.memory_space<vmem>>
    %dma_start3A_707 = tpu.memref_squeeze %dma_start3A_706 : memref<1x112x96xf32, #tpu.memory_space<vmem>> -> memref<112x96xf32, #tpu.memory_space<vmem>>
    %dma_start3A_708 = arith.constant 0 : i32
    %dma_start3A_709 = tpu.memref_slice %arg4[%add3A_702, %dma_start3A_708] : memref<50176x96xf32, #tpu.memory_space<hbm>> -> memref<112x96xf32, #tpu.memory_space<hbm>>
    %dma_start3A_710 = arith.constant 0 : i32
    %dma_start3A_711 = tpu.memref_slice %arg4[%add3A_702, %dma_start3A_710] : memref<50176x96xf32, #tpu.memory_space<hbm>> -> memref<112x96xf32, #tpu.memory_space<hbm>>
    %dma_start3A_712 = arith.constant 0 : i32
    %dma_start3A_713 = arith.constant 0 : i32
    %dma_start3A_714 = tpu.memref_slice %arg6[%dma_start3A_703, %dma_start3A_712, %dma_start3A_713] : memref<2x112x96xf32, #tpu.memory_space<vmem>> -> memref<1x112x96xf32, #tpu.memory_space<vmem>>
    %dma_start3A_715 = tpu.memref_squeeze %dma_start3A_714 : memref<1x112x96xf32, #tpu.memory_space<vmem>> -> memref<112x96xf32, #tpu.memory_space<vmem>>
    tpu.enqueue_dma source(%dma_start3A_715 : memref<112x96xf32, #tpu.memory_space<vmem>>) target(%dma_start3A_711 : memref<112x96xf32, #tpu.memory_space<hbm>>) target_semaphore(%arg8 : memref<!tpu.dma_semaphore, #tpu.memory_space<semaphore_mem>>)
    %dma_wait3A_716 = arith.constant 1 : i32
    %dma_wait3A_717 = arith.constant 0 : i32
    %dma_wait3A_718 = arith.constant 0 : i32
    %dma_wait3A_719 = tpu.memref_slice %arg6[%dma_wait3A_716, %dma_wait3A_717, %dma_wait3A_718] : memref<2x112x96xf32, #tpu.memory_space<vmem>> -> memref<1x112x96xf32, #tpu.memory_space<vmem>>
    %dma_wait3A_720 = tpu.memref_squeeze %dma_wait3A_719 : memref<1x112x96xf32, #tpu.memory_space<vmem>> -> memref<112x96xf32, #tpu.memory_space<vmem>>
    %dma_wait3A_721 = arith.constant 0 : i32
    %dma_wait3A_722 = tpu.memref_slice %arg4[%add3A_702, %dma_wait3A_721] : memref<50176x96xf32, #tpu.memory_space<hbm>> -> memref<112x96xf32, #tpu.memory_space<hbm>>
    %dma_wait3A_723 = arith.constant 0 : i32
    %dma_wait3A_724 = tpu.memref_slice %arg4[%add3A_702, %dma_wait3A_723] : memref<50176x96xf32, #tpu.memory_space<hbm>> -> memref<112x96xf32, #tpu.memory_space<hbm>>
    %dma_wait3A_725 = arith.constant 0 : i32
    %dma_wait3A_726 = arith.constant 0 : i32
    %dma_wait3A_727 = tpu.memref_slice %arg6[%dma_wait3A_716, %dma_wait3A_725, %dma_wait3A_726] : memref<2x112x96xf32, #tpu.memory_space<vmem>> -> memref<1x112x96xf32, #tpu.memory_space<vmem>>
    %dma_wait3A_728 = tpu.memref_squeeze %dma_wait3A_727 : memref<1x112x96xf32, #tpu.memory_space<vmem>> -> memref<112x96xf32, #tpu.memory_space<vmem>>
    tpu.wait_dma2 semaphore(%arg8 : memref<!tpu.dma_semaphore, #tpu.memory_space<semaphore_mem>>) src(%dma_wait3A_728 : memref<112x96xf32, #tpu.memory_space<vmem>>) dst(%dma_wait3A_724 : memref<112x96xf32, #tpu.memory_space<hbm>>)
    return
  }
}

#map = affine_map<(d0, d1) -> (0, 0)>
#map1 = affine_map<(d0, d1) -> (0, 0, 0)>
module attributes {stable_mosaic.version = 14 : i64} {
  func.func @sc_scatter(%arg0: i32, %arg1: i32, %arg2: memref<50176x96xf32, #tpu.memory_space<hbm>>, %arg3: memref<32x14x112xi32, #tpu.memory_space<hbm>>, %arg4: memref<50176x96xf32, #tpu.memory_space<hbm>>, %arg5: memref<14x112xi32, #tpu.memory_space<vmem>>, %arg6: memref<2x112x96xf32, #tpu.memory_space<vmem>>, %arg7: memref<!tpu.dma_semaphore, #tpu.memory_space<semaphore_mem>>, %arg8: memref<!tpu.dma_semaphore, #tpu.memory_space<semaphore_mem>>) attributes {dimension_semantics = [#tpu.dimension_semantics<core_parallel>, #tpu.dimension_semantics<subcore_parallel>], iteration_bounds = array<i64: 2, 16>, scalar_prefetch = 0 : i64, scratch_operands = 4 : i64, tpu.core_type = #tpu.core_type<sc_vector_subcore>, window_params = [{transform_indices = #map}, {transform_indices = #map1}, {transform_indices = #map}]} {
    %mul3A = arith.constant 2 : i32
    %mul3A_0 = arith.muli %arg1, %mul3A : i32
    %add3A = arith.addi %mul3A_0, %arg0 : i32
    %mul3A_1 = arith.constant 1568 : i32
    %mul3A_2 = arith.muli %add3A, %mul3A_1 : i32
    "tpu.region"() ({
      %run_scoped3A = tpu.sem_alloc : memref<!tpu.dma_semaphore, #tpu.memory_space<semaphore_mem>>
      %dma_start3A_729 = arith.constant 0 : i32
      %dma_start3A_730 = arith.constant 0 : i32
      %dma_start3A_731 = tpu.memref_slice %arg3[%add3A, %dma_start3A_729, %dma_start3A_730] : memref<32x14x112xi32, #tpu.memory_space<hbm>> -> memref<1x14x112xi32, #tpu.memory_space<hbm>>
      %dma_start3A_732 = tpu.memref_squeeze %dma_start3A_731 : memref<1x14x112xi32, #tpu.memory_space<hbm>> -> memref<14x112xi32, #tpu.memory_space<hbm>>
      %dma_start3A_733 = arith.constant 0 : i32
      %dma_start3A_734 = arith.constant 0 : i32
      %dma_start3A_735 = tpu.memref_slice %arg3[%add3A, %dma_start3A_733, %dma_start3A_734] : memref<32x14x112xi32, #tpu.memory_space<hbm>> -> memref<1x14x112xi32, #tpu.memory_space<hbm>>
      %dma_start3A_736 = tpu.memref_squeeze %dma_start3A_735 : memref<1x14x112xi32, #tpu.memory_space<hbm>> -> memref<14x112xi32, #tpu.memory_space<hbm>>
      tpu.enqueue_dma source(%dma_start3A_736 : memref<14x112xi32, #tpu.memory_space<hbm>>) target(%arg5 : memref<14x112xi32, #tpu.memory_space<vmem>>) target_semaphore(%run_scoped3A : memref<!tpu.dma_semaphore, #tpu.memory_space<semaphore_mem>>)
      %dma_wait3A_737 = arith.constant 0 : i32
      %dma_wait3A_738 = arith.constant 0 : i32
      %dma_wait3A_739 = tpu.memref_slice %arg3[%add3A, %dma_wait3A_737, %dma_wait3A_738] : memref<32x14x112xi32, #tpu.memory_space<hbm>> -> memref<1x14x112xi32, #tpu.memory_space<hbm>>
      %dma_wait3A_740 = tpu.memref_squeeze %dma_wait3A_739 : memref<1x14x112xi32, #tpu.memory_space<hbm>> -> memref<14x112xi32, #tpu.memory_space<hbm>>
      %dma_wait3A_741 = arith.constant 0 : i32
      %dma_wait3A_742 = arith.constant 0 : i32
      %dma_wait3A_743 = tpu.memref_slice %arg3[%add3A, %dma_wait3A_741, %dma_wait3A_742] : memref<32x14x112xi32, #tpu.memory_space<hbm>> -> memref<1x14x112xi32, #tpu.memory_space<hbm>>
      %dma_wait3A_744 = tpu.memref_squeeze %dma_wait3A_743 : memref<1x14x112xi32, #tpu.memory_space<hbm>> -> memref<14x112xi32, #tpu.memory_space<hbm>>
      tpu.wait_dma2 semaphore(%run_scoped3A : memref<!tpu.dma_semaphore, #tpu.memory_space<semaphore_mem>>) src(%dma_wait3A_744 : memref<14x112xi32, #tpu.memory_space<hbm>>) dst(%arg5 : memref<14x112xi32, #tpu.memory_space<vmem>>)
      tpu.yield
    }) : () -> ()
    %add3A_3 = arith.constant 0 : i32
    %add3A_4 = arith.addi %mul3A_2, %add3A_3 : i32
    %dma_start3A = arith.constant 0 : i32
    %dma_start3A_5 = arith.constant 0 : i32
    %dma_start3A_6 = arith.constant 0 : i32
    %dma_start3A_7 = tpu.memref_slice %arg6[%dma_start3A, %dma_start3A_5, %dma_start3A_6] : memref<2x112x96xf32, #tpu.memory_space<vmem>> -> memref<1x112x96xf32, #tpu.memory_space<vmem>>
    %dma_start3A_8 = tpu.memref_squeeze %dma_start3A_7 : memref<1x112x96xf32, #tpu.memory_space<vmem>> -> memref<112x96xf32, #tpu.memory_space<vmem>>
    %dma_start3A_9 = arith.constant 0 : i32
    %dma_start3A_10 = tpu.memref_slice %arg2[%add3A_4, %dma_start3A_9] : memref<50176x96xf32, #tpu.memory_space<hbm>> -> memref<112x96xf32, #tpu.memory_space<hbm>>
    %dma_start3A_11 = arith.constant 0 : i32
    %dma_start3A_12 = arith.constant 0 : i32
    %dma_start3A_13 = tpu.memref_slice %arg6[%dma_start3A, %dma_start3A_11, %dma_start3A_12] : memref<2x112x96xf32, #tpu.memory_space<vmem>> -> memref<1x112x96xf32, #tpu.memory_space<vmem>>
    %dma_start3A_14 = tpu.memref_squeeze %dma_start3A_13 : memref<1x112x96xf32, #tpu.memory_space<vmem>> -> memref<112x96xf32, #tpu.memory_space<vmem>>
    %dma_start3A_15 = arith.constant 0 : i32
    %dma_start3A_16 = tpu.memref_slice %arg2[%add3A_4, %dma_start3A_15] : memref<50176x96xf32, #tpu.memory_space<hbm>> -> memref<112x96xf32, #tpu.memory_space<hbm>>
    tpu.enqueue_dma source(%dma_start3A_16 : memref<112x96xf32, #tpu.memory_space<hbm>>) target(%dma_start3A_14 : memref<112x96xf32, #tpu.memory_space<vmem>>) target_semaphore(%arg7 : memref<!tpu.dma_semaphore, #tpu.memory_space<semaphore_mem>>)
    %dma_wait3A = arith.constant 0 : i32
    %dma_wait3A_17 = arith.constant 0 : i32
    %dma_wait3A_18 = arith.constant 0 : i32
    %dma_wait3A_19 = tpu.memref_slice %arg6[%dma_wait3A, %dma_wait3A_17, %dma_wait3A_18] : memref<2x112x96xf32, #tpu.memory_space<vmem>> -> memref<1x112x96xf32, #tpu.memory_space<vmem>>
    %dma_wait3A_20 = tpu.memref_squeeze %dma_wait3A_19 : memref<1x112x96xf32, #tpu.memory_space<vmem>> -> memref<112x96xf32, #tpu.memory_space<vmem>>
    %dma_wait3A_21 = arith.constant 0 : i32
    %dma_wait3A_22 = tpu.memref_slice %arg2[%add3A_4, %dma_wait3A_21] : memref<50176x96xf32, #tpu.memory_space<hbm>> -> memref<112x96xf32, #tpu.memory_space<hbm>>
    %dma_wait3A_23 = arith.constant 0 : i32
    %dma_wait3A_24 = arith.constant 0 : i32
    %dma_wait3A_25 = tpu.memref_slice %arg6[%dma_wait3A, %dma_wait3A_23, %dma_wait3A_24] : memref<2x112x96xf32, #tpu.memory_space<vmem>> -> memref<1x112x96xf32, #tpu.memory_space<vmem>>
    %dma_wait3A_26 = tpu.memref_squeeze %dma_wait3A_25 : memref<1x112x96xf32, #tpu.memory_space<vmem>> -> memref<112x96xf32, #tpu.memory_space<vmem>>
    %dma_wait3A_27 = arith.constant 0 : i32
    %dma_wait3A_28 = tpu.memref_slice %arg2[%add3A_4, %dma_wait3A_27] : memref<50176x96xf32, #tpu.memory_space<hbm>> -> memref<112x96xf32, #tpu.memory_space<hbm>>
    tpu.wait_dma2 semaphore(%arg7 : memref<!tpu.dma_semaphore, #tpu.memory_space<semaphore_mem>>) src(%dma_wait3A_28 : memref<112x96xf32, #tpu.memory_space<hbm>>) dst(%dma_wait3A_26 : memref<112x96xf32, #tpu.memory_space<vmem>>)
    %add3A_29 = arith.constant 112 : i32
    %add3A_30 = arith.addi %mul3A_2, %add3A_29 : i32
    %dma_start3A_31 = arith.constant 1 : i32
    %dma_start3A_32 = arith.constant 0 : i32
    %dma_start3A_33 = arith.constant 0 : i32
    %dma_start3A_34 = tpu.memref_slice %arg6[%dma_start3A_31, %dma_start3A_32, %dma_start3A_33] : memref<2x112x96xf32, #tpu.memory_space<vmem>> -> memref<1x112x96xf32, #tpu.memory_space<vmem>>
    %dma_start3A_35 = tpu.memref_squeeze %dma_start3A_34 : memref<1x112x96xf32, #tpu.memory_space<vmem>> -> memref<112x96xf32, #tpu.memory_space<vmem>>
    %dma_start3A_36 = arith.constant 0 : i32
    %dma_start3A_37 = tpu.memref_slice %arg2[%add3A_30, %dma_start3A_36] : memref<50176x96xf32, #tpu.memory_space<hbm>> -> memref<112x96xf32, #tpu.memory_space<hbm>>
    %dma_start3A_38 = arith.constant 0 : i32
    %dma_start3A_39 = arith.constant 0 : i32
    %dma_start3A_40 = tpu.memref_slice %arg6[%dma_start3A_31, %dma_start3A_38, %dma_start3A_39] : memref<2x112x96xf32, #tpu.memory_space<vmem>> -> memref<1x112x96xf32, #tpu.memory_space<vmem>>
    %dma_start3A_41 = tpu.memref_squeeze %dma_start3A_40 : memref<1x112x96xf32, #tpu.memory_space<vmem>> -> memref<112x96xf32, #tpu.memory_space<vmem>>
    %dma_start3A_42 = arith.constant 0 : i32
    %dma_start3A_43 = tpu.memref_slice %arg2[%add3A_30, %dma_start3A_42] : memref<50176x96xf32, #tpu.memory_space<hbm>> -> memref<112x96xf32, #tpu.memory_space<hbm>>
    tpu.enqueue_dma source(%dma_start3A_43 : memref<112x96xf32, #tpu.memory_space<hbm>>) target(%dma_start3A_41 : memref<112x96xf32, #tpu.memory_space<vmem>>) target_semaphore(%arg7 : memref<!tpu.dma_semaphore, #tpu.memory_space<semaphore_mem>>)
    %dma_start3A_44 = arith.constant 0 : i32
    %dma_start3A_45 = arith.constant 0 : i32
    %dma_start3A_46 = arith.constant 0 : i32
    %dma_start3A_47 = arith.constant 0 : i32
    %dma_start3A_48 = tpu.memref_slice %arg6[%dma_start3A_44, %dma_start3A_46, %dma_start3A_47] : memref<2x112x96xf32, #tpu.memory_space<vmem>> -> memref<1x112x96xf32, #tpu.memory_space<vmem>>
    %dma_start3A_49 = tpu.memref_squeeze %dma_start3A_48 : memref<1x112x96xf32, #tpu.memory_space<vmem>> -> memref<112x96xf32, #tpu.memory_space<vmem>>
    %dma_start3A_50 = arith.constant 0 : i32
    %dma_start3A_51 = tpu.memref_slice %arg5[%dma_start3A_45, %dma_start3A_50] : memref<14x112xi32, #tpu.memory_space<vmem>> -> memref<1x112xi32, #tpu.memory_space<vmem>>
    %dma_start3A_52 = tpu.memref_squeeze %dma_start3A_51 : memref<1x112xi32, #tpu.memory_space<vmem>> -> memref<112xi32, #tpu.memory_space<vmem>>
    %dma_start3A_53 = arith.constant 0 : i32
    %dma_start3A_54 = arith.constant 0 : i32
    %dma_start3A_55 = tpu.memref_slice %arg4[%dma_start3A_53, %dma_start3A_54] : memref<50176x96xf32, #tpu.memory_space<hbm>> -> memref<50176x96xf32, #tpu.memory_space<hbm>>
    tpu.enqueue_indirect_dma source(%dma_start3A_49 : memref<112x96xf32, #tpu.memory_space<vmem>>) target(%dma_start3A_55 : memref<50176x96xf32, #tpu.memory_space<hbm>>) offsets(%dma_start3A_52 : memref<112xi32, #tpu.memory_space<vmem>>) semaphore(%arg8 : memref<!tpu.dma_semaphore, #tpu.memory_space<semaphore_mem>>)
    %dma_wait3A_56 = arith.constant 1 : i32
    %dma_wait3A_57 = arith.constant 0 : i32
    %dma_wait3A_58 = arith.constant 0 : i32
    %dma_wait3A_59 = tpu.memref_slice %arg6[%dma_wait3A_56, %dma_wait3A_57, %dma_wait3A_58] : memref<2x112x96xf32, #tpu.memory_space<vmem>> -> memref<1x112x96xf32, #tpu.memory_space<vmem>>
    %dma_wait3A_60 = tpu.memref_squeeze %dma_wait3A_59 : memref<1x112x96xf32, #tpu.memory_space<vmem>> -> memref<112x96xf32, #tpu.memory_space<vmem>>
    %dma_wait3A_61 = arith.constant 0 : i32
    %dma_wait3A_62 = tpu.memref_slice %arg2[%add3A_30, %dma_wait3A_61] : memref<50176x96xf32, #tpu.memory_space<hbm>> -> memref<112x96xf32, #tpu.memory_space<hbm>>
    %dma_wait3A_63 = arith.constant 0 : i32
    %dma_wait3A_64 = arith.constant 0 : i32
    %dma_wait3A_65 = tpu.memref_slice %arg6[%dma_wait3A_56, %dma_wait3A_63, %dma_wait3A_64] : memref<2x112x96xf32, #tpu.memory_space<vmem>> -> memref<1x112x96xf32, #tpu.memory_space<vmem>>
    %dma_wait3A_66 = tpu.memref_squeeze %dma_wait3A_65 : memref<1x112x96xf32, #tpu.memory_space<vmem>> -> memref<112x96xf32, #tpu.memory_space<vmem>>
    %dma_wait3A_67 = arith.constant 0 : i32
    %dma_wait3A_68 = tpu.memref_slice %arg2[%add3A_30, %dma_wait3A_67] : memref<50176x96xf32, #tpu.memory_space<hbm>> -> memref<112x96xf32, #tpu.memory_space<hbm>>
    tpu.wait_dma2 semaphore(%arg7 : memref<!tpu.dma_semaphore, #tpu.memory_space<semaphore_mem>>) src(%dma_wait3A_68 : memref<112x96xf32, #tpu.memory_space<hbm>>) dst(%dma_wait3A_66 : memref<112x96xf32, #tpu.memory_space<vmem>>)
    %dma_wait3A_69 = arith.constant 0 : i32
    %dma_wait3A_70 = arith.constant 0 : i32
    %dma_wait3A_71 = arith.constant 0 : i32
    %dma_wait3A_72 = arith.constant 0 : i32
    %dma_wait3A_73 = tpu.memref_slice %arg6[%dma_wait3A_69, %dma_wait3A_71, %dma_wait3A_72] : memref<2x112x96xf32, #tpu.memory_space<vmem>> -> memref<1x112x96xf32, #tpu.memory_space<vmem>>
    %dma_wait3A_74 = tpu.memref_squeeze %dma_wait3A_73 : memref<1x112x96xf32, #tpu.memory_space<vmem>> -> memref<112x96xf32, #tpu.memory_space<vmem>>
    %dma_wait3A_75 = arith.constant 0 : i32
    %dma_wait3A_76 = tpu.memref_slice %arg5[%dma_wait3A_70, %dma_wait3A_75] : memref<14x112xi32, #tpu.memory_space<vmem>> -> memref<1x112xi32, #tpu.memory_space<vmem>>
    %dma_wait3A_77 = tpu.memref_squeeze %dma_wait3A_76 : memref<1x112xi32, #tpu.memory_space<vmem>> -> memref<112xi32, #tpu.memory_space<vmem>>
    %dma_wait3A_78 = arith.constant 0 : i32
    %dma_wait3A_79 = arith.constant 0 : i32
    %dma_wait3A_80 = tpu.memref_slice %arg4[%dma_wait3A_78, %dma_wait3A_79] : memref<50176x96xf32, #tpu.memory_space<hbm>> -> memref<50176x96xf32, #tpu.memory_space<hbm>>
    tpu.wait_indirect_dma semaphore(%arg8 : memref<!tpu.dma_semaphore, #tpu.memory_space<semaphore_mem>>) src(%dma_wait3A_74 : memref<112x96xf32, #tpu.memory_space<vmem>>) dst(%dma_wait3A_80 : memref<50176x96xf32, #tpu.memory_space<hbm>>)
    %add3A_81 = arith.constant 224 : i32
    %add3A_82 = arith.addi %mul3A_2, %add3A_81 : i32
    %dma_start3A_83 = arith.constant 0 : i32
    %dma_start3A_84 = arith.constant 0 : i32
    %dma_start3A_85 = arith.constant 0 : i32
    %dma_start3A_86 = tpu.memref_slice %arg6[%dma_start3A_83, %dma_start3A_84, %dma_start3A_85] : memref<2x112x96xf32, #tpu.memory_space<vmem>> -> memref<1x112x96xf32, #tpu.memory_space<vmem>>
    %dma_start3A_87 = tpu.memref_squeeze %dma_start3A_86 : memref<1x112x96xf32, #tpu.memory_space<vmem>> -> memref<112x96xf32, #tpu.memory_space<vmem>>
    %dma_start3A_88 = arith.constant 0 : i32
    %dma_start3A_89 = tpu.memref_slice %arg2[%add3A_82, %dma_start3A_88] : memref<50176x96xf32, #tpu.memory_space<hbm>> -> memref<112x96xf32, #tpu.memory_space<hbm>>
    %dma_start3A_90 = arith.constant 0 : i32
    %dma_start3A_91 = arith.constant 0 : i32
    %dma_start3A_92 = tpu.memref_slice %arg6[%dma_start3A_83, %dma_start3A_90, %dma_start3A_91] : memref<2x112x96xf32, #tpu.memory_space<vmem>> -> memref<1x112x96xf32, #tpu.memory_space<vmem>>
    %dma_start3A_93 = tpu.memref_squeeze %dma_start3A_92 : memref<1x112x96xf32, #tpu.memory_space<vmem>> -> memref<112x96xf32, #tpu.memory_space<vmem>>
    %dma_start3A_94 = arith.constant 0 : i32
    %dma_start3A_95 = tpu.memref_slice %arg2[%add3A_82, %dma_start3A_94] : memref<50176x96xf32, #tpu.memory_space<hbm>> -> memref<112x96xf32, #tpu.memory_space<hbm>>
    tpu.enqueue_dma source(%dma_start3A_95 : memref<112x96xf32, #tpu.memory_space<hbm>>) target(%dma_start3A_93 : memref<112x96xf32, #tpu.memory_space<vmem>>) target_semaphore(%arg7 : memref<!tpu.dma_semaphore, #tpu.memory_space<semaphore_mem>>)
    %dma_start3A_96 = arith.constant 1 : i32
    %dma_start3A_97 = arith.constant 1 : i32
    %dma_start3A_98 = arith.constant 0 : i32
    %dma_start3A_99 = arith.constant 0 : i32
    %dma_start3A_100 = tpu.memref_slice %arg6[%dma_start3A_96, %dma_start3A_98, %dma_start3A_99] : memref<2x112x96xf32, #tpu.memory_space<vmem>> -> memref<1x112x96xf32, #tpu.memory_space<vmem>>
    %dma_start3A_101 = tpu.memref_squeeze %dma_start3A_100 : memref<1x112x96xf32, #tpu.memory_space<vmem>> -> memref<112x96xf32, #tpu.memory_space<vmem>>
    %dma_start3A_102 = arith.constant 0 : i32
    %dma_start3A_103 = tpu.memref_slice %arg5[%dma_start3A_97, %dma_start3A_102] : memref<14x112xi32, #tpu.memory_space<vmem>> -> memref<1x112xi32, #tpu.memory_space<vmem>>
    %dma_start3A_104 = tpu.memref_squeeze %dma_start3A_103 : memref<1x112xi32, #tpu.memory_space<vmem>> -> memref<112xi32, #tpu.memory_space<vmem>>
    %dma_start3A_105 = arith.constant 0 : i32
    %dma_start3A_106 = arith.constant 0 : i32
    %dma_start3A_107 = tpu.memref_slice %arg4[%dma_start3A_105, %dma_start3A_106] : memref<50176x96xf32, #tpu.memory_space<hbm>> -> memref<50176x96xf32, #tpu.memory_space<hbm>>
    tpu.enqueue_indirect_dma source(%dma_start3A_101 : memref<112x96xf32, #tpu.memory_space<vmem>>) target(%dma_start3A_107 : memref<50176x96xf32, #tpu.memory_space<hbm>>) offsets(%dma_start3A_104 : memref<112xi32, #tpu.memory_space<vmem>>) semaphore(%arg8 : memref<!tpu.dma_semaphore, #tpu.memory_space<semaphore_mem>>)
    %dma_wait3A_108 = arith.constant 0 : i32
    %dma_wait3A_109 = arith.constant 0 : i32
    %dma_wait3A_110 = arith.constant 0 : i32
    %dma_wait3A_111 = tpu.memref_slice %arg6[%dma_wait3A_108, %dma_wait3A_109, %dma_wait3A_110] : memref<2x112x96xf32, #tpu.memory_space<vmem>> -> memref<1x112x96xf32, #tpu.memory_space<vmem>>
    %dma_wait3A_112 = tpu.memref_squeeze %dma_wait3A_111 : memref<1x112x96xf32, #tpu.memory_space<vmem>> -> memref<112x96xf32, #tpu.memory_space<vmem>>
    %dma_wait3A_113 = arith.constant 0 : i32
    %dma_wait3A_114 = tpu.memref_slice %arg2[%add3A_82, %dma_wait3A_113] : memref<50176x96xf32, #tpu.memory_space<hbm>> -> memref<112x96xf32, #tpu.memory_space<hbm>>
    %dma_wait3A_115 = arith.constant 0 : i32
    %dma_wait3A_116 = arith.constant 0 : i32
    %dma_wait3A_117 = tpu.memref_slice %arg6[%dma_wait3A_108, %dma_wait3A_115, %dma_wait3A_116] : memref<2x112x96xf32, #tpu.memory_space<vmem>> -> memref<1x112x96xf32, #tpu.memory_space<vmem>>
    %dma_wait3A_118 = tpu.memref_squeeze %dma_wait3A_117 : memref<1x112x96xf32, #tpu.memory_space<vmem>> -> memref<112x96xf32, #tpu.memory_space<vmem>>
    %dma_wait3A_119 = arith.constant 0 : i32
    %dma_wait3A_120 = tpu.memref_slice %arg2[%add3A_82, %dma_wait3A_119] : memref<50176x96xf32, #tpu.memory_space<hbm>> -> memref<112x96xf32, #tpu.memory_space<hbm>>
    tpu.wait_dma2 semaphore(%arg7 : memref<!tpu.dma_semaphore, #tpu.memory_space<semaphore_mem>>) src(%dma_wait3A_120 : memref<112x96xf32, #tpu.memory_space<hbm>>) dst(%dma_wait3A_118 : memref<112x96xf32, #tpu.memory_space<vmem>>)
    %dma_wait3A_121 = arith.constant 1 : i32
    %dma_wait3A_122 = arith.constant 1 : i32
    %dma_wait3A_123 = arith.constant 0 : i32
    %dma_wait3A_124 = arith.constant 0 : i32
    %dma_wait3A_125 = tpu.memref_slice %arg6[%dma_wait3A_121, %dma_wait3A_123, %dma_wait3A_124] : memref<2x112x96xf32, #tpu.memory_space<vmem>> -> memref<1x112x96xf32, #tpu.memory_space<vmem>>
    %dma_wait3A_126 = tpu.memref_squeeze %dma_wait3A_125 : memref<1x112x96xf32, #tpu.memory_space<vmem>> -> memref<112x96xf32, #tpu.memory_space<vmem>>
    %dma_wait3A_127 = arith.constant 0 : i32
    %dma_wait3A_128 = tpu.memref_slice %arg5[%dma_wait3A_122, %dma_wait3A_127] : memref<14x112xi32, #tpu.memory_space<vmem>> -> memref<1x112xi32, #tpu.memory_space<vmem>>
    %dma_wait3A_129 = tpu.memref_squeeze %dma_wait3A_128 : memref<1x112xi32, #tpu.memory_space<vmem>> -> memref<112xi32, #tpu.memory_space<vmem>>
    %dma_wait3A_130 = arith.constant 0 : i32
    %dma_wait3A_131 = arith.constant 0 : i32
    %dma_wait3A_132 = tpu.memref_slice %arg4[%dma_wait3A_130, %dma_wait3A_131] : memref<50176x96xf32, #tpu.memory_space<hbm>> -> memref<50176x96xf32, #tpu.memory_space<hbm>>
    tpu.wait_indirect_dma semaphore(%arg8 : memref<!tpu.dma_semaphore, #tpu.memory_space<semaphore_mem>>) src(%dma_wait3A_126 : memref<112x96xf32, #tpu.memory_space<vmem>>) dst(%dma_wait3A_132 : memref<50176x96xf32, #tpu.memory_space<hbm>>)
    %add3A_133 = arith.constant 336 : i32
    %add3A_134 = arith.addi %mul3A_2, %add3A_133 : i32
    %dma_start3A_135 = arith.constant 1 : i32
    %dma_start3A_136 = arith.constant 0 : i32
    %dma_start3A_137 = arith.constant 0 : i32
    %dma_start3A_138 = tpu.memref_slice %arg6[%dma_start3A_135, %dma_start3A_136, %dma_start3A_137] : memref<2x112x96xf32, #tpu.memory_space<vmem>> -> memref<1x112x96xf32, #tpu.memory_space<vmem>>
    %dma_start3A_139 = tpu.memref_squeeze %dma_start3A_138 : memref<1x112x96xf32, #tpu.memory_space<vmem>> -> memref<112x96xf32, #tpu.memory_space<vmem>>
    %dma_start3A_140 = arith.constant 0 : i32
    %dma_start3A_141 = tpu.memref_slice %arg2[%add3A_134, %dma_start3A_140] : memref<50176x96xf32, #tpu.memory_space<hbm>> -> memref<112x96xf32, #tpu.memory_space<hbm>>
    %dma_start3A_142 = arith.constant 0 : i32
    %dma_start3A_143 = arith.constant 0 : i32
    %dma_start3A_144 = tpu.memref_slice %arg6[%dma_start3A_135, %dma_start3A_142, %dma_start3A_143] : memref<2x112x96xf32, #tpu.memory_space<vmem>> -> memref<1x112x96xf32, #tpu.memory_space<vmem>>
    %dma_start3A_145 = tpu.memref_squeeze %dma_start3A_144 : memref<1x112x96xf32, #tpu.memory_space<vmem>> -> memref<112x96xf32, #tpu.memory_space<vmem>>
    %dma_start3A_146 = arith.constant 0 : i32
    %dma_start3A_147 = tpu.memref_slice %arg2[%add3A_134, %dma_start3A_146] : memref<50176x96xf32, #tpu.memory_space<hbm>> -> memref<112x96xf32, #tpu.memory_space<hbm>>
    tpu.enqueue_dma source(%dma_start3A_147 : memref<112x96xf32, #tpu.memory_space<hbm>>) target(%dma_start3A_145 : memref<112x96xf32, #tpu.memory_space<vmem>>) target_semaphore(%arg7 : memref<!tpu.dma_semaphore, #tpu.memory_space<semaphore_mem>>)
    %dma_start3A_148 = arith.constant 0 : i32
    %dma_start3A_149 = arith.constant 2 : i32
    %dma_start3A_150 = arith.constant 0 : i32
    %dma_start3A_151 = arith.constant 0 : i32
    %dma_start3A_152 = tpu.memref_slice %arg6[%dma_start3A_148, %dma_start3A_150, %dma_start3A_151] : memref<2x112x96xf32, #tpu.memory_space<vmem>> -> memref<1x112x96xf32, #tpu.memory_space<vmem>>
    %dma_start3A_153 = tpu.memref_squeeze %dma_start3A_152 : memref<1x112x96xf32, #tpu.memory_space<vmem>> -> memref<112x96xf32, #tpu.memory_space<vmem>>
    %dma_start3A_154 = arith.constant 0 : i32
    %dma_start3A_155 = tpu.memref_slice %arg5[%dma_start3A_149, %dma_start3A_154] : memref<14x112xi32, #tpu.memory_space<vmem>> -> memref<1x112xi32, #tpu.memory_space<vmem>>
    %dma_start3A_156 = tpu.memref_squeeze %dma_start3A_155 : memref<1x112xi32, #tpu.memory_space<vmem>> -> memref<112xi32, #tpu.memory_space<vmem>>
    %dma_start3A_157 = arith.constant 0 : i32
    %dma_start3A_158 = arith.constant 0 : i32
    %dma_start3A_159 = tpu.memref_slice %arg4[%dma_start3A_157, %dma_start3A_158] : memref<50176x96xf32, #tpu.memory_space<hbm>> -> memref<50176x96xf32, #tpu.memory_space<hbm>>
    tpu.enqueue_indirect_dma source(%dma_start3A_153 : memref<112x96xf32, #tpu.memory_space<vmem>>) target(%dma_start3A_159 : memref<50176x96xf32, #tpu.memory_space<hbm>>) offsets(%dma_start3A_156 : memref<112xi32, #tpu.memory_space<vmem>>) semaphore(%arg8 : memref<!tpu.dma_semaphore, #tpu.memory_space<semaphore_mem>>)
    %dma_wait3A_160 = arith.constant 1 : i32
    %dma_wait3A_161 = arith.constant 0 : i32
    %dma_wait3A_162 = arith.constant 0 : i32
    %dma_wait3A_163 = tpu.memref_slice %arg6[%dma_wait3A_160, %dma_wait3A_161, %dma_wait3A_162] : memref<2x112x96xf32, #tpu.memory_space<vmem>> -> memref<1x112x96xf32, #tpu.memory_space<vmem>>
    %dma_wait3A_164 = tpu.memref_squeeze %dma_wait3A_163 : memref<1x112x96xf32, #tpu.memory_space<vmem>> -> memref<112x96xf32, #tpu.memory_space<vmem>>
    %dma_wait3A_165 = arith.constant 0 : i32
    %dma_wait3A_166 = tpu.memref_slice %arg2[%add3A_134, %dma_wait3A_165] : memref<50176x96xf32, #tpu.memory_space<hbm>> -> memref<112x96xf32, #tpu.memory_space<hbm>>
    %dma_wait3A_167 = arith.constant 0 : i32
    %dma_wait3A_168 = arith.constant 0 : i32
    %dma_wait3A_169 = tpu.memref_slice %arg6[%dma_wait3A_160, %dma_wait3A_167, %dma_wait3A_168] : memref<2x112x96xf32, #tpu.memory_space<vmem>> -> memref<1x112x96xf32, #tpu.memory_space<vmem>>
    %dma_wait3A_170 = tpu.memref_squeeze %dma_wait3A_169 : memref<1x112x96xf32, #tpu.memory_space<vmem>> -> memref<112x96xf32, #tpu.memory_space<vmem>>
    %dma_wait3A_171 = arith.constant 0 : i32
    %dma_wait3A_172 = tpu.memref_slice %arg2[%add3A_134, %dma_wait3A_171] : memref<50176x96xf32, #tpu.memory_space<hbm>> -> memref<112x96xf32, #tpu.memory_space<hbm>>
    tpu.wait_dma2 semaphore(%arg7 : memref<!tpu.dma_semaphore, #tpu.memory_space<semaphore_mem>>) src(%dma_wait3A_172 : memref<112x96xf32, #tpu.memory_space<hbm>>) dst(%dma_wait3A_170 : memref<112x96xf32, #tpu.memory_space<vmem>>)
    %dma_wait3A_173 = arith.constant 0 : i32
    %dma_wait3A_174 = arith.constant 2 : i32
    %dma_wait3A_175 = arith.constant 0 : i32
    %dma_wait3A_176 = arith.constant 0 : i32
    %dma_wait3A_177 = tpu.memref_slice %arg6[%dma_wait3A_173, %dma_wait3A_175, %dma_wait3A_176] : memref<2x112x96xf32, #tpu.memory_space<vmem>> -> memref<1x112x96xf32, #tpu.memory_space<vmem>>
    %dma_wait3A_178 = tpu.memref_squeeze %dma_wait3A_177 : memref<1x112x96xf32, #tpu.memory_space<vmem>> -> memref<112x96xf32, #tpu.memory_space<vmem>>
    %dma_wait3A_179 = arith.constant 0 : i32
    %dma_wait3A_180 = tpu.memref_slice %arg5[%dma_wait3A_174, %dma_wait3A_179] : memref<14x112xi32, #tpu.memory_space<vmem>> -> memref<1x112xi32, #tpu.memory_space<vmem>>
    %dma_wait3A_181 = tpu.memref_squeeze %dma_wait3A_180 : memref<1x112xi32, #tpu.memory_space<vmem>> -> memref<112xi32, #tpu.memory_space<vmem>>
    %dma_wait3A_182 = arith.constant 0 : i32
    %dma_wait3A_183 = arith.constant 0 : i32
    %dma_wait3A_184 = tpu.memref_slice %arg4[%dma_wait3A_182, %dma_wait3A_183] : memref<50176x96xf32, #tpu.memory_space<hbm>> -> memref<50176x96xf32, #tpu.memory_space<hbm>>
    tpu.wait_indirect_dma semaphore(%arg8 : memref<!tpu.dma_semaphore, #tpu.memory_space<semaphore_mem>>) src(%dma_wait3A_178 : memref<112x96xf32, #tpu.memory_space<vmem>>) dst(%dma_wait3A_184 : memref<50176x96xf32, #tpu.memory_space<hbm>>)
    %add3A_185 = arith.constant 448 : i32
    %add3A_186 = arith.addi %mul3A_2, %add3A_185 : i32
    %dma_start3A_187 = arith.constant 0 : i32
    %dma_start3A_188 = arith.constant 0 : i32
    %dma_start3A_189 = arith.constant 0 : i32
    %dma_start3A_190 = tpu.memref_slice %arg6[%dma_start3A_187, %dma_start3A_188, %dma_start3A_189] : memref<2x112x96xf32, #tpu.memory_space<vmem>> -> memref<1x112x96xf32, #tpu.memory_space<vmem>>
    %dma_start3A_191 = tpu.memref_squeeze %dma_start3A_190 : memref<1x112x96xf32, #tpu.memory_space<vmem>> -> memref<112x96xf32, #tpu.memory_space<vmem>>
    %dma_start3A_192 = arith.constant 0 : i32
    %dma_start3A_193 = tpu.memref_slice %arg2[%add3A_186, %dma_start3A_192] : memref<50176x96xf32, #tpu.memory_space<hbm>> -> memref<112x96xf32, #tpu.memory_space<hbm>>
    %dma_start3A_194 = arith.constant 0 : i32
    %dma_start3A_195 = arith.constant 0 : i32
    %dma_start3A_196 = tpu.memref_slice %arg6[%dma_start3A_187, %dma_start3A_194, %dma_start3A_195] : memref<2x112x96xf32, #tpu.memory_space<vmem>> -> memref<1x112x96xf32, #tpu.memory_space<vmem>>
    %dma_start3A_197 = tpu.memref_squeeze %dma_start3A_196 : memref<1x112x96xf32, #tpu.memory_space<vmem>> -> memref<112x96xf32, #tpu.memory_space<vmem>>
    %dma_start3A_198 = arith.constant 0 : i32
    %dma_start3A_199 = tpu.memref_slice %arg2[%add3A_186, %dma_start3A_198] : memref<50176x96xf32, #tpu.memory_space<hbm>> -> memref<112x96xf32, #tpu.memory_space<hbm>>
    tpu.enqueue_dma source(%dma_start3A_199 : memref<112x96xf32, #tpu.memory_space<hbm>>) target(%dma_start3A_197 : memref<112x96xf32, #tpu.memory_space<vmem>>) target_semaphore(%arg7 : memref<!tpu.dma_semaphore, #tpu.memory_space<semaphore_mem>>)
    %dma_start3A_200 = arith.constant 1 : i32
    %dma_start3A_201 = arith.constant 3 : i32
    %dma_start3A_202 = arith.constant 0 : i32
    %dma_start3A_203 = arith.constant 0 : i32
    %dma_start3A_204 = tpu.memref_slice %arg6[%dma_start3A_200, %dma_start3A_202, %dma_start3A_203] : memref<2x112x96xf32, #tpu.memory_space<vmem>> -> memref<1x112x96xf32, #tpu.memory_space<vmem>>
    %dma_start3A_205 = tpu.memref_squeeze %dma_start3A_204 : memref<1x112x96xf32, #tpu.memory_space<vmem>> -> memref<112x96xf32, #tpu.memory_space<vmem>>
    %dma_start3A_206 = arith.constant 0 : i32
    %dma_start3A_207 = tpu.memref_slice %arg5[%dma_start3A_201, %dma_start3A_206] : memref<14x112xi32, #tpu.memory_space<vmem>> -> memref<1x112xi32, #tpu.memory_space<vmem>>
    %dma_start3A_208 = tpu.memref_squeeze %dma_start3A_207 : memref<1x112xi32, #tpu.memory_space<vmem>> -> memref<112xi32, #tpu.memory_space<vmem>>
    %dma_start3A_209 = arith.constant 0 : i32
    %dma_start3A_210 = arith.constant 0 : i32
    %dma_start3A_211 = tpu.memref_slice %arg4[%dma_start3A_209, %dma_start3A_210] : memref<50176x96xf32, #tpu.memory_space<hbm>> -> memref<50176x96xf32, #tpu.memory_space<hbm>>
    tpu.enqueue_indirect_dma source(%dma_start3A_205 : memref<112x96xf32, #tpu.memory_space<vmem>>) target(%dma_start3A_211 : memref<50176x96xf32, #tpu.memory_space<hbm>>) offsets(%dma_start3A_208 : memref<112xi32, #tpu.memory_space<vmem>>) semaphore(%arg8 : memref<!tpu.dma_semaphore, #tpu.memory_space<semaphore_mem>>)
    %dma_wait3A_212 = arith.constant 0 : i32
    %dma_wait3A_213 = arith.constant 0 : i32
    %dma_wait3A_214 = arith.constant 0 : i32
    %dma_wait3A_215 = tpu.memref_slice %arg6[%dma_wait3A_212, %dma_wait3A_213, %dma_wait3A_214] : memref<2x112x96xf32, #tpu.memory_space<vmem>> -> memref<1x112x96xf32, #tpu.memory_space<vmem>>
    %dma_wait3A_216 = tpu.memref_squeeze %dma_wait3A_215 : memref<1x112x96xf32, #tpu.memory_space<vmem>> -> memref<112x96xf32, #tpu.memory_space<vmem>>
    %dma_wait3A_217 = arith.constant 0 : i32
    %dma_wait3A_218 = tpu.memref_slice %arg2[%add3A_186, %dma_wait3A_217] : memref<50176x96xf32, #tpu.memory_space<hbm>> -> memref<112x96xf32, #tpu.memory_space<hbm>>
    %dma_wait3A_219 = arith.constant 0 : i32
    %dma_wait3A_220 = arith.constant 0 : i32
    %dma_wait3A_221 = tpu.memref_slice %arg6[%dma_wait3A_212, %dma_wait3A_219, %dma_wait3A_220] : memref<2x112x96xf32, #tpu.memory_space<vmem>> -> memref<1x112x96xf32, #tpu.memory_space<vmem>>
    %dma_wait3A_222 = tpu.memref_squeeze %dma_wait3A_221 : memref<1x112x96xf32, #tpu.memory_space<vmem>> -> memref<112x96xf32, #tpu.memory_space<vmem>>
    %dma_wait3A_223 = arith.constant 0 : i32
    %dma_wait3A_224 = tpu.memref_slice %arg2[%add3A_186, %dma_wait3A_223] : memref<50176x96xf32, #tpu.memory_space<hbm>> -> memref<112x96xf32, #tpu.memory_space<hbm>>
    tpu.wait_dma2 semaphore(%arg7 : memref<!tpu.dma_semaphore, #tpu.memory_space<semaphore_mem>>) src(%dma_wait3A_224 : memref<112x96xf32, #tpu.memory_space<hbm>>) dst(%dma_wait3A_222 : memref<112x96xf32, #tpu.memory_space<vmem>>)
    %dma_wait3A_225 = arith.constant 1 : i32
    %dma_wait3A_226 = arith.constant 3 : i32
    %dma_wait3A_227 = arith.constant 0 : i32
    %dma_wait3A_228 = arith.constant 0 : i32
    %dma_wait3A_229 = tpu.memref_slice %arg6[%dma_wait3A_225, %dma_wait3A_227, %dma_wait3A_228] : memref<2x112x96xf32, #tpu.memory_space<vmem>> -> memref<1x112x96xf32, #tpu.memory_space<vmem>>
    %dma_wait3A_230 = tpu.memref_squeeze %dma_wait3A_229 : memref<1x112x96xf32, #tpu.memory_space<vmem>> -> memref<112x96xf32, #tpu.memory_space<vmem>>
    %dma_wait3A_231 = arith.constant 0 : i32
    %dma_wait3A_232 = tpu.memref_slice %arg5[%dma_wait3A_226, %dma_wait3A_231] : memref<14x112xi32, #tpu.memory_space<vmem>> -> memref<1x112xi32, #tpu.memory_space<vmem>>
    %dma_wait3A_233 = tpu.memref_squeeze %dma_wait3A_232 : memref<1x112xi32, #tpu.memory_space<vmem>> -> memref<112xi32, #tpu.memory_space<vmem>>
    %dma_wait3A_234 = arith.constant 0 : i32
    %dma_wait3A_235 = arith.constant 0 : i32
    %dma_wait3A_236 = tpu.memref_slice %arg4[%dma_wait3A_234, %dma_wait3A_235] : memref<50176x96xf32, #tpu.memory_space<hbm>> -> memref<50176x96xf32, #tpu.memory_space<hbm>>
    tpu.wait_indirect_dma semaphore(%arg8 : memref<!tpu.dma_semaphore, #tpu.memory_space<semaphore_mem>>) src(%dma_wait3A_230 : memref<112x96xf32, #tpu.memory_space<vmem>>) dst(%dma_wait3A_236 : memref<50176x96xf32, #tpu.memory_space<hbm>>)
    %add3A_237 = arith.constant 560 : i32
    %add3A_238 = arith.addi %mul3A_2, %add3A_237 : i32
    %dma_start3A_239 = arith.constant 1 : i32
    %dma_start3A_240 = arith.constant 0 : i32
    %dma_start3A_241 = arith.constant 0 : i32
    %dma_start3A_242 = tpu.memref_slice %arg6[%dma_start3A_239, %dma_start3A_240, %dma_start3A_241] : memref<2x112x96xf32, #tpu.memory_space<vmem>> -> memref<1x112x96xf32, #tpu.memory_space<vmem>>
    %dma_start3A_243 = tpu.memref_squeeze %dma_start3A_242 : memref<1x112x96xf32, #tpu.memory_space<vmem>> -> memref<112x96xf32, #tpu.memory_space<vmem>>
    %dma_start3A_244 = arith.constant 0 : i32
    %dma_start3A_245 = tpu.memref_slice %arg2[%add3A_238, %dma_start3A_244] : memref<50176x96xf32, #tpu.memory_space<hbm>> -> memref<112x96xf32, #tpu.memory_space<hbm>>
    %dma_start3A_246 = arith.constant 0 : i32
    %dma_start3A_247 = arith.constant 0 : i32
    %dma_start3A_248 = tpu.memref_slice %arg6[%dma_start3A_239, %dma_start3A_246, %dma_start3A_247] : memref<2x112x96xf32, #tpu.memory_space<vmem>> -> memref<1x112x96xf32, #tpu.memory_space<vmem>>
    %dma_start3A_249 = tpu.memref_squeeze %dma_start3A_248 : memref<1x112x96xf32, #tpu.memory_space<vmem>> -> memref<112x96xf32, #tpu.memory_space<vmem>>
    %dma_start3A_250 = arith.constant 0 : i32
    %dma_start3A_251 = tpu.memref_slice %arg2[%add3A_238, %dma_start3A_250] : memref<50176x96xf32, #tpu.memory_space<hbm>> -> memref<112x96xf32, #tpu.memory_space<hbm>>
    tpu.enqueue_dma source(%dma_start3A_251 : memref<112x96xf32, #tpu.memory_space<hbm>>) target(%dma_start3A_249 : memref<112x96xf32, #tpu.memory_space<vmem>>) target_semaphore(%arg7 : memref<!tpu.dma_semaphore, #tpu.memory_space<semaphore_mem>>)
    %dma_start3A_252 = arith.constant 0 : i32
    %dma_start3A_253 = arith.constant 4 : i32
    %dma_start3A_254 = arith.constant 0 : i32
    %dma_start3A_255 = arith.constant 0 : i32
    %dma_start3A_256 = tpu.memref_slice %arg6[%dma_start3A_252, %dma_start3A_254, %dma_start3A_255] : memref<2x112x96xf32, #tpu.memory_space<vmem>> -> memref<1x112x96xf32, #tpu.memory_space<vmem>>
    %dma_start3A_257 = tpu.memref_squeeze %dma_start3A_256 : memref<1x112x96xf32, #tpu.memory_space<vmem>> -> memref<112x96xf32, #tpu.memory_space<vmem>>
    %dma_start3A_258 = arith.constant 0 : i32
    %dma_start3A_259 = tpu.memref_slice %arg5[%dma_start3A_253, %dma_start3A_258] : memref<14x112xi32, #tpu.memory_space<vmem>> -> memref<1x112xi32, #tpu.memory_space<vmem>>
    %dma_start3A_260 = tpu.memref_squeeze %dma_start3A_259 : memref<1x112xi32, #tpu.memory_space<vmem>> -> memref<112xi32, #tpu.memory_space<vmem>>
    %dma_start3A_261 = arith.constant 0 : i32
    %dma_start3A_262 = arith.constant 0 : i32
    %dma_start3A_263 = tpu.memref_slice %arg4[%dma_start3A_261, %dma_start3A_262] : memref<50176x96xf32, #tpu.memory_space<hbm>> -> memref<50176x96xf32, #tpu.memory_space<hbm>>
    tpu.enqueue_indirect_dma source(%dma_start3A_257 : memref<112x96xf32, #tpu.memory_space<vmem>>) target(%dma_start3A_263 : memref<50176x96xf32, #tpu.memory_space<hbm>>) offsets(%dma_start3A_260 : memref<112xi32, #tpu.memory_space<vmem>>) semaphore(%arg8 : memref<!tpu.dma_semaphore, #tpu.memory_space<semaphore_mem>>)
    %dma_wait3A_264 = arith.constant 1 : i32
    %dma_wait3A_265 = arith.constant 0 : i32
    %dma_wait3A_266 = arith.constant 0 : i32
    %dma_wait3A_267 = tpu.memref_slice %arg6[%dma_wait3A_264, %dma_wait3A_265, %dma_wait3A_266] : memref<2x112x96xf32, #tpu.memory_space<vmem>> -> memref<1x112x96xf32, #tpu.memory_space<vmem>>
    %dma_wait3A_268 = tpu.memref_squeeze %dma_wait3A_267 : memref<1x112x96xf32, #tpu.memory_space<vmem>> -> memref<112x96xf32, #tpu.memory_space<vmem>>
    %dma_wait3A_269 = arith.constant 0 : i32
    %dma_wait3A_270 = tpu.memref_slice %arg2[%add3A_238, %dma_wait3A_269] : memref<50176x96xf32, #tpu.memory_space<hbm>> -> memref<112x96xf32, #tpu.memory_space<hbm>>
    %dma_wait3A_271 = arith.constant 0 : i32
    %dma_wait3A_272 = arith.constant 0 : i32
    %dma_wait3A_273 = tpu.memref_slice %arg6[%dma_wait3A_264, %dma_wait3A_271, %dma_wait3A_272] : memref<2x112x96xf32, #tpu.memory_space<vmem>> -> memref<1x112x96xf32, #tpu.memory_space<vmem>>
    %dma_wait3A_274 = tpu.memref_squeeze %dma_wait3A_273 : memref<1x112x96xf32, #tpu.memory_space<vmem>> -> memref<112x96xf32, #tpu.memory_space<vmem>>
    %dma_wait3A_275 = arith.constant 0 : i32
    %dma_wait3A_276 = tpu.memref_slice %arg2[%add3A_238, %dma_wait3A_275] : memref<50176x96xf32, #tpu.memory_space<hbm>> -> memref<112x96xf32, #tpu.memory_space<hbm>>
    tpu.wait_dma2 semaphore(%arg7 : memref<!tpu.dma_semaphore, #tpu.memory_space<semaphore_mem>>) src(%dma_wait3A_276 : memref<112x96xf32, #tpu.memory_space<hbm>>) dst(%dma_wait3A_274 : memref<112x96xf32, #tpu.memory_space<vmem>>)
    %dma_wait3A_277 = arith.constant 0 : i32
    %dma_wait3A_278 = arith.constant 4 : i32
    %dma_wait3A_279 = arith.constant 0 : i32
    %dma_wait3A_280 = arith.constant 0 : i32
    %dma_wait3A_281 = tpu.memref_slice %arg6[%dma_wait3A_277, %dma_wait3A_279, %dma_wait3A_280] : memref<2x112x96xf32, #tpu.memory_space<vmem>> -> memref<1x112x96xf32, #tpu.memory_space<vmem>>
    %dma_wait3A_282 = tpu.memref_squeeze %dma_wait3A_281 : memref<1x112x96xf32, #tpu.memory_space<vmem>> -> memref<112x96xf32, #tpu.memory_space<vmem>>
    %dma_wait3A_283 = arith.constant 0 : i32
    %dma_wait3A_284 = tpu.memref_slice %arg5[%dma_wait3A_278, %dma_wait3A_283] : memref<14x112xi32, #tpu.memory_space<vmem>> -> memref<1x112xi32, #tpu.memory_space<vmem>>
    %dma_wait3A_285 = tpu.memref_squeeze %dma_wait3A_284 : memref<1x112xi32, #tpu.memory_space<vmem>> -> memref<112xi32, #tpu.memory_space<vmem>>
    %dma_wait3A_286 = arith.constant 0 : i32
    %dma_wait3A_287 = arith.constant 0 : i32
    %dma_wait3A_288 = tpu.memref_slice %arg4[%dma_wait3A_286, %dma_wait3A_287] : memref<50176x96xf32, #tpu.memory_space<hbm>> -> memref<50176x96xf32, #tpu.memory_space<hbm>>
    tpu.wait_indirect_dma semaphore(%arg8 : memref<!tpu.dma_semaphore, #tpu.memory_space<semaphore_mem>>) src(%dma_wait3A_282 : memref<112x96xf32, #tpu.memory_space<vmem>>) dst(%dma_wait3A_288 : memref<50176x96xf32, #tpu.memory_space<hbm>>)
    %add3A_289 = arith.constant 672 : i32
    %add3A_290 = arith.addi %mul3A_2, %add3A_289 : i32
    %dma_start3A_291 = arith.constant 0 : i32
    %dma_start3A_292 = arith.constant 0 : i32
    %dma_start3A_293 = arith.constant 0 : i32
    %dma_start3A_294 = tpu.memref_slice %arg6[%dma_start3A_291, %dma_start3A_292, %dma_start3A_293] : memref<2x112x96xf32, #tpu.memory_space<vmem>> -> memref<1x112x96xf32, #tpu.memory_space<vmem>>
    %dma_start3A_295 = tpu.memref_squeeze %dma_start3A_294 : memref<1x112x96xf32, #tpu.memory_space<vmem>> -> memref<112x96xf32, #tpu.memory_space<vmem>>
    %dma_start3A_296 = arith.constant 0 : i32
    %dma_start3A_297 = tpu.memref_slice %arg2[%add3A_290, %dma_start3A_296] : memref<50176x96xf32, #tpu.memory_space<hbm>> -> memref<112x96xf32, #tpu.memory_space<hbm>>
    %dma_start3A_298 = arith.constant 0 : i32
    %dma_start3A_299 = arith.constant 0 : i32
    %dma_start3A_300 = tpu.memref_slice %arg6[%dma_start3A_291, %dma_start3A_298, %dma_start3A_299] : memref<2x112x96xf32, #tpu.memory_space<vmem>> -> memref<1x112x96xf32, #tpu.memory_space<vmem>>
    %dma_start3A_301 = tpu.memref_squeeze %dma_start3A_300 : memref<1x112x96xf32, #tpu.memory_space<vmem>> -> memref<112x96xf32, #tpu.memory_space<vmem>>
    %dma_start3A_302 = arith.constant 0 : i32
    %dma_start3A_303 = tpu.memref_slice %arg2[%add3A_290, %dma_start3A_302] : memref<50176x96xf32, #tpu.memory_space<hbm>> -> memref<112x96xf32, #tpu.memory_space<hbm>>
    tpu.enqueue_dma source(%dma_start3A_303 : memref<112x96xf32, #tpu.memory_space<hbm>>) target(%dma_start3A_301 : memref<112x96xf32, #tpu.memory_space<vmem>>) target_semaphore(%arg7 : memref<!tpu.dma_semaphore, #tpu.memory_space<semaphore_mem>>)
    %dma_start3A_304 = arith.constant 1 : i32
    %dma_start3A_305 = arith.constant 5 : i32
    %dma_start3A_306 = arith.constant 0 : i32
    %dma_start3A_307 = arith.constant 0 : i32
    %dma_start3A_308 = tpu.memref_slice %arg6[%dma_start3A_304, %dma_start3A_306, %dma_start3A_307] : memref<2x112x96xf32, #tpu.memory_space<vmem>> -> memref<1x112x96xf32, #tpu.memory_space<vmem>>
    %dma_start3A_309 = tpu.memref_squeeze %dma_start3A_308 : memref<1x112x96xf32, #tpu.memory_space<vmem>> -> memref<112x96xf32, #tpu.memory_space<vmem>>
    %dma_start3A_310 = arith.constant 0 : i32
    %dma_start3A_311 = tpu.memref_slice %arg5[%dma_start3A_305, %dma_start3A_310] : memref<14x112xi32, #tpu.memory_space<vmem>> -> memref<1x112xi32, #tpu.memory_space<vmem>>
    %dma_start3A_312 = tpu.memref_squeeze %dma_start3A_311 : memref<1x112xi32, #tpu.memory_space<vmem>> -> memref<112xi32, #tpu.memory_space<vmem>>
    %dma_start3A_313 = arith.constant 0 : i32
    %dma_start3A_314 = arith.constant 0 : i32
    %dma_start3A_315 = tpu.memref_slice %arg4[%dma_start3A_313, %dma_start3A_314] : memref<50176x96xf32, #tpu.memory_space<hbm>> -> memref<50176x96xf32, #tpu.memory_space<hbm>>
    tpu.enqueue_indirect_dma source(%dma_start3A_309 : memref<112x96xf32, #tpu.memory_space<vmem>>) target(%dma_start3A_315 : memref<50176x96xf32, #tpu.memory_space<hbm>>) offsets(%dma_start3A_312 : memref<112xi32, #tpu.memory_space<vmem>>) semaphore(%arg8 : memref<!tpu.dma_semaphore, #tpu.memory_space<semaphore_mem>>)
    %dma_wait3A_316 = arith.constant 0 : i32
    %dma_wait3A_317 = arith.constant 0 : i32
    %dma_wait3A_318 = arith.constant 0 : i32
    %dma_wait3A_319 = tpu.memref_slice %arg6[%dma_wait3A_316, %dma_wait3A_317, %dma_wait3A_318] : memref<2x112x96xf32, #tpu.memory_space<vmem>> -> memref<1x112x96xf32, #tpu.memory_space<vmem>>
    %dma_wait3A_320 = tpu.memref_squeeze %dma_wait3A_319 : memref<1x112x96xf32, #tpu.memory_space<vmem>> -> memref<112x96xf32, #tpu.memory_space<vmem>>
    %dma_wait3A_321 = arith.constant 0 : i32
    %dma_wait3A_322 = tpu.memref_slice %arg2[%add3A_290, %dma_wait3A_321] : memref<50176x96xf32, #tpu.memory_space<hbm>> -> memref<112x96xf32, #tpu.memory_space<hbm>>
    %dma_wait3A_323 = arith.constant 0 : i32
    %dma_wait3A_324 = arith.constant 0 : i32
    %dma_wait3A_325 = tpu.memref_slice %arg6[%dma_wait3A_316, %dma_wait3A_323, %dma_wait3A_324] : memref<2x112x96xf32, #tpu.memory_space<vmem>> -> memref<1x112x96xf32, #tpu.memory_space<vmem>>
    %dma_wait3A_326 = tpu.memref_squeeze %dma_wait3A_325 : memref<1x112x96xf32, #tpu.memory_space<vmem>> -> memref<112x96xf32, #tpu.memory_space<vmem>>
    %dma_wait3A_327 = arith.constant 0 : i32
    %dma_wait3A_328 = tpu.memref_slice %arg2[%add3A_290, %dma_wait3A_327] : memref<50176x96xf32, #tpu.memory_space<hbm>> -> memref<112x96xf32, #tpu.memory_space<hbm>>
    tpu.wait_dma2 semaphore(%arg7 : memref<!tpu.dma_semaphore, #tpu.memory_space<semaphore_mem>>) src(%dma_wait3A_328 : memref<112x96xf32, #tpu.memory_space<hbm>>) dst(%dma_wait3A_326 : memref<112x96xf32, #tpu.memory_space<vmem>>)
    %dma_wait3A_329 = arith.constant 1 : i32
    %dma_wait3A_330 = arith.constant 5 : i32
    %dma_wait3A_331 = arith.constant 0 : i32
    %dma_wait3A_332 = arith.constant 0 : i32
    %dma_wait3A_333 = tpu.memref_slice %arg6[%dma_wait3A_329, %dma_wait3A_331, %dma_wait3A_332] : memref<2x112x96xf32, #tpu.memory_space<vmem>> -> memref<1x112x96xf32, #tpu.memory_space<vmem>>
    %dma_wait3A_334 = tpu.memref_squeeze %dma_wait3A_333 : memref<1x112x96xf32, #tpu.memory_space<vmem>> -> memref<112x96xf32, #tpu.memory_space<vmem>>
    %dma_wait3A_335 = arith.constant 0 : i32
    %dma_wait3A_336 = tpu.memref_slice %arg5[%dma_wait3A_330, %dma_wait3A_335] : memref<14x112xi32, #tpu.memory_space<vmem>> -> memref<1x112xi32, #tpu.memory_space<vmem>>
    %dma_wait3A_337 = tpu.memref_squeeze %dma_wait3A_336 : memref<1x112xi32, #tpu.memory_space<vmem>> -> memref<112xi32, #tpu.memory_space<vmem>>
    %dma_wait3A_338 = arith.constant 0 : i32
    %dma_wait3A_339 = arith.constant 0 : i32
    %dma_wait3A_340 = tpu.memref_slice %arg4[%dma_wait3A_338, %dma_wait3A_339] : memref<50176x96xf32, #tpu.memory_space<hbm>> -> memref<50176x96xf32, #tpu.memory_space<hbm>>
    tpu.wait_indirect_dma semaphore(%arg8 : memref<!tpu.dma_semaphore, #tpu.memory_space<semaphore_mem>>) src(%dma_wait3A_334 : memref<112x96xf32, #tpu.memory_space<vmem>>) dst(%dma_wait3A_340 : memref<50176x96xf32, #tpu.memory_space<hbm>>)
    %add3A_341 = arith.constant 784 : i32
    %add3A_342 = arith.addi %mul3A_2, %add3A_341 : i32
    %dma_start3A_343 = arith.constant 1 : i32
    %dma_start3A_344 = arith.constant 0 : i32
    %dma_start3A_345 = arith.constant 0 : i32
    %dma_start3A_346 = tpu.memref_slice %arg6[%dma_start3A_343, %dma_start3A_344, %dma_start3A_345] : memref<2x112x96xf32, #tpu.memory_space<vmem>> -> memref<1x112x96xf32, #tpu.memory_space<vmem>>
    %dma_start3A_347 = tpu.memref_squeeze %dma_start3A_346 : memref<1x112x96xf32, #tpu.memory_space<vmem>> -> memref<112x96xf32, #tpu.memory_space<vmem>>
    %dma_start3A_348 = arith.constant 0 : i32
    %dma_start3A_349 = tpu.memref_slice %arg2[%add3A_342, %dma_start3A_348] : memref<50176x96xf32, #tpu.memory_space<hbm>> -> memref<112x96xf32, #tpu.memory_space<hbm>>
    %dma_start3A_350 = arith.constant 0 : i32
    %dma_start3A_351 = arith.constant 0 : i32
    %dma_start3A_352 = tpu.memref_slice %arg6[%dma_start3A_343, %dma_start3A_350, %dma_start3A_351] : memref<2x112x96xf32, #tpu.memory_space<vmem>> -> memref<1x112x96xf32, #tpu.memory_space<vmem>>
    %dma_start3A_353 = tpu.memref_squeeze %dma_start3A_352 : memref<1x112x96xf32, #tpu.memory_space<vmem>> -> memref<112x96xf32, #tpu.memory_space<vmem>>
    %dma_start3A_354 = arith.constant 0 : i32
    %dma_start3A_355 = tpu.memref_slice %arg2[%add3A_342, %dma_start3A_354] : memref<50176x96xf32, #tpu.memory_space<hbm>> -> memref<112x96xf32, #tpu.memory_space<hbm>>
    tpu.enqueue_dma source(%dma_start3A_355 : memref<112x96xf32, #tpu.memory_space<hbm>>) target(%dma_start3A_353 : memref<112x96xf32, #tpu.memory_space<vmem>>) target_semaphore(%arg7 : memref<!tpu.dma_semaphore, #tpu.memory_space<semaphore_mem>>)
    %dma_start3A_356 = arith.constant 0 : i32
    %dma_start3A_357 = arith.constant 6 : i32
    %dma_start3A_358 = arith.constant 0 : i32
    %dma_start3A_359 = arith.constant 0 : i32
    %dma_start3A_360 = tpu.memref_slice %arg6[%dma_start3A_356, %dma_start3A_358, %dma_start3A_359] : memref<2x112x96xf32, #tpu.memory_space<vmem>> -> memref<1x112x96xf32, #tpu.memory_space<vmem>>
    %dma_start3A_361 = tpu.memref_squeeze %dma_start3A_360 : memref<1x112x96xf32, #tpu.memory_space<vmem>> -> memref<112x96xf32, #tpu.memory_space<vmem>>
    %dma_start3A_362 = arith.constant 0 : i32
    %dma_start3A_363 = tpu.memref_slice %arg5[%dma_start3A_357, %dma_start3A_362] : memref<14x112xi32, #tpu.memory_space<vmem>> -> memref<1x112xi32, #tpu.memory_space<vmem>>
    %dma_start3A_364 = tpu.memref_squeeze %dma_start3A_363 : memref<1x112xi32, #tpu.memory_space<vmem>> -> memref<112xi32, #tpu.memory_space<vmem>>
    %dma_start3A_365 = arith.constant 0 : i32
    %dma_start3A_366 = arith.constant 0 : i32
    %dma_start3A_367 = tpu.memref_slice %arg4[%dma_start3A_365, %dma_start3A_366] : memref<50176x96xf32, #tpu.memory_space<hbm>> -> memref<50176x96xf32, #tpu.memory_space<hbm>>
    tpu.enqueue_indirect_dma source(%dma_start3A_361 : memref<112x96xf32, #tpu.memory_space<vmem>>) target(%dma_start3A_367 : memref<50176x96xf32, #tpu.memory_space<hbm>>) offsets(%dma_start3A_364 : memref<112xi32, #tpu.memory_space<vmem>>) semaphore(%arg8 : memref<!tpu.dma_semaphore, #tpu.memory_space<semaphore_mem>>)
    %dma_wait3A_368 = arith.constant 1 : i32
    %dma_wait3A_369 = arith.constant 0 : i32
    %dma_wait3A_370 = arith.constant 0 : i32
    %dma_wait3A_371 = tpu.memref_slice %arg6[%dma_wait3A_368, %dma_wait3A_369, %dma_wait3A_370] : memref<2x112x96xf32, #tpu.memory_space<vmem>> -> memref<1x112x96xf32, #tpu.memory_space<vmem>>
    %dma_wait3A_372 = tpu.memref_squeeze %dma_wait3A_371 : memref<1x112x96xf32, #tpu.memory_space<vmem>> -> memref<112x96xf32, #tpu.memory_space<vmem>>
    %dma_wait3A_373 = arith.constant 0 : i32
    %dma_wait3A_374 = tpu.memref_slice %arg2[%add3A_342, %dma_wait3A_373] : memref<50176x96xf32, #tpu.memory_space<hbm>> -> memref<112x96xf32, #tpu.memory_space<hbm>>
    %dma_wait3A_375 = arith.constant 0 : i32
    %dma_wait3A_376 = arith.constant 0 : i32
    %dma_wait3A_377 = tpu.memref_slice %arg6[%dma_wait3A_368, %dma_wait3A_375, %dma_wait3A_376] : memref<2x112x96xf32, #tpu.memory_space<vmem>> -> memref<1x112x96xf32, #tpu.memory_space<vmem>>
    %dma_wait3A_378 = tpu.memref_squeeze %dma_wait3A_377 : memref<1x112x96xf32, #tpu.memory_space<vmem>> -> memref<112x96xf32, #tpu.memory_space<vmem>>
    %dma_wait3A_379 = arith.constant 0 : i32
    %dma_wait3A_380 = tpu.memref_slice %arg2[%add3A_342, %dma_wait3A_379] : memref<50176x96xf32, #tpu.memory_space<hbm>> -> memref<112x96xf32, #tpu.memory_space<hbm>>
    tpu.wait_dma2 semaphore(%arg7 : memref<!tpu.dma_semaphore, #tpu.memory_space<semaphore_mem>>) src(%dma_wait3A_380 : memref<112x96xf32, #tpu.memory_space<hbm>>) dst(%dma_wait3A_378 : memref<112x96xf32, #tpu.memory_space<vmem>>)
    %dma_wait3A_381 = arith.constant 0 : i32
    %dma_wait3A_382 = arith.constant 6 : i32
    %dma_wait3A_383 = arith.constant 0 : i32
    %dma_wait3A_384 = arith.constant 0 : i32
    %dma_wait3A_385 = tpu.memref_slice %arg6[%dma_wait3A_381, %dma_wait3A_383, %dma_wait3A_384] : memref<2x112x96xf32, #tpu.memory_space<vmem>> -> memref<1x112x96xf32, #tpu.memory_space<vmem>>
    %dma_wait3A_386 = tpu.memref_squeeze %dma_wait3A_385 : memref<1x112x96xf32, #tpu.memory_space<vmem>> -> memref<112x96xf32, #tpu.memory_space<vmem>>
    %dma_wait3A_387 = arith.constant 0 : i32
    %dma_wait3A_388 = tpu.memref_slice %arg5[%dma_wait3A_382, %dma_wait3A_387] : memref<14x112xi32, #tpu.memory_space<vmem>> -> memref<1x112xi32, #tpu.memory_space<vmem>>
    %dma_wait3A_389 = tpu.memref_squeeze %dma_wait3A_388 : memref<1x112xi32, #tpu.memory_space<vmem>> -> memref<112xi32, #tpu.memory_space<vmem>>
    %dma_wait3A_390 = arith.constant 0 : i32
    %dma_wait3A_391 = arith.constant 0 : i32
    %dma_wait3A_392 = tpu.memref_slice %arg4[%dma_wait3A_390, %dma_wait3A_391] : memref<50176x96xf32, #tpu.memory_space<hbm>> -> memref<50176x96xf32, #tpu.memory_space<hbm>>
    tpu.wait_indirect_dma semaphore(%arg8 : memref<!tpu.dma_semaphore, #tpu.memory_space<semaphore_mem>>) src(%dma_wait3A_386 : memref<112x96xf32, #tpu.memory_space<vmem>>) dst(%dma_wait3A_392 : memref<50176x96xf32, #tpu.memory_space<hbm>>)
    %add3A_393 = arith.constant 896 : i32
    %add3A_394 = arith.addi %mul3A_2, %add3A_393 : i32
    %dma_start3A_395 = arith.constant 0 : i32
    %dma_start3A_396 = arith.constant 0 : i32
    %dma_start3A_397 = arith.constant 0 : i32
    %dma_start3A_398 = tpu.memref_slice %arg6[%dma_start3A_395, %dma_start3A_396, %dma_start3A_397] : memref<2x112x96xf32, #tpu.memory_space<vmem>> -> memref<1x112x96xf32, #tpu.memory_space<vmem>>
    %dma_start3A_399 = tpu.memref_squeeze %dma_start3A_398 : memref<1x112x96xf32, #tpu.memory_space<vmem>> -> memref<112x96xf32, #tpu.memory_space<vmem>>
    %dma_start3A_400 = arith.constant 0 : i32
    %dma_start3A_401 = tpu.memref_slice %arg2[%add3A_394, %dma_start3A_400] : memref<50176x96xf32, #tpu.memory_space<hbm>> -> memref<112x96xf32, #tpu.memory_space<hbm>>
    %dma_start3A_402 = arith.constant 0 : i32
    %dma_start3A_403 = arith.constant 0 : i32
    %dma_start3A_404 = tpu.memref_slice %arg6[%dma_start3A_395, %dma_start3A_402, %dma_start3A_403] : memref<2x112x96xf32, #tpu.memory_space<vmem>> -> memref<1x112x96xf32, #tpu.memory_space<vmem>>
    %dma_start3A_405 = tpu.memref_squeeze %dma_start3A_404 : memref<1x112x96xf32, #tpu.memory_space<vmem>> -> memref<112x96xf32, #tpu.memory_space<vmem>>
    %dma_start3A_406 = arith.constant 0 : i32
    %dma_start3A_407 = tpu.memref_slice %arg2[%add3A_394, %dma_start3A_406] : memref<50176x96xf32, #tpu.memory_space<hbm>> -> memref<112x96xf32, #tpu.memory_space<hbm>>
    tpu.enqueue_dma source(%dma_start3A_407 : memref<112x96xf32, #tpu.memory_space<hbm>>) target(%dma_start3A_405 : memref<112x96xf32, #tpu.memory_space<vmem>>) target_semaphore(%arg7 : memref<!tpu.dma_semaphore, #tpu.memory_space<semaphore_mem>>)
    %dma_start3A_408 = arith.constant 1 : i32
    %dma_start3A_409 = arith.constant 7 : i32
    %dma_start3A_410 = arith.constant 0 : i32
    %dma_start3A_411 = arith.constant 0 : i32
    %dma_start3A_412 = tpu.memref_slice %arg6[%dma_start3A_408, %dma_start3A_410, %dma_start3A_411] : memref<2x112x96xf32, #tpu.memory_space<vmem>> -> memref<1x112x96xf32, #tpu.memory_space<vmem>>
    %dma_start3A_413 = tpu.memref_squeeze %dma_start3A_412 : memref<1x112x96xf32, #tpu.memory_space<vmem>> -> memref<112x96xf32, #tpu.memory_space<vmem>>
    %dma_start3A_414 = arith.constant 0 : i32
    %dma_start3A_415 = tpu.memref_slice %arg5[%dma_start3A_409, %dma_start3A_414] : memref<14x112xi32, #tpu.memory_space<vmem>> -> memref<1x112xi32, #tpu.memory_space<vmem>>
    %dma_start3A_416 = tpu.memref_squeeze %dma_start3A_415 : memref<1x112xi32, #tpu.memory_space<vmem>> -> memref<112xi32, #tpu.memory_space<vmem>>
    %dma_start3A_417 = arith.constant 0 : i32
    %dma_start3A_418 = arith.constant 0 : i32
    %dma_start3A_419 = tpu.memref_slice %arg4[%dma_start3A_417, %dma_start3A_418] : memref<50176x96xf32, #tpu.memory_space<hbm>> -> memref<50176x96xf32, #tpu.memory_space<hbm>>
    tpu.enqueue_indirect_dma source(%dma_start3A_413 : memref<112x96xf32, #tpu.memory_space<vmem>>) target(%dma_start3A_419 : memref<50176x96xf32, #tpu.memory_space<hbm>>) offsets(%dma_start3A_416 : memref<112xi32, #tpu.memory_space<vmem>>) semaphore(%arg8 : memref<!tpu.dma_semaphore, #tpu.memory_space<semaphore_mem>>)
    %dma_wait3A_420 = arith.constant 0 : i32
    %dma_wait3A_421 = arith.constant 0 : i32
    %dma_wait3A_422 = arith.constant 0 : i32
    %dma_wait3A_423 = tpu.memref_slice %arg6[%dma_wait3A_420, %dma_wait3A_421, %dma_wait3A_422] : memref<2x112x96xf32, #tpu.memory_space<vmem>> -> memref<1x112x96xf32, #tpu.memory_space<vmem>>
    %dma_wait3A_424 = tpu.memref_squeeze %dma_wait3A_423 : memref<1x112x96xf32, #tpu.memory_space<vmem>> -> memref<112x96xf32, #tpu.memory_space<vmem>>
    %dma_wait3A_425 = arith.constant 0 : i32
    %dma_wait3A_426 = tpu.memref_slice %arg2[%add3A_394, %dma_wait3A_425] : memref<50176x96xf32, #tpu.memory_space<hbm>> -> memref<112x96xf32, #tpu.memory_space<hbm>>
    %dma_wait3A_427 = arith.constant 0 : i32
    %dma_wait3A_428 = arith.constant 0 : i32
    %dma_wait3A_429 = tpu.memref_slice %arg6[%dma_wait3A_420, %dma_wait3A_427, %dma_wait3A_428] : memref<2x112x96xf32, #tpu.memory_space<vmem>> -> memref<1x112x96xf32, #tpu.memory_space<vmem>>
    %dma_wait3A_430 = tpu.memref_squeeze %dma_wait3A_429 : memref<1x112x96xf32, #tpu.memory_space<vmem>> -> memref<112x96xf32, #tpu.memory_space<vmem>>
    %dma_wait3A_431 = arith.constant 0 : i32
    %dma_wait3A_432 = tpu.memref_slice %arg2[%add3A_394, %dma_wait3A_431] : memref<50176x96xf32, #tpu.memory_space<hbm>> -> memref<112x96xf32, #tpu.memory_space<hbm>>
    tpu.wait_dma2 semaphore(%arg7 : memref<!tpu.dma_semaphore, #tpu.memory_space<semaphore_mem>>) src(%dma_wait3A_432 : memref<112x96xf32, #tpu.memory_space<hbm>>) dst(%dma_wait3A_430 : memref<112x96xf32, #tpu.memory_space<vmem>>)
    %dma_wait3A_433 = arith.constant 1 : i32
    %dma_wait3A_434 = arith.constant 7 : i32
    %dma_wait3A_435 = arith.constant 0 : i32
    %dma_wait3A_436 = arith.constant 0 : i32
    %dma_wait3A_437 = tpu.memref_slice %arg6[%dma_wait3A_433, %dma_wait3A_435, %dma_wait3A_436] : memref<2x112x96xf32, #tpu.memory_space<vmem>> -> memref<1x112x96xf32, #tpu.memory_space<vmem>>
    %dma_wait3A_438 = tpu.memref_squeeze %dma_wait3A_437 : memref<1x112x96xf32, #tpu.memory_space<vmem>> -> memref<112x96xf32, #tpu.memory_space<vmem>>
    %dma_wait3A_439 = arith.constant 0 : i32
    %dma_wait3A_440 = tpu.memref_slice %arg5[%dma_wait3A_434, %dma_wait3A_439] : memref<14x112xi32, #tpu.memory_space<vmem>> -> memref<1x112xi32, #tpu.memory_space<vmem>>
    %dma_wait3A_441 = tpu.memref_squeeze %dma_wait3A_440 : memref<1x112xi32, #tpu.memory_space<vmem>> -> memref<112xi32, #tpu.memory_space<vmem>>
    %dma_wait3A_442 = arith.constant 0 : i32
    %dma_wait3A_443 = arith.constant 0 : i32
    %dma_wait3A_444 = tpu.memref_slice %arg4[%dma_wait3A_442, %dma_wait3A_443] : memref<50176x96xf32, #tpu.memory_space<hbm>> -> memref<50176x96xf32, #tpu.memory_space<hbm>>
    tpu.wait_indirect_dma semaphore(%arg8 : memref<!tpu.dma_semaphore, #tpu.memory_space<semaphore_mem>>) src(%dma_wait3A_438 : memref<112x96xf32, #tpu.memory_space<vmem>>) dst(%dma_wait3A_444 : memref<50176x96xf32, #tpu.memory_space<hbm>>)
    %add3A_445 = arith.constant 1008 : i32
    %add3A_446 = arith.addi %mul3A_2, %add3A_445 : i32
    %dma_start3A_447 = arith.constant 1 : i32
    %dma_start3A_448 = arith.constant 0 : i32
    %dma_start3A_449 = arith.constant 0 : i32
    %dma_start3A_450 = tpu.memref_slice %arg6[%dma_start3A_447, %dma_start3A_448, %dma_start3A_449] : memref<2x112x96xf32, #tpu.memory_space<vmem>> -> memref<1x112x96xf32, #tpu.memory_space<vmem>>
    %dma_start3A_451 = tpu.memref_squeeze %dma_start3A_450 : memref<1x112x96xf32, #tpu.memory_space<vmem>> -> memref<112x96xf32, #tpu.memory_space<vmem>>
    %dma_start3A_452 = arith.constant 0 : i32
    %dma_start3A_453 = tpu.memref_slice %arg2[%add3A_446, %dma_start3A_452] : memref<50176x96xf32, #tpu.memory_space<hbm>> -> memref<112x96xf32, #tpu.memory_space<hbm>>
    %dma_start3A_454 = arith.constant 0 : i32
    %dma_start3A_455 = arith.constant 0 : i32
    %dma_start3A_456 = tpu.memref_slice %arg6[%dma_start3A_447, %dma_start3A_454, %dma_start3A_455] : memref<2x112x96xf32, #tpu.memory_space<vmem>> -> memref<1x112x96xf32, #tpu.memory_space<vmem>>
    %dma_start3A_457 = tpu.memref_squeeze %dma_start3A_456 : memref<1x112x96xf32, #tpu.memory_space<vmem>> -> memref<112x96xf32, #tpu.memory_space<vmem>>
    %dma_start3A_458 = arith.constant 0 : i32
    %dma_start3A_459 = tpu.memref_slice %arg2[%add3A_446, %dma_start3A_458] : memref<50176x96xf32, #tpu.memory_space<hbm>> -> memref<112x96xf32, #tpu.memory_space<hbm>>
    tpu.enqueue_dma source(%dma_start3A_459 : memref<112x96xf32, #tpu.memory_space<hbm>>) target(%dma_start3A_457 : memref<112x96xf32, #tpu.memory_space<vmem>>) target_semaphore(%arg7 : memref<!tpu.dma_semaphore, #tpu.memory_space<semaphore_mem>>)
    %dma_start3A_460 = arith.constant 0 : i32
    %dma_start3A_461 = arith.constant 8 : i32
    %dma_start3A_462 = arith.constant 0 : i32
    %dma_start3A_463 = arith.constant 0 : i32
    %dma_start3A_464 = tpu.memref_slice %arg6[%dma_start3A_460, %dma_start3A_462, %dma_start3A_463] : memref<2x112x96xf32, #tpu.memory_space<vmem>> -> memref<1x112x96xf32, #tpu.memory_space<vmem>>
    %dma_start3A_465 = tpu.memref_squeeze %dma_start3A_464 : memref<1x112x96xf32, #tpu.memory_space<vmem>> -> memref<112x96xf32, #tpu.memory_space<vmem>>
    %dma_start3A_466 = arith.constant 0 : i32
    %dma_start3A_467 = tpu.memref_slice %arg5[%dma_start3A_461, %dma_start3A_466] : memref<14x112xi32, #tpu.memory_space<vmem>> -> memref<1x112xi32, #tpu.memory_space<vmem>>
    %dma_start3A_468 = tpu.memref_squeeze %dma_start3A_467 : memref<1x112xi32, #tpu.memory_space<vmem>> -> memref<112xi32, #tpu.memory_space<vmem>>
    %dma_start3A_469 = arith.constant 0 : i32
    %dma_start3A_470 = arith.constant 0 : i32
    %dma_start3A_471 = tpu.memref_slice %arg4[%dma_start3A_469, %dma_start3A_470] : memref<50176x96xf32, #tpu.memory_space<hbm>> -> memref<50176x96xf32, #tpu.memory_space<hbm>>
    tpu.enqueue_indirect_dma source(%dma_start3A_465 : memref<112x96xf32, #tpu.memory_space<vmem>>) target(%dma_start3A_471 : memref<50176x96xf32, #tpu.memory_space<hbm>>) offsets(%dma_start3A_468 : memref<112xi32, #tpu.memory_space<vmem>>) semaphore(%arg8 : memref<!tpu.dma_semaphore, #tpu.memory_space<semaphore_mem>>)
    %dma_wait3A_472 = arith.constant 1 : i32
    %dma_wait3A_473 = arith.constant 0 : i32
    %dma_wait3A_474 = arith.constant 0 : i32
    %dma_wait3A_475 = tpu.memref_slice %arg6[%dma_wait3A_472, %dma_wait3A_473, %dma_wait3A_474] : memref<2x112x96xf32, #tpu.memory_space<vmem>> -> memref<1x112x96xf32, #tpu.memory_space<vmem>>
    %dma_wait3A_476 = tpu.memref_squeeze %dma_wait3A_475 : memref<1x112x96xf32, #tpu.memory_space<vmem>> -> memref<112x96xf32, #tpu.memory_space<vmem>>
    %dma_wait3A_477 = arith.constant 0 : i32
    %dma_wait3A_478 = tpu.memref_slice %arg2[%add3A_446, %dma_wait3A_477] : memref<50176x96xf32, #tpu.memory_space<hbm>> -> memref<112x96xf32, #tpu.memory_space<hbm>>
    %dma_wait3A_479 = arith.constant 0 : i32
    %dma_wait3A_480 = arith.constant 0 : i32
    %dma_wait3A_481 = tpu.memref_slice %arg6[%dma_wait3A_472, %dma_wait3A_479, %dma_wait3A_480] : memref<2x112x96xf32, #tpu.memory_space<vmem>> -> memref<1x112x96xf32, #tpu.memory_space<vmem>>
    %dma_wait3A_482 = tpu.memref_squeeze %dma_wait3A_481 : memref<1x112x96xf32, #tpu.memory_space<vmem>> -> memref<112x96xf32, #tpu.memory_space<vmem>>
    %dma_wait3A_483 = arith.constant 0 : i32
    %dma_wait3A_484 = tpu.memref_slice %arg2[%add3A_446, %dma_wait3A_483] : memref<50176x96xf32, #tpu.memory_space<hbm>> -> memref<112x96xf32, #tpu.memory_space<hbm>>
    tpu.wait_dma2 semaphore(%arg7 : memref<!tpu.dma_semaphore, #tpu.memory_space<semaphore_mem>>) src(%dma_wait3A_484 : memref<112x96xf32, #tpu.memory_space<hbm>>) dst(%dma_wait3A_482 : memref<112x96xf32, #tpu.memory_space<vmem>>)
    %dma_wait3A_485 = arith.constant 0 : i32
    %dma_wait3A_486 = arith.constant 8 : i32
    %dma_wait3A_487 = arith.constant 0 : i32
    %dma_wait3A_488 = arith.constant 0 : i32
    %dma_wait3A_489 = tpu.memref_slice %arg6[%dma_wait3A_485, %dma_wait3A_487, %dma_wait3A_488] : memref<2x112x96xf32, #tpu.memory_space<vmem>> -> memref<1x112x96xf32, #tpu.memory_space<vmem>>
    %dma_wait3A_490 = tpu.memref_squeeze %dma_wait3A_489 : memref<1x112x96xf32, #tpu.memory_space<vmem>> -> memref<112x96xf32, #tpu.memory_space<vmem>>
    %dma_wait3A_491 = arith.constant 0 : i32
    %dma_wait3A_492 = tpu.memref_slice %arg5[%dma_wait3A_486, %dma_wait3A_491] : memref<14x112xi32, #tpu.memory_space<vmem>> -> memref<1x112xi32, #tpu.memory_space<vmem>>
    %dma_wait3A_493 = tpu.memref_squeeze %dma_wait3A_492 : memref<1x112xi32, #tpu.memory_space<vmem>> -> memref<112xi32, #tpu.memory_space<vmem>>
    %dma_wait3A_494 = arith.constant 0 : i32
    %dma_wait3A_495 = arith.constant 0 : i32
    %dma_wait3A_496 = tpu.memref_slice %arg4[%dma_wait3A_494, %dma_wait3A_495] : memref<50176x96xf32, #tpu.memory_space<hbm>> -> memref<50176x96xf32, #tpu.memory_space<hbm>>
    tpu.wait_indirect_dma semaphore(%arg8 : memref<!tpu.dma_semaphore, #tpu.memory_space<semaphore_mem>>) src(%dma_wait3A_490 : memref<112x96xf32, #tpu.memory_space<vmem>>) dst(%dma_wait3A_496 : memref<50176x96xf32, #tpu.memory_space<hbm>>)
    %add3A_497 = arith.constant 1120 : i32
    %add3A_498 = arith.addi %mul3A_2, %add3A_497 : i32
    %dma_start3A_499 = arith.constant 0 : i32
    %dma_start3A_500 = arith.constant 0 : i32
    %dma_start3A_501 = arith.constant 0 : i32
    %dma_start3A_502 = tpu.memref_slice %arg6[%dma_start3A_499, %dma_start3A_500, %dma_start3A_501] : memref<2x112x96xf32, #tpu.memory_space<vmem>> -> memref<1x112x96xf32, #tpu.memory_space<vmem>>
    %dma_start3A_503 = tpu.memref_squeeze %dma_start3A_502 : memref<1x112x96xf32, #tpu.memory_space<vmem>> -> memref<112x96xf32, #tpu.memory_space<vmem>>
    %dma_start3A_504 = arith.constant 0 : i32
    %dma_start3A_505 = tpu.memref_slice %arg2[%add3A_498, %dma_start3A_504] : memref<50176x96xf32, #tpu.memory_space<hbm>> -> memref<112x96xf32, #tpu.memory_space<hbm>>
    %dma_start3A_506 = arith.constant 0 : i32
    %dma_start3A_507 = arith.constant 0 : i32
    %dma_start3A_508 = tpu.memref_slice %arg6[%dma_start3A_499, %dma_start3A_506, %dma_start3A_507] : memref<2x112x96xf32, #tpu.memory_space<vmem>> -> memref<1x112x96xf32, #tpu.memory_space<vmem>>
    %dma_start3A_509 = tpu.memref_squeeze %dma_start3A_508 : memref<1x112x96xf32, #tpu.memory_space<vmem>> -> memref<112x96xf32, #tpu.memory_space<vmem>>
    %dma_start3A_510 = arith.constant 0 : i32
    %dma_start3A_511 = tpu.memref_slice %arg2[%add3A_498, %dma_start3A_510] : memref<50176x96xf32, #tpu.memory_space<hbm>> -> memref<112x96xf32, #tpu.memory_space<hbm>>
    tpu.enqueue_dma source(%dma_start3A_511 : memref<112x96xf32, #tpu.memory_space<hbm>>) target(%dma_start3A_509 : memref<112x96xf32, #tpu.memory_space<vmem>>) target_semaphore(%arg7 : memref<!tpu.dma_semaphore, #tpu.memory_space<semaphore_mem>>)
    %dma_start3A_512 = arith.constant 1 : i32
    %dma_start3A_513 = arith.constant 9 : i32
    %dma_start3A_514 = arith.constant 0 : i32
    %dma_start3A_515 = arith.constant 0 : i32
    %dma_start3A_516 = tpu.memref_slice %arg6[%dma_start3A_512, %dma_start3A_514, %dma_start3A_515] : memref<2x112x96xf32, #tpu.memory_space<vmem>> -> memref<1x112x96xf32, #tpu.memory_space<vmem>>
    %dma_start3A_517 = tpu.memref_squeeze %dma_start3A_516 : memref<1x112x96xf32, #tpu.memory_space<vmem>> -> memref<112x96xf32, #tpu.memory_space<vmem>>
    %dma_start3A_518 = arith.constant 0 : i32
    %dma_start3A_519 = tpu.memref_slice %arg5[%dma_start3A_513, %dma_start3A_518] : memref<14x112xi32, #tpu.memory_space<vmem>> -> memref<1x112xi32, #tpu.memory_space<vmem>>
    %dma_start3A_520 = tpu.memref_squeeze %dma_start3A_519 : memref<1x112xi32, #tpu.memory_space<vmem>> -> memref<112xi32, #tpu.memory_space<vmem>>
    %dma_start3A_521 = arith.constant 0 : i32
    %dma_start3A_522 = arith.constant 0 : i32
    %dma_start3A_523 = tpu.memref_slice %arg4[%dma_start3A_521, %dma_start3A_522] : memref<50176x96xf32, #tpu.memory_space<hbm>> -> memref<50176x96xf32, #tpu.memory_space<hbm>>
    tpu.enqueue_indirect_dma source(%dma_start3A_517 : memref<112x96xf32, #tpu.memory_space<vmem>>) target(%dma_start3A_523 : memref<50176x96xf32, #tpu.memory_space<hbm>>) offsets(%dma_start3A_520 : memref<112xi32, #tpu.memory_space<vmem>>) semaphore(%arg8 : memref<!tpu.dma_semaphore, #tpu.memory_space<semaphore_mem>>)
    %dma_wait3A_524 = arith.constant 0 : i32
    %dma_wait3A_525 = arith.constant 0 : i32
    %dma_wait3A_526 = arith.constant 0 : i32
    %dma_wait3A_527 = tpu.memref_slice %arg6[%dma_wait3A_524, %dma_wait3A_525, %dma_wait3A_526] : memref<2x112x96xf32, #tpu.memory_space<vmem>> -> memref<1x112x96xf32, #tpu.memory_space<vmem>>
    %dma_wait3A_528 = tpu.memref_squeeze %dma_wait3A_527 : memref<1x112x96xf32, #tpu.memory_space<vmem>> -> memref<112x96xf32, #tpu.memory_space<vmem>>
    %dma_wait3A_529 = arith.constant 0 : i32
    %dma_wait3A_530 = tpu.memref_slice %arg2[%add3A_498, %dma_wait3A_529] : memref<50176x96xf32, #tpu.memory_space<hbm>> -> memref<112x96xf32, #tpu.memory_space<hbm>>
    %dma_wait3A_531 = arith.constant 0 : i32
    %dma_wait3A_532 = arith.constant 0 : i32
    %dma_wait3A_533 = tpu.memref_slice %arg6[%dma_wait3A_524, %dma_wait3A_531, %dma_wait3A_532] : memref<2x112x96xf32, #tpu.memory_space<vmem>> -> memref<1x112x96xf32, #tpu.memory_space<vmem>>
    %dma_wait3A_534 = tpu.memref_squeeze %dma_wait3A_533 : memref<1x112x96xf32, #tpu.memory_space<vmem>> -> memref<112x96xf32, #tpu.memory_space<vmem>>
    %dma_wait3A_535 = arith.constant 0 : i32
    %dma_wait3A_536 = tpu.memref_slice %arg2[%add3A_498, %dma_wait3A_535] : memref<50176x96xf32, #tpu.memory_space<hbm>> -> memref<112x96xf32, #tpu.memory_space<hbm>>
    tpu.wait_dma2 semaphore(%arg7 : memref<!tpu.dma_semaphore, #tpu.memory_space<semaphore_mem>>) src(%dma_wait3A_536 : memref<112x96xf32, #tpu.memory_space<hbm>>) dst(%dma_wait3A_534 : memref<112x96xf32, #tpu.memory_space<vmem>>)
    %dma_wait3A_537 = arith.constant 1 : i32
    %dma_wait3A_538 = arith.constant 9 : i32
    %dma_wait3A_539 = arith.constant 0 : i32
    %dma_wait3A_540 = arith.constant 0 : i32
    %dma_wait3A_541 = tpu.memref_slice %arg6[%dma_wait3A_537, %dma_wait3A_539, %dma_wait3A_540] : memref<2x112x96xf32, #tpu.memory_space<vmem>> -> memref<1x112x96xf32, #tpu.memory_space<vmem>>
    %dma_wait3A_542 = tpu.memref_squeeze %dma_wait3A_541 : memref<1x112x96xf32, #tpu.memory_space<vmem>> -> memref<112x96xf32, #tpu.memory_space<vmem>>
    %dma_wait3A_543 = arith.constant 0 : i32
    %dma_wait3A_544 = tpu.memref_slice %arg5[%dma_wait3A_538, %dma_wait3A_543] : memref<14x112xi32, #tpu.memory_space<vmem>> -> memref<1x112xi32, #tpu.memory_space<vmem>>
    %dma_wait3A_545 = tpu.memref_squeeze %dma_wait3A_544 : memref<1x112xi32, #tpu.memory_space<vmem>> -> memref<112xi32, #tpu.memory_space<vmem>>
    %dma_wait3A_546 = arith.constant 0 : i32
    %dma_wait3A_547 = arith.constant 0 : i32
    %dma_wait3A_548 = tpu.memref_slice %arg4[%dma_wait3A_546, %dma_wait3A_547] : memref<50176x96xf32, #tpu.memory_space<hbm>> -> memref<50176x96xf32, #tpu.memory_space<hbm>>
    tpu.wait_indirect_dma semaphore(%arg8 : memref<!tpu.dma_semaphore, #tpu.memory_space<semaphore_mem>>) src(%dma_wait3A_542 : memref<112x96xf32, #tpu.memory_space<vmem>>) dst(%dma_wait3A_548 : memref<50176x96xf32, #tpu.memory_space<hbm>>)
    %add3A_549 = arith.constant 1232 : i32
    %add3A_550 = arith.addi %mul3A_2, %add3A_549 : i32
    %dma_start3A_551 = arith.constant 1 : i32
    %dma_start3A_552 = arith.constant 0 : i32
    %dma_start3A_553 = arith.constant 0 : i32
    %dma_start3A_554 = tpu.memref_slice %arg6[%dma_start3A_551, %dma_start3A_552, %dma_start3A_553] : memref<2x112x96xf32, #tpu.memory_space<vmem>> -> memref<1x112x96xf32, #tpu.memory_space<vmem>>
    %dma_start3A_555 = tpu.memref_squeeze %dma_start3A_554 : memref<1x112x96xf32, #tpu.memory_space<vmem>> -> memref<112x96xf32, #tpu.memory_space<vmem>>
    %dma_start3A_556 = arith.constant 0 : i32
    %dma_start3A_557 = tpu.memref_slice %arg2[%add3A_550, %dma_start3A_556] : memref<50176x96xf32, #tpu.memory_space<hbm>> -> memref<112x96xf32, #tpu.memory_space<hbm>>
    %dma_start3A_558 = arith.constant 0 : i32
    %dma_start3A_559 = arith.constant 0 : i32
    %dma_start3A_560 = tpu.memref_slice %arg6[%dma_start3A_551, %dma_start3A_558, %dma_start3A_559] : memref<2x112x96xf32, #tpu.memory_space<vmem>> -> memref<1x112x96xf32, #tpu.memory_space<vmem>>
    %dma_start3A_561 = tpu.memref_squeeze %dma_start3A_560 : memref<1x112x96xf32, #tpu.memory_space<vmem>> -> memref<112x96xf32, #tpu.memory_space<vmem>>
    %dma_start3A_562 = arith.constant 0 : i32
    %dma_start3A_563 = tpu.memref_slice %arg2[%add3A_550, %dma_start3A_562] : memref<50176x96xf32, #tpu.memory_space<hbm>> -> memref<112x96xf32, #tpu.memory_space<hbm>>
    tpu.enqueue_dma source(%dma_start3A_563 : memref<112x96xf32, #tpu.memory_space<hbm>>) target(%dma_start3A_561 : memref<112x96xf32, #tpu.memory_space<vmem>>) target_semaphore(%arg7 : memref<!tpu.dma_semaphore, #tpu.memory_space<semaphore_mem>>)
    %dma_start3A_564 = arith.constant 0 : i32
    %dma_start3A_565 = arith.constant 10 : i32
    %dma_start3A_566 = arith.constant 0 : i32
    %dma_start3A_567 = arith.constant 0 : i32
    %dma_start3A_568 = tpu.memref_slice %arg6[%dma_start3A_564, %dma_start3A_566, %dma_start3A_567] : memref<2x112x96xf32, #tpu.memory_space<vmem>> -> memref<1x112x96xf32, #tpu.memory_space<vmem>>
    %dma_start3A_569 = tpu.memref_squeeze %dma_start3A_568 : memref<1x112x96xf32, #tpu.memory_space<vmem>> -> memref<112x96xf32, #tpu.memory_space<vmem>>
    %dma_start3A_570 = arith.constant 0 : i32
    %dma_start3A_571 = tpu.memref_slice %arg5[%dma_start3A_565, %dma_start3A_570] : memref<14x112xi32, #tpu.memory_space<vmem>> -> memref<1x112xi32, #tpu.memory_space<vmem>>
    %dma_start3A_572 = tpu.memref_squeeze %dma_start3A_571 : memref<1x112xi32, #tpu.memory_space<vmem>> -> memref<112xi32, #tpu.memory_space<vmem>>
    %dma_start3A_573 = arith.constant 0 : i32
    %dma_start3A_574 = arith.constant 0 : i32
    %dma_start3A_575 = tpu.memref_slice %arg4[%dma_start3A_573, %dma_start3A_574] : memref<50176x96xf32, #tpu.memory_space<hbm>> -> memref<50176x96xf32, #tpu.memory_space<hbm>>
    tpu.enqueue_indirect_dma source(%dma_start3A_569 : memref<112x96xf32, #tpu.memory_space<vmem>>) target(%dma_start3A_575 : memref<50176x96xf32, #tpu.memory_space<hbm>>) offsets(%dma_start3A_572 : memref<112xi32, #tpu.memory_space<vmem>>) semaphore(%arg8 : memref<!tpu.dma_semaphore, #tpu.memory_space<semaphore_mem>>)
    %dma_wait3A_576 = arith.constant 1 : i32
    %dma_wait3A_577 = arith.constant 0 : i32
    %dma_wait3A_578 = arith.constant 0 : i32
    %dma_wait3A_579 = tpu.memref_slice %arg6[%dma_wait3A_576, %dma_wait3A_577, %dma_wait3A_578] : memref<2x112x96xf32, #tpu.memory_space<vmem>> -> memref<1x112x96xf32, #tpu.memory_space<vmem>>
    %dma_wait3A_580 = tpu.memref_squeeze %dma_wait3A_579 : memref<1x112x96xf32, #tpu.memory_space<vmem>> -> memref<112x96xf32, #tpu.memory_space<vmem>>
    %dma_wait3A_581 = arith.constant 0 : i32
    %dma_wait3A_582 = tpu.memref_slice %arg2[%add3A_550, %dma_wait3A_581] : memref<50176x96xf32, #tpu.memory_space<hbm>> -> memref<112x96xf32, #tpu.memory_space<hbm>>
    %dma_wait3A_583 = arith.constant 0 : i32
    %dma_wait3A_584 = arith.constant 0 : i32
    %dma_wait3A_585 = tpu.memref_slice %arg6[%dma_wait3A_576, %dma_wait3A_583, %dma_wait3A_584] : memref<2x112x96xf32, #tpu.memory_space<vmem>> -> memref<1x112x96xf32, #tpu.memory_space<vmem>>
    %dma_wait3A_586 = tpu.memref_squeeze %dma_wait3A_585 : memref<1x112x96xf32, #tpu.memory_space<vmem>> -> memref<112x96xf32, #tpu.memory_space<vmem>>
    %dma_wait3A_587 = arith.constant 0 : i32
    %dma_wait3A_588 = tpu.memref_slice %arg2[%add3A_550, %dma_wait3A_587] : memref<50176x96xf32, #tpu.memory_space<hbm>> -> memref<112x96xf32, #tpu.memory_space<hbm>>
    tpu.wait_dma2 semaphore(%arg7 : memref<!tpu.dma_semaphore, #tpu.memory_space<semaphore_mem>>) src(%dma_wait3A_588 : memref<112x96xf32, #tpu.memory_space<hbm>>) dst(%dma_wait3A_586 : memref<112x96xf32, #tpu.memory_space<vmem>>)
    %dma_wait3A_589 = arith.constant 0 : i32
    %dma_wait3A_590 = arith.constant 10 : i32
    %dma_wait3A_591 = arith.constant 0 : i32
    %dma_wait3A_592 = arith.constant 0 : i32
    %dma_wait3A_593 = tpu.memref_slice %arg6[%dma_wait3A_589, %dma_wait3A_591, %dma_wait3A_592] : memref<2x112x96xf32, #tpu.memory_space<vmem>> -> memref<1x112x96xf32, #tpu.memory_space<vmem>>
    %dma_wait3A_594 = tpu.memref_squeeze %dma_wait3A_593 : memref<1x112x96xf32, #tpu.memory_space<vmem>> -> memref<112x96xf32, #tpu.memory_space<vmem>>
    %dma_wait3A_595 = arith.constant 0 : i32
    %dma_wait3A_596 = tpu.memref_slice %arg5[%dma_wait3A_590, %dma_wait3A_595] : memref<14x112xi32, #tpu.memory_space<vmem>> -> memref<1x112xi32, #tpu.memory_space<vmem>>
    %dma_wait3A_597 = tpu.memref_squeeze %dma_wait3A_596 : memref<1x112xi32, #tpu.memory_space<vmem>> -> memref<112xi32, #tpu.memory_space<vmem>>
    %dma_wait3A_598 = arith.constant 0 : i32
    %dma_wait3A_599 = arith.constant 0 : i32
    %dma_wait3A_600 = tpu.memref_slice %arg4[%dma_wait3A_598, %dma_wait3A_599] : memref<50176x96xf32, #tpu.memory_space<hbm>> -> memref<50176x96xf32, #tpu.memory_space<hbm>>
    tpu.wait_indirect_dma semaphore(%arg8 : memref<!tpu.dma_semaphore, #tpu.memory_space<semaphore_mem>>) src(%dma_wait3A_594 : memref<112x96xf32, #tpu.memory_space<vmem>>) dst(%dma_wait3A_600 : memref<50176x96xf32, #tpu.memory_space<hbm>>)
    %add3A_601 = arith.constant 1344 : i32
    %add3A_602 = arith.addi %mul3A_2, %add3A_601 : i32
    %dma_start3A_603 = arith.constant 0 : i32
    %dma_start3A_604 = arith.constant 0 : i32
    %dma_start3A_605 = arith.constant 0 : i32
    %dma_start3A_606 = tpu.memref_slice %arg6[%dma_start3A_603, %dma_start3A_604, %dma_start3A_605] : memref<2x112x96xf32, #tpu.memory_space<vmem>> -> memref<1x112x96xf32, #tpu.memory_space<vmem>>
    %dma_start3A_607 = tpu.memref_squeeze %dma_start3A_606 : memref<1x112x96xf32, #tpu.memory_space<vmem>> -> memref<112x96xf32, #tpu.memory_space<vmem>>
    %dma_start3A_608 = arith.constant 0 : i32
    %dma_start3A_609 = tpu.memref_slice %arg2[%add3A_602, %dma_start3A_608] : memref<50176x96xf32, #tpu.memory_space<hbm>> -> memref<112x96xf32, #tpu.memory_space<hbm>>
    %dma_start3A_610 = arith.constant 0 : i32
    %dma_start3A_611 = arith.constant 0 : i32
    %dma_start3A_612 = tpu.memref_slice %arg6[%dma_start3A_603, %dma_start3A_610, %dma_start3A_611] : memref<2x112x96xf32, #tpu.memory_space<vmem>> -> memref<1x112x96xf32, #tpu.memory_space<vmem>>
    %dma_start3A_613 = tpu.memref_squeeze %dma_start3A_612 : memref<1x112x96xf32, #tpu.memory_space<vmem>> -> memref<112x96xf32, #tpu.memory_space<vmem>>
    %dma_start3A_614 = arith.constant 0 : i32
    %dma_start3A_615 = tpu.memref_slice %arg2[%add3A_602, %dma_start3A_614] : memref<50176x96xf32, #tpu.memory_space<hbm>> -> memref<112x96xf32, #tpu.memory_space<hbm>>
    tpu.enqueue_dma source(%dma_start3A_615 : memref<112x96xf32, #tpu.memory_space<hbm>>) target(%dma_start3A_613 : memref<112x96xf32, #tpu.memory_space<vmem>>) target_semaphore(%arg7 : memref<!tpu.dma_semaphore, #tpu.memory_space<semaphore_mem>>)
    %dma_start3A_616 = arith.constant 1 : i32
    %dma_start3A_617 = arith.constant 11 : i32
    %dma_start3A_618 = arith.constant 0 : i32
    %dma_start3A_619 = arith.constant 0 : i32
    %dma_start3A_620 = tpu.memref_slice %arg6[%dma_start3A_616, %dma_start3A_618, %dma_start3A_619] : memref<2x112x96xf32, #tpu.memory_space<vmem>> -> memref<1x112x96xf32, #tpu.memory_space<vmem>>
    %dma_start3A_621 = tpu.memref_squeeze %dma_start3A_620 : memref<1x112x96xf32, #tpu.memory_space<vmem>> -> memref<112x96xf32, #tpu.memory_space<vmem>>
    %dma_start3A_622 = arith.constant 0 : i32
    %dma_start3A_623 = tpu.memref_slice %arg5[%dma_start3A_617, %dma_start3A_622] : memref<14x112xi32, #tpu.memory_space<vmem>> -> memref<1x112xi32, #tpu.memory_space<vmem>>
    %dma_start3A_624 = tpu.memref_squeeze %dma_start3A_623 : memref<1x112xi32, #tpu.memory_space<vmem>> -> memref<112xi32, #tpu.memory_space<vmem>>
    %dma_start3A_625 = arith.constant 0 : i32
    %dma_start3A_626 = arith.constant 0 : i32
    %dma_start3A_627 = tpu.memref_slice %arg4[%dma_start3A_625, %dma_start3A_626] : memref<50176x96xf32, #tpu.memory_space<hbm>> -> memref<50176x96xf32, #tpu.memory_space<hbm>>
    tpu.enqueue_indirect_dma source(%dma_start3A_621 : memref<112x96xf32, #tpu.memory_space<vmem>>) target(%dma_start3A_627 : memref<50176x96xf32, #tpu.memory_space<hbm>>) offsets(%dma_start3A_624 : memref<112xi32, #tpu.memory_space<vmem>>) semaphore(%arg8 : memref<!tpu.dma_semaphore, #tpu.memory_space<semaphore_mem>>)
    %dma_wait3A_628 = arith.constant 0 : i32
    %dma_wait3A_629 = arith.constant 0 : i32
    %dma_wait3A_630 = arith.constant 0 : i32
    %dma_wait3A_631 = tpu.memref_slice %arg6[%dma_wait3A_628, %dma_wait3A_629, %dma_wait3A_630] : memref<2x112x96xf32, #tpu.memory_space<vmem>> -> memref<1x112x96xf32, #tpu.memory_space<vmem>>
    %dma_wait3A_632 = tpu.memref_squeeze %dma_wait3A_631 : memref<1x112x96xf32, #tpu.memory_space<vmem>> -> memref<112x96xf32, #tpu.memory_space<vmem>>
    %dma_wait3A_633 = arith.constant 0 : i32
    %dma_wait3A_634 = tpu.memref_slice %arg2[%add3A_602, %dma_wait3A_633] : memref<50176x96xf32, #tpu.memory_space<hbm>> -> memref<112x96xf32, #tpu.memory_space<hbm>>
    %dma_wait3A_635 = arith.constant 0 : i32
    %dma_wait3A_636 = arith.constant 0 : i32
    %dma_wait3A_637 = tpu.memref_slice %arg6[%dma_wait3A_628, %dma_wait3A_635, %dma_wait3A_636] : memref<2x112x96xf32, #tpu.memory_space<vmem>> -> memref<1x112x96xf32, #tpu.memory_space<vmem>>
    %dma_wait3A_638 = tpu.memref_squeeze %dma_wait3A_637 : memref<1x112x96xf32, #tpu.memory_space<vmem>> -> memref<112x96xf32, #tpu.memory_space<vmem>>
    %dma_wait3A_639 = arith.constant 0 : i32
    %dma_wait3A_640 = tpu.memref_slice %arg2[%add3A_602, %dma_wait3A_639] : memref<50176x96xf32, #tpu.memory_space<hbm>> -> memref<112x96xf32, #tpu.memory_space<hbm>>
    tpu.wait_dma2 semaphore(%arg7 : memref<!tpu.dma_semaphore, #tpu.memory_space<semaphore_mem>>) src(%dma_wait3A_640 : memref<112x96xf32, #tpu.memory_space<hbm>>) dst(%dma_wait3A_638 : memref<112x96xf32, #tpu.memory_space<vmem>>)
    %dma_wait3A_641 = arith.constant 1 : i32
    %dma_wait3A_642 = arith.constant 11 : i32
    %dma_wait3A_643 = arith.constant 0 : i32
    %dma_wait3A_644 = arith.constant 0 : i32
    %dma_wait3A_645 = tpu.memref_slice %arg6[%dma_wait3A_641, %dma_wait3A_643, %dma_wait3A_644] : memref<2x112x96xf32, #tpu.memory_space<vmem>> -> memref<1x112x96xf32, #tpu.memory_space<vmem>>
    %dma_wait3A_646 = tpu.memref_squeeze %dma_wait3A_645 : memref<1x112x96xf32, #tpu.memory_space<vmem>> -> memref<112x96xf32, #tpu.memory_space<vmem>>
    %dma_wait3A_647 = arith.constant 0 : i32
    %dma_wait3A_648 = tpu.memref_slice %arg5[%dma_wait3A_642, %dma_wait3A_647] : memref<14x112xi32, #tpu.memory_space<vmem>> -> memref<1x112xi32, #tpu.memory_space<vmem>>
    %dma_wait3A_649 = tpu.memref_squeeze %dma_wait3A_648 : memref<1x112xi32, #tpu.memory_space<vmem>> -> memref<112xi32, #tpu.memory_space<vmem>>
    %dma_wait3A_650 = arith.constant 0 : i32
    %dma_wait3A_651 = arith.constant 0 : i32
    %dma_wait3A_652 = tpu.memref_slice %arg4[%dma_wait3A_650, %dma_wait3A_651] : memref<50176x96xf32, #tpu.memory_space<hbm>> -> memref<50176x96xf32, #tpu.memory_space<hbm>>
    tpu.wait_indirect_dma semaphore(%arg8 : memref<!tpu.dma_semaphore, #tpu.memory_space<semaphore_mem>>) src(%dma_wait3A_646 : memref<112x96xf32, #tpu.memory_space<vmem>>) dst(%dma_wait3A_652 : memref<50176x96xf32, #tpu.memory_space<hbm>>)
    %add3A_653 = arith.constant 1456 : i32
    %add3A_654 = arith.addi %mul3A_2, %add3A_653 : i32
    %dma_start3A_655 = arith.constant 1 : i32
    %dma_start3A_656 = arith.constant 0 : i32
    %dma_start3A_657 = arith.constant 0 : i32
    %dma_start3A_658 = tpu.memref_slice %arg6[%dma_start3A_655, %dma_start3A_656, %dma_start3A_657] : memref<2x112x96xf32, #tpu.memory_space<vmem>> -> memref<1x112x96xf32, #tpu.memory_space<vmem>>
    %dma_start3A_659 = tpu.memref_squeeze %dma_start3A_658 : memref<1x112x96xf32, #tpu.memory_space<vmem>> -> memref<112x96xf32, #tpu.memory_space<vmem>>
    %dma_start3A_660 = arith.constant 0 : i32
    %dma_start3A_661 = tpu.memref_slice %arg2[%add3A_654, %dma_start3A_660] : memref<50176x96xf32, #tpu.memory_space<hbm>> -> memref<112x96xf32, #tpu.memory_space<hbm>>
    %dma_start3A_662 = arith.constant 0 : i32
    %dma_start3A_663 = arith.constant 0 : i32
    %dma_start3A_664 = tpu.memref_slice %arg6[%dma_start3A_655, %dma_start3A_662, %dma_start3A_663] : memref<2x112x96xf32, #tpu.memory_space<vmem>> -> memref<1x112x96xf32, #tpu.memory_space<vmem>>
    %dma_start3A_665 = tpu.memref_squeeze %dma_start3A_664 : memref<1x112x96xf32, #tpu.memory_space<vmem>> -> memref<112x96xf32, #tpu.memory_space<vmem>>
    %dma_start3A_666 = arith.constant 0 : i32
    %dma_start3A_667 = tpu.memref_slice %arg2[%add3A_654, %dma_start3A_666] : memref<50176x96xf32, #tpu.memory_space<hbm>> -> memref<112x96xf32, #tpu.memory_space<hbm>>
    tpu.enqueue_dma source(%dma_start3A_667 : memref<112x96xf32, #tpu.memory_space<hbm>>) target(%dma_start3A_665 : memref<112x96xf32, #tpu.memory_space<vmem>>) target_semaphore(%arg7 : memref<!tpu.dma_semaphore, #tpu.memory_space<semaphore_mem>>)
    %dma_start3A_668 = arith.constant 0 : i32
    %dma_start3A_669 = arith.constant 12 : i32
    %dma_start3A_670 = arith.constant 0 : i32
    %dma_start3A_671 = arith.constant 0 : i32
    %dma_start3A_672 = tpu.memref_slice %arg6[%dma_start3A_668, %dma_start3A_670, %dma_start3A_671] : memref<2x112x96xf32, #tpu.memory_space<vmem>> -> memref<1x112x96xf32, #tpu.memory_space<vmem>>
    %dma_start3A_673 = tpu.memref_squeeze %dma_start3A_672 : memref<1x112x96xf32, #tpu.memory_space<vmem>> -> memref<112x96xf32, #tpu.memory_space<vmem>>
    %dma_start3A_674 = arith.constant 0 : i32
    %dma_start3A_675 = tpu.memref_slice %arg5[%dma_start3A_669, %dma_start3A_674] : memref<14x112xi32, #tpu.memory_space<vmem>> -> memref<1x112xi32, #tpu.memory_space<vmem>>
    %dma_start3A_676 = tpu.memref_squeeze %dma_start3A_675 : memref<1x112xi32, #tpu.memory_space<vmem>> -> memref<112xi32, #tpu.memory_space<vmem>>
    %dma_start3A_677 = arith.constant 0 : i32
    %dma_start3A_678 = arith.constant 0 : i32
    %dma_start3A_679 = tpu.memref_slice %arg4[%dma_start3A_677, %dma_start3A_678] : memref<50176x96xf32, #tpu.memory_space<hbm>> -> memref<50176x96xf32, #tpu.memory_space<hbm>>
    tpu.enqueue_indirect_dma source(%dma_start3A_673 : memref<112x96xf32, #tpu.memory_space<vmem>>) target(%dma_start3A_679 : memref<50176x96xf32, #tpu.memory_space<hbm>>) offsets(%dma_start3A_676 : memref<112xi32, #tpu.memory_space<vmem>>) semaphore(%arg8 : memref<!tpu.dma_semaphore, #tpu.memory_space<semaphore_mem>>)
    %dma_wait3A_680 = arith.constant 1 : i32
    %dma_wait3A_681 = arith.constant 0 : i32
    %dma_wait3A_682 = arith.constant 0 : i32
    %dma_wait3A_683 = tpu.memref_slice %arg6[%dma_wait3A_680, %dma_wait3A_681, %dma_wait3A_682] : memref<2x112x96xf32, #tpu.memory_space<vmem>> -> memref<1x112x96xf32, #tpu.memory_space<vmem>>
    %dma_wait3A_684 = tpu.memref_squeeze %dma_wait3A_683 : memref<1x112x96xf32, #tpu.memory_space<vmem>> -> memref<112x96xf32, #tpu.memory_space<vmem>>
    %dma_wait3A_685 = arith.constant 0 : i32
    %dma_wait3A_686 = tpu.memref_slice %arg2[%add3A_654, %dma_wait3A_685] : memref<50176x96xf32, #tpu.memory_space<hbm>> -> memref<112x96xf32, #tpu.memory_space<hbm>>
    %dma_wait3A_687 = arith.constant 0 : i32
    %dma_wait3A_688 = arith.constant 0 : i32
    %dma_wait3A_689 = tpu.memref_slice %arg6[%dma_wait3A_680, %dma_wait3A_687, %dma_wait3A_688] : memref<2x112x96xf32, #tpu.memory_space<vmem>> -> memref<1x112x96xf32, #tpu.memory_space<vmem>>
    %dma_wait3A_690 = tpu.memref_squeeze %dma_wait3A_689 : memref<1x112x96xf32, #tpu.memory_space<vmem>> -> memref<112x96xf32, #tpu.memory_space<vmem>>
    %dma_wait3A_691 = arith.constant 0 : i32
    %dma_wait3A_692 = tpu.memref_slice %arg2[%add3A_654, %dma_wait3A_691] : memref<50176x96xf32, #tpu.memory_space<hbm>> -> memref<112x96xf32, #tpu.memory_space<hbm>>
    tpu.wait_dma2 semaphore(%arg7 : memref<!tpu.dma_semaphore, #tpu.memory_space<semaphore_mem>>) src(%dma_wait3A_692 : memref<112x96xf32, #tpu.memory_space<hbm>>) dst(%dma_wait3A_690 : memref<112x96xf32, #tpu.memory_space<vmem>>)
    %dma_wait3A_693 = arith.constant 0 : i32
    %dma_wait3A_694 = arith.constant 12 : i32
    %dma_wait3A_695 = arith.constant 0 : i32
    %dma_wait3A_696 = arith.constant 0 : i32
    %dma_wait3A_697 = tpu.memref_slice %arg6[%dma_wait3A_693, %dma_wait3A_695, %dma_wait3A_696] : memref<2x112x96xf32, #tpu.memory_space<vmem>> -> memref<1x112x96xf32, #tpu.memory_space<vmem>>
    %dma_wait3A_698 = tpu.memref_squeeze %dma_wait3A_697 : memref<1x112x96xf32, #tpu.memory_space<vmem>> -> memref<112x96xf32, #tpu.memory_space<vmem>>
    %dma_wait3A_699 = arith.constant 0 : i32
    %dma_wait3A_700 = tpu.memref_slice %arg5[%dma_wait3A_694, %dma_wait3A_699] : memref<14x112xi32, #tpu.memory_space<vmem>> -> memref<1x112xi32, #tpu.memory_space<vmem>>
    %dma_wait3A_701 = tpu.memref_squeeze %dma_wait3A_700 : memref<1x112xi32, #tpu.memory_space<vmem>> -> memref<112xi32, #tpu.memory_space<vmem>>
    %dma_wait3A_702 = arith.constant 0 : i32
    %dma_wait3A_703 = arith.constant 0 : i32
    %dma_wait3A_704 = tpu.memref_slice %arg4[%dma_wait3A_702, %dma_wait3A_703] : memref<50176x96xf32, #tpu.memory_space<hbm>> -> memref<50176x96xf32, #tpu.memory_space<hbm>>
    tpu.wait_indirect_dma semaphore(%arg8 : memref<!tpu.dma_semaphore, #tpu.memory_space<semaphore_mem>>) src(%dma_wait3A_698 : memref<112x96xf32, #tpu.memory_space<vmem>>) dst(%dma_wait3A_704 : memref<50176x96xf32, #tpu.memory_space<hbm>>)
    %dma_start3A_705 = arith.constant 1 : i32
    %dma_start3A_706 = arith.constant 13 : i32
    %dma_start3A_707 = arith.constant 0 : i32
    %dma_start3A_708 = arith.constant 0 : i32
    %dma_start3A_709 = tpu.memref_slice %arg6[%dma_start3A_705, %dma_start3A_707, %dma_start3A_708] : memref<2x112x96xf32, #tpu.memory_space<vmem>> -> memref<1x112x96xf32, #tpu.memory_space<vmem>>
    %dma_start3A_710 = tpu.memref_squeeze %dma_start3A_709 : memref<1x112x96xf32, #tpu.memory_space<vmem>> -> memref<112x96xf32, #tpu.memory_space<vmem>>
    %dma_start3A_711 = arith.constant 0 : i32
    %dma_start3A_712 = tpu.memref_slice %arg5[%dma_start3A_706, %dma_start3A_711] : memref<14x112xi32, #tpu.memory_space<vmem>> -> memref<1x112xi32, #tpu.memory_space<vmem>>
    %dma_start3A_713 = tpu.memref_squeeze %dma_start3A_712 : memref<1x112xi32, #tpu.memory_space<vmem>> -> memref<112xi32, #tpu.memory_space<vmem>>
    %dma_start3A_714 = arith.constant 0 : i32
    %dma_start3A_715 = arith.constant 0 : i32
    %dma_start3A_716 = tpu.memref_slice %arg4[%dma_start3A_714, %dma_start3A_715] : memref<50176x96xf32, #tpu.memory_space<hbm>> -> memref<50176x96xf32, #tpu.memory_space<hbm>>
    tpu.enqueue_indirect_dma source(%dma_start3A_710 : memref<112x96xf32, #tpu.memory_space<vmem>>) target(%dma_start3A_716 : memref<50176x96xf32, #tpu.memory_space<hbm>>) offsets(%dma_start3A_713 : memref<112xi32, #tpu.memory_space<vmem>>) semaphore(%arg8 : memref<!tpu.dma_semaphore, #tpu.memory_space<semaphore_mem>>)
    %dma_wait3A_717 = arith.constant 1 : i32
    %dma_wait3A_718 = arith.constant 13 : i32
    %dma_wait3A_719 = arith.constant 0 : i32
    %dma_wait3A_720 = arith.constant 0 : i32
    %dma_wait3A_721 = tpu.memref_slice %arg6[%dma_wait3A_717, %dma_wait3A_719, %dma_wait3A_720] : memref<2x112x96xf32, #tpu.memory_space<vmem>> -> memref<1x112x96xf32, #tpu.memory_space<vmem>>
    %dma_wait3A_722 = tpu.memref_squeeze %dma_wait3A_721 : memref<1x112x96xf32, #tpu.memory_space<vmem>> -> memref<112x96xf32, #tpu.memory_space<vmem>>
    %dma_wait3A_723 = arith.constant 0 : i32
    %dma_wait3A_724 = tpu.memref_slice %arg5[%dma_wait3A_718, %dma_wait3A_723] : memref<14x112xi32, #tpu.memory_space<vmem>> -> memref<1x112xi32, #tpu.memory_space<vmem>>
    %dma_wait3A_725 = tpu.memref_squeeze %dma_wait3A_724 : memref<1x112xi32, #tpu.memory_space<vmem>> -> memref<112xi32, #tpu.memory_space<vmem>>
    %dma_wait3A_726 = arith.constant 0 : i32
    %dma_wait3A_727 = arith.constant 0 : i32
    %dma_wait3A_728 = tpu.memref_slice %arg4[%dma_wait3A_726, %dma_wait3A_727] : memref<50176x96xf32, #tpu.memory_space<hbm>> -> memref<50176x96xf32, #tpu.memory_space<hbm>>
    tpu.wait_indirect_dma semaphore(%arg8 : memref<!tpu.dma_semaphore, #tpu.memory_space<semaphore_mem>>) src(%dma_wait3A_722 : memref<112x96xf32, #tpu.memory_space<vmem>>) dst(%dma_wait3A_728 : memref<50176x96xf32, #tpu.memory_space<hbm>>)
    return
  }
}

module attributes {stable_mosaic.version = 14 : i64} {
  func.func @_attn_body(%arg0: i32, %arg1: memref<1024x96xf32, #tpu.memory_space<vmem>>, %arg2: memref<128x96xf32, #tpu.memory_space<vmem>>, %arg3: memref<96x384xf32, #tpu.memory_space<vmem>>, %arg4: memref<128x96xf32, #tpu.memory_space<vmem>>, %arg5: memref<128x32xf32, #tpu.memory_space<vmem>>, %arg6: memref<32x128xf32, #tpu.memory_space<vmem>>, %arg7: memref<32x128xf32, #tpu.memory_space<vmem>>, %arg8: memref<1024x96xf32, #tpu.memory_space<vmem>>) attributes {dimension_semantics = [#tpu.dimension_semantics<arbitrary>], iteration_bounds = array<i64: 49>, scalar_prefetch = 0 : i64, scratch_operands = 0 : i64, tpu.core_type = #tpu.core_type<tc>, window_params = [{transform_indices = @transform_0, window_bounds = array<i64: 1024, 96>}, {transform_indices = @transform_1, window_bounds = array<i64: 128, 96>}, {pipeline_mode = #tpu.pipeline_mode<synchronous>, transform_indices = @transform_2, window_bounds = array<i64: 96, 384>}, {pipeline_mode = #tpu.pipeline_mode<synchronous>, transform_indices = @transform_3, window_bounds = array<i64: 128, 96>}, {pipeline_mode = #tpu.pipeline_mode<synchronous>, transform_indices = @transform_4, window_bounds = array<i64: 128, 32>}, {pipeline_mode = #tpu.pipeline_mode<synchronous>, transform_indices = @transform_5, window_bounds = array<i64: 32, 128>}, {pipeline_mode = #tpu.pipeline_mode<synchronous>, transform_indices = @transform_6, window_bounds = array<i64: 32, 128>}, {transform_indices = @transform_7, window_bounds = array<i64: 1024, 96>}]} {
    %get3A = arith.constant 0 : index
    %get3A_0 = arith.constant 0 : index
    %get3A_1 = vector.load %arg1[%get3A, %get3A_0] : memref<1024x96xf32, #tpu.memory_space<vmem>>, vector<1024x96xf32>
    %get3A_2 = arith.constant 0 : index
    %get3A_3 = arith.constant 0 : index
    %get3A_4 = vector.load %arg2[%get3A_2, %get3A_3] : memref<128x96xf32, #tpu.memory_space<vmem>>, vector<128x96xf32>
    %get3A_5 = arith.constant 0 : index
    %get3A_6 = arith.constant 0 : index
    %get3A_7 = vector.load %arg3[%get3A_5, %get3A_6] : memref<96x384xf32, #tpu.memory_space<vmem>>, vector<96x384xf32>
    %get3A_8 = arith.constant 0 : index
    %get3A_9 = arith.constant 0 : index
    %get3A_10 = vector.load %arg4[%get3A_8, %get3A_9] : memref<128x96xf32, #tpu.memory_space<vmem>>, vector<128x96xf32>
    %get3A_11 = arith.constant 0 : index
    %get3A_12 = arith.constant 0 : index
    %get3A_13 = vector.load %arg5[%get3A_11, %get3A_12] : memref<128x32xf32, #tpu.memory_space<vmem>>, vector<128x32xf32>
    %get3A_14 = arith.constant 0 : index
    %get3A_15 = arith.constant 0 : index
    %get3A_16 = vector.load %arg6[%get3A_14, %get3A_15] : memref<32x128xf32, #tpu.memory_space<vmem>>, vector<32x128xf32>
    %get3A_17 = arith.constant 0 : index
    %get3A_18 = arith.constant 0 : index
    %get3A_19 = vector.load %arg7[%get3A_17, %get3A_18] : memref<32x128xf32, #tpu.memory_space<vmem>>, vector<32x128xf32>
    %concatenate3A = tpu.concatenate %get3A_1, %get3A_4 in 0 : vector<1024x96xf32>, vector<128x96xf32> -> vector<1152x96xf32>
    %dot_general3A = arith.constant dense<0.000000e+00> : vector<1152x384xf32>
    %dot_general3A_20 = tpu.matmul %concatenate3A, %get3A_7, %dot_general3A {dimension_numbers = #tpu.dot_dimension_numbers<[1], [0], [0], [1], [0, 0, 1, 1], [], []>, transpose_lhs_hint = false} : vector<1152x96xf32>, vector<96x384xf32>, vector<1152x384xf32> -> vector<1152x384xf32>
    %slice3A = vector.extract_strided_slice %dot_general3A_20 {offsets = [0, 0], sizes = [1024, 128], strides = [1, 1]} : vector<1152x384xf32> to vector<1024x128xf32>
    %slice3A_21 = vector.extract_strided_slice %dot_general3A_20 {offsets = [0, 128], sizes = [1152, 128], strides = [1, 1]} : vector<1152x384xf32> to vector<1152x128xf32>
    %slice3A_22 = vector.extract_strided_slice %dot_general3A_20 {offsets = [0, 256], sizes = [1152, 128], strides = [1, 1]} : vector<1152x384xf32> to vector<1152x128xf32>
    %dot_general3A_23 = arith.constant dense<0.000000e+00> : vector<1024x32xf32>
    %dot_general3A_24 = tpu.matmul %slice3A, %get3A_13, %dot_general3A_23 {dimension_numbers = #tpu.dot_dimension_numbers<[1], [0], [0], [1], [0, 0, 1, 1], [], []>, transpose_lhs_hint = false} : vector<1024x128xf32>, vector<128x32xf32>, vector<1024x32xf32> -> vector<1024x32xf32>
    %exp3A = math.exp %dot_general3A_24 : vector<1024x32xf32>
    %dot_general3A_25 = arith.constant dense<0.000000e+00> : vector<1024x128xf32>
    %dot_general3A_26 = tpu.matmul %exp3A, %get3A_19, %dot_general3A_25 {dimension_numbers = #tpu.dot_dimension_numbers<[1], [0], [0], [1], [0, 0, 1, 1], [], []>, transpose_lhs_hint = false} : vector<1024x32xf32>, vector<32x128xf32>, vector<1024x128xf32> -> vector<1024x128xf32>
    %dot_general3A_27 = arith.constant dense<0.000000e+00> : vector<1024x128xf32>
    %dot_general3A_28 = tpu.matmul %exp3A, %get3A_16, %dot_general3A_27 {dimension_numbers = #tpu.dot_dimension_numbers<[1], [0], [0], [1], [0, 0, 1, 1], [], []>, transpose_lhs_hint = false} : vector<1024x32xf32>, vector<32x128xf32>, vector<1024x128xf32> -> vector<1024x128xf32>
    %div3A = arith.divf %dot_general3A_28, %dot_general3A_26 : vector<1024x128xf32>
    %slice3A_29 = vector.extract_strided_slice %slice3A {offsets = [0, 0], sizes = [1024, 32], strides = [1, 1]} : vector<1024x128xf32> to vector<1024x32xf32>
    %reshape3A = vector.shape_cast %slice3A_29 : vector<1024x32xf32> to vector<8x128x32xf32>
    %slice3A_30 = vector.extract_strided_slice %slice3A_21 {offsets = [0, 0], sizes = [1024, 32], strides = [1, 1]} : vector<1152x128xf32> to vector<1024x32xf32>
    %reshape3A_31 = vector.shape_cast %slice3A_30 : vector<1024x32xf32> to vector<8x128x32xf32>
    %slice3A_32 = vector.extract_strided_slice %slice3A_21 {offsets = [128, 0], sizes = [1024, 32], strides = [1, 1]} : vector<1152x128xf32> to vector<1024x32xf32>
    %reshape3A_33 = vector.shape_cast %slice3A_32 : vector<1024x32xf32> to vector<8x128x32xf32>
    %concatenate3A_34 = tpu.concatenate %reshape3A_31, %reshape3A_33 in 1 : vector<8x128x32xf32>, vector<8x128x32xf32> -> vector<8x256x32xf32>
    %slice3A_35 = vector.extract_strided_slice %slice3A_22 {offsets = [0, 0], sizes = [1024, 32], strides = [1, 1]} : vector<1152x128xf32> to vector<1024x32xf32>
    %reshape3A_36 = vector.shape_cast %slice3A_35 : vector<1024x32xf32> to vector<8x128x32xf32>
    %slice3A_37 = vector.extract_strided_slice %slice3A_22 {offsets = [128, 0], sizes = [1024, 32], strides = [1, 1]} : vector<1152x128xf32> to vector<1024x32xf32>
    %reshape3A_38 = vector.shape_cast %slice3A_37 : vector<1024x32xf32> to vector<8x128x32xf32>
    %concatenate3A_39 = tpu.concatenate %reshape3A_36, %reshape3A_38 in 1 : vector<8x128x32xf32>, vector<8x128x32xf32> -> vector<8x256x32xf32>
    %dot_general3A_40 = arith.constant dense<0.000000e+00> : vector<8x128x256xf32>
    %dot_general3A_41 = tpu.matmul %reshape3A, %concatenate3A_34, %dot_general3A_40 {dimension_numbers = #tpu.dot_dimension_numbers<[2], [2], [1], [1], [0, 0, 0, 1, 1, 1], [0], [0]>, transpose_lhs_hint = false} : vector<8x128x32xf32>, vector<8x256x32xf32>, vector<8x128x256xf32> -> vector<8x128x256xf32>
    %exp3A_42 = math.exp %dot_general3A_41 : vector<8x128x256xf32>
    %reduce_sum3A = arith.constant dense<0.000000e+00> : vector<8x128xf32>
    %reduce_sum3A_43 = vector.multi_reduction <add>, %exp3A_42, %reduce_sum3A [2] : vector<8x128x256xf32> to vector<8x128xf32>
    %broadcast_in_dim3A = vector.shape_cast %reduce_sum3A_43 : vector<8x128xf32> to vector<8x128x1xf32>
    %dot_general3A_44 = arith.constant dense<0.000000e+00> : vector<8x128x32xf32>
    %dot_general3A_45 = tpu.matmul %exp3A_42, %concatenate3A_39, %dot_general3A_44 {dimension_numbers = #tpu.dot_dimension_numbers<[2], [1], [1], [2], [0, 0, 0, 1, 1, 2], [0], [0]>, transpose_lhs_hint = false} : vector<8x128x256xf32>, vector<8x256x32xf32>, vector<8x128x32xf32> -> vector<8x128x32xf32>
    %div3A_46 = vector.broadcast %broadcast_in_dim3A : vector<8x128x1xf32> to vector<8x128x32xf32>
    %div3A_47 = arith.divf %dot_general3A_45, %div3A_46 : vector<8x128x32xf32>
    %reshape3A_48 = vector.shape_cast %div3A_47 : vector<8x128x32xf32> to vector<1024x32xf32>
    %slice3A_49 = vector.extract_strided_slice %slice3A {offsets = [0, 32], sizes = [1024, 32], strides = [1, 1]} : vector<1024x128xf32> to vector<1024x32xf32>
    %reshape3A_50 = vector.shape_cast %slice3A_49 : vector<1024x32xf32> to vector<8x128x32xf32>
    %slice3A_51 = vector.extract_strided_slice %slice3A_21 {offsets = [0, 32], sizes = [1024, 32], strides = [1, 1]} : vector<1152x128xf32> to vector<1024x32xf32>
    %reshape3A_52 = vector.shape_cast %slice3A_51 : vector<1024x32xf32> to vector<8x128x32xf32>
    %slice3A_53 = vector.extract_strided_slice %slice3A_21 {offsets = [128, 32], sizes = [1024, 32], strides = [1, 1]} : vector<1152x128xf32> to vector<1024x32xf32>
    %reshape3A_54 = vector.shape_cast %slice3A_53 : vector<1024x32xf32> to vector<8x128x32xf32>
    %concatenate3A_55 = tpu.concatenate %reshape3A_52, %reshape3A_54 in 1 : vector<8x128x32xf32>, vector<8x128x32xf32> -> vector<8x256x32xf32>
    %slice3A_56 = vector.extract_strided_slice %slice3A_22 {offsets = [0, 32], sizes = [1024, 32], strides = [1, 1]} : vector<1152x128xf32> to vector<1024x32xf32>
    %reshape3A_57 = vector.shape_cast %slice3A_56 : vector<1024x32xf32> to vector<8x128x32xf32>
    %slice3A_58 = vector.extract_strided_slice %slice3A_22 {offsets = [128, 32], sizes = [1024, 32], strides = [1, 1]} : vector<1152x128xf32> to vector<1024x32xf32>
    %reshape3A_59 = vector.shape_cast %slice3A_58 : vector<1024x32xf32> to vector<8x128x32xf32>
    %concatenate3A_60 = tpu.concatenate %reshape3A_57, %reshape3A_59 in 1 : vector<8x128x32xf32>, vector<8x128x32xf32> -> vector<8x256x32xf32>
    %dot_general3A_61 = arith.constant dense<0.000000e+00> : vector<8x128x256xf32>
    %dot_general3A_62 = tpu.matmul %reshape3A_50, %concatenate3A_55, %dot_general3A_61 {dimension_numbers = #tpu.dot_dimension_numbers<[2], [2], [1], [1], [0, 0, 0, 1, 1, 1], [0], [0]>, transpose_lhs_hint = false} : vector<8x128x32xf32>, vector<8x256x32xf32>, vector<8x128x256xf32> -> vector<8x128x256xf32>
    %exp3A_63 = math.exp %dot_general3A_62 : vector<8x128x256xf32>
    %reduce_sum3A_64 = arith.constant dense<0.000000e+00> : vector<8x128xf32>
    %reduce_sum3A_65 = vector.multi_reduction <add>, %exp3A_63, %reduce_sum3A_64 [2] : vector<8x128x256xf32> to vector<8x128xf32>
    %broadcast_in_dim3A_66 = vector.shape_cast %reduce_sum3A_65 : vector<8x128xf32> to vector<8x128x1xf32>
    %dot_general3A_67 = arith.constant dense<0.000000e+00> : vector<8x128x32xf32>
    %dot_general3A_68 = tpu.matmul %exp3A_63, %concatenate3A_60, %dot_general3A_67 {dimension_numbers = #tpu.dot_dimension_numbers<[2], [1], [1], [2], [0, 0, 0, 1, 1, 2], [0], [0]>, transpose_lhs_hint = false} : vector<8x128x256xf32>, vector<8x256x32xf32>, vector<8x128x32xf32> -> vector<8x128x32xf32>
    %div3A_69 = vector.broadcast %broadcast_in_dim3A_66 : vector<8x128x1xf32> to vector<8x128x32xf32>
    %div3A_70 = arith.divf %dot_general3A_68, %div3A_69 : vector<8x128x32xf32>
    %reshape3A_71 = vector.shape_cast %div3A_70 : vector<8x128x32xf32> to vector<1024x32xf32>
    %slice3A_72 = vector.extract_strided_slice %slice3A {offsets = [0, 64], sizes = [1024, 32], strides = [1, 1]} : vector<1024x128xf32> to vector<1024x32xf32>
    %reshape3A_73 = vector.shape_cast %slice3A_72 : vector<1024x32xf32> to vector<8x128x32xf32>
    %slice3A_74 = vector.extract_strided_slice %slice3A_21 {offsets = [0, 64], sizes = [1024, 32], strides = [1, 1]} : vector<1152x128xf32> to vector<1024x32xf32>
    %reshape3A_75 = vector.shape_cast %slice3A_74 : vector<1024x32xf32> to vector<8x128x32xf32>
    %slice3A_76 = vector.extract_strided_slice %slice3A_21 {offsets = [128, 64], sizes = [1024, 32], strides = [1, 1]} : vector<1152x128xf32> to vector<1024x32xf32>
    %reshape3A_77 = vector.shape_cast %slice3A_76 : vector<1024x32xf32> to vector<8x128x32xf32>
    %concatenate3A_78 = tpu.concatenate %reshape3A_75, %reshape3A_77 in 1 : vector<8x128x32xf32>, vector<8x128x32xf32> -> vector<8x256x32xf32>
    %slice3A_79 = vector.extract_strided_slice %slice3A_22 {offsets = [0, 64], sizes = [1024, 32], strides = [1, 1]} : vector<1152x128xf32> to vector<1024x32xf32>
    %reshape3A_80 = vector.shape_cast %slice3A_79 : vector<1024x32xf32> to vector<8x128x32xf32>
    %slice3A_81 = vector.extract_strided_slice %slice3A_22 {offsets = [128, 64], sizes = [1024, 32], strides = [1, 1]} : vector<1152x128xf32> to vector<1024x32xf32>
    %reshape3A_82 = vector.shape_cast %slice3A_81 : vector<1024x32xf32> to vector<8x128x32xf32>
    %concatenate3A_83 = tpu.concatenate %reshape3A_80, %reshape3A_82 in 1 : vector<8x128x32xf32>, vector<8x128x32xf32> -> vector<8x256x32xf32>
    %dot_general3A_84 = arith.constant dense<0.000000e+00> : vector<8x128x256xf32>
    %dot_general3A_85 = tpu.matmul %reshape3A_73, %concatenate3A_78, %dot_general3A_84 {dimension_numbers = #tpu.dot_dimension_numbers<[2], [2], [1], [1], [0, 0, 0, 1, 1, 1], [0], [0]>, transpose_lhs_hint = false} : vector<8x128x32xf32>, vector<8x256x32xf32>, vector<8x128x256xf32> -> vector<8x128x256xf32>
    %exp3A_86 = math.exp %dot_general3A_85 : vector<8x128x256xf32>
    %reduce_sum3A_87 = arith.constant dense<0.000000e+00> : vector<8x128xf32>
    %reduce_sum3A_88 = vector.multi_reduction <add>, %exp3A_86, %reduce_sum3A_87 [2] : vector<8x128x256xf32> to vector<8x128xf32>
    %broadcast_in_dim3A_89 = vector.shape_cast %reduce_sum3A_88 : vector<8x128xf32> to vector<8x128x1xf32>
    %dot_general3A_90 = arith.constant dense<0.000000e+00> : vector<8x128x32xf32>
    %dot_general3A_91 = tpu.matmul %exp3A_86, %concatenate3A_83, %dot_general3A_90 {dimension_numbers = #tpu.dot_dimension_numbers<[2], [1], [1], [2], [0, 0, 0, 1, 1, 2], [0], [0]>, transpose_lhs_hint = false} : vector<8x128x256xf32>, vector<8x256x32xf32>, vector<8x128x32xf32> -> vector<8x128x32xf32>
    %div3A_92 = vector.broadcast %broadcast_in_dim3A_89 : vector<8x128x1xf32> to vector<8x128x32xf32>
    %div3A_93 = arith.divf %dot_general3A_91, %div3A_92 : vector<8x128x32xf32>
    %reshape3A_94 = vector.shape_cast %div3A_93 : vector<8x128x32xf32> to vector<1024x32xf32>
    %slice3A_95 = vector.extract_strided_slice %slice3A {offsets = [0, 96], sizes = [1024, 32], strides = [1, 1]} : vector<1024x128xf32> to vector<1024x32xf32>
    %reshape3A_96 = vector.shape_cast %slice3A_95 : vector<1024x32xf32> to vector<8x128x32xf32>
    %slice3A_97 = vector.extract_strided_slice %slice3A_21 {offsets = [0, 96], sizes = [1024, 32], strides = [1, 1]} : vector<1152x128xf32> to vector<1024x32xf32>
    %reshape3A_98 = vector.shape_cast %slice3A_97 : vector<1024x32xf32> to vector<8x128x32xf32>
    %slice3A_99 = vector.extract_strided_slice %slice3A_21 {offsets = [128, 96], sizes = [1024, 32], strides = [1, 1]} : vector<1152x128xf32> to vector<1024x32xf32>
    %reshape3A_100 = vector.shape_cast %slice3A_99 : vector<1024x32xf32> to vector<8x128x32xf32>
    %concatenate3A_101 = tpu.concatenate %reshape3A_98, %reshape3A_100 in 1 : vector<8x128x32xf32>, vector<8x128x32xf32> -> vector<8x256x32xf32>
    %slice3A_102 = vector.extract_strided_slice %slice3A_22 {offsets = [0, 96], sizes = [1024, 32], strides = [1, 1]} : vector<1152x128xf32> to vector<1024x32xf32>
    %reshape3A_103 = vector.shape_cast %slice3A_102 : vector<1024x32xf32> to vector<8x128x32xf32>
    %slice3A_104 = vector.extract_strided_slice %slice3A_22 {offsets = [128, 96], sizes = [1024, 32], strides = [1, 1]} : vector<1152x128xf32> to vector<1024x32xf32>
    %reshape3A_105 = vector.shape_cast %slice3A_104 : vector<1024x32xf32> to vector<8x128x32xf32>
    %concatenate3A_106 = tpu.concatenate %reshape3A_103, %reshape3A_105 in 1 : vector<8x128x32xf32>, vector<8x128x32xf32> -> vector<8x256x32xf32>
    %dot_general3A_107 = arith.constant dense<0.000000e+00> : vector<8x128x256xf32>
    %dot_general3A_108 = tpu.matmul %reshape3A_96, %concatenate3A_101, %dot_general3A_107 {dimension_numbers = #tpu.dot_dimension_numbers<[2], [2], [1], [1], [0, 0, 0, 1, 1, 1], [0], [0]>, transpose_lhs_hint = false} : vector<8x128x32xf32>, vector<8x256x32xf32>, vector<8x128x256xf32> -> vector<8x128x256xf32>
    %exp3A_109 = math.exp %dot_general3A_108 : vector<8x128x256xf32>
    %reduce_sum3A_110 = arith.constant dense<0.000000e+00> : vector<8x128xf32>
    %reduce_sum3A_111 = vector.multi_reduction <add>, %exp3A_109, %reduce_sum3A_110 [2] : vector<8x128x256xf32> to vector<8x128xf32>
    %broadcast_in_dim3A_112 = vector.shape_cast %reduce_sum3A_111 : vector<8x128xf32> to vector<8x128x1xf32>
    %dot_general3A_113 = arith.constant dense<0.000000e+00> : vector<8x128x32xf32>
    %dot_general3A_114 = tpu.matmul %exp3A_109, %concatenate3A_106, %dot_general3A_113 {dimension_numbers = #tpu.dot_dimension_numbers<[2], [1], [1], [2], [0, 0, 0, 1, 1, 2], [0], [0]>, transpose_lhs_hint = false} : vector<8x128x256xf32>, vector<8x256x32xf32>, vector<8x128x32xf32> -> vector<8x128x32xf32>
    %div3A_115 = vector.broadcast %broadcast_in_dim3A_112 : vector<8x128x1xf32> to vector<8x128x32xf32>
    %div3A_116 = arith.divf %dot_general3A_114, %div3A_115 : vector<8x128x32xf32>
    %reshape3A_117 = vector.shape_cast %div3A_116 : vector<8x128x32xf32> to vector<1024x32xf32>
    %concatenate3A_118 = tpu.concatenate %reshape3A_48, %reshape3A_71, %reshape3A_94, %reshape3A_117 in 1 : vector<1024x32xf32>, vector<1024x32xf32>, vector<1024x32xf32>, vector<1024x32xf32> -> vector<1024x128xf32>
    %add3A = arith.addf %concatenate3A_118, %div3A : vector<1024x128xf32>
    %dot_general3A_119 = arith.constant dense<0.000000e+00> : vector<1024x96xf32>
    %dot_general3A_120 = tpu.matmul %add3A, %get3A_10, %dot_general3A_119 {dimension_numbers = #tpu.dot_dimension_numbers<[1], [0], [0], [1], [0, 0, 1, 1], [], []>, transpose_lhs_hint = false} : vector<1024x128xf32>, vector<128x96xf32>, vector<1024x96xf32> -> vector<1024x96xf32>
    %swap3A = arith.constant 0 : index
    %swap3A_121 = arith.constant 0 : index
    %swap3A_122 = vector.load %arg8[%swap3A, %swap3A_121] : memref<1024x96xf32, #tpu.memory_space<vmem>>, vector<1024x96xf32>
    tpu.vector_store %arg8[%swap3A, %swap3A_121], %dot_general3A_120 {strides = array<i32>} : memref<1024x96xf32, #tpu.memory_space<vmem>>, vector<1024x96xf32>,
    return
  }
  func.func @transform_0(%arg0: i32) -> (i32, i32) {
    %c0_i32 = arith.constant 0 : i32
    %c0_i32_0 = arith.constant 0 : i32
    return %arg0, %c0_i32 : i32, i32
  }
  func.func @transform_1(%arg0: i32) -> (i32, i32) {
    %mul3A = arith.constant 8 : i32
    %mul3A_0 = arith.muli %mul3A, %arg0 : i32
    %add3A = arith.constant 8 : i32
    %add3A_1 = arith.addi %mul3A_0, %add3A : i32
    %min3A = arith.constant 391 : i32
    %min3A_2 = arith.minsi %add3A_1, %min3A : i32
    %c0_i32 = arith.constant 0 : i32
    %c0_i32_3 = arith.constant 0 : i32
    return %min3A_2, %c0_i32 : i32, i32
  }
  func.func @transform_2(%arg0: i32) -> (i32, i32) {
    %c0_i32 = arith.constant 0 : i32
    %c0_i32_0 = arith.constant 0 : i32
    %c0_i32_1 = arith.constant 0 : i32
    return %c0_i32, %c0_i32_0 : i32, i32
  }
  func.func @transform_3(%arg0: i32) -> (i32, i32) {
    %c0_i32 = arith.constant 0 : i32
    %c0_i32_0 = arith.constant 0 : i32
    %c0_i32_1 = arith.constant 0 : i32
    return %c0_i32, %c0_i32_0 : i32, i32
  }
  func.func @transform_4(%arg0: i32) -> (i32, i32) {
    %c0_i32 = arith.constant 0 : i32
    %c0_i32_0 = arith.constant 0 : i32
    %c0_i32_1 = arith.constant 0 : i32
    return %c0_i32, %c0_i32_0 : i32, i32
  }
  func.func @transform_5(%arg0: i32) -> (i32, i32) {
    %c0_i32 = arith.constant 0 : i32
    %c0_i32_0 = arith.constant 0 : i32
    %c0_i32_1 = arith.constant 0 : i32
    return %c0_i32, %c0_i32_0 : i32, i32
  }
  func.func @transform_6(%arg0: i32) -> (i32, i32) {
    %c0_i32 = arith.constant 0 : i32
    %c0_i32_0 = arith.constant 0 : i32
    %c0_i32_1 = arith.constant 0 : i32
    return %c0_i32, %c0_i32_0 : i32, i32
  }
  func.func @transform_7(%arg0: i32) -> (i32, i32) {
    %c0_i32 = arith.constant 0 : i32
    %c0_i32_0 = arith.constant 0 : i32
    return %arg0, %c0_i32 : i32, i32
  }
}

</mosaic_0001>

<sc_bundles>
// kernel: kernel.5.cloned.1.call-start
scs
__scs_entry_jumppad:
0x0: {  	(pc) =	sbr.rel $0x88, $3  }
0x1: {  	(tag) =	ssettag $0x0;
	lr =	simm.s32 $0x1  }
0x2: {  	[smem:$0x3F99] =	sst lr;
	_ =	strace $0xD0000000  }
0x3: {  	_ = 	snop  }
0x4: {  	_ = 	snop  }
0x5: {  	_ = 	snop  }
0x6: {  	_ = 	snop  }
0x7: {  	_ = 	snop  }
__scs_overlays_trampoline_lowered:
0x8: {  	[smem:$0x3FA8] =	sst s0  }
0x9: {  	[smem:$0x3FA9] =	sst s1  }
0xa: {  	[smem:$0x3FAA] =	sst s2  }
0xb: {  	[smem:$0x3FAB] =	sst s3  }
0xc: {  	[smem:$0x3FAC] =	sst s4  }
0xd: {  	[smem:$0x3FAD] =	sst s5  }
0xe: {  	[smem:$0x3FAE] =	sst s6  }
0xf: {  	[smem:$0x3FAF] =	sst s7  }
0x10: {  	[smem:$0x3FB0] =	sst s8  }
0x11: {  	[smem:$0x3FB1] =	sst s9;
	s0 =	simm.s32 @!p0 $0x0  }
0x12: {  	s1 =	sld [smem:$0x3F97];
	s0 =	simm.s32 @p0 $0x1  }
0x13: {  	[smem:$0x3FB2] =	sst s0;
	s0 =	simm.s32 @!p1 $0x0  }
0x14: {  	s2 =	sld [smem:$0x3F96];
	s0 =	simm.s32 @p1 $0x1  }
0x15: {  	[smem:$0x3FB3] =	sst s0;
	s0 =	simm.s32 @!p2 $0x0  }
0x16: {  	s3 =	sld [smem:$0x3FDB];
	s0 =	simm.s32 @p2 $0x1  }
0x17: {  	s4 =	simm.s32 $0x1BF5;
	[smem:$0x3FB5] =	sst s0  }
0x18: {  	s0 =	sld [smem:$0x3F98];
	_ =	swait.ge [sflag:s4], $0x0  }
0x19: {  	s7 =	sld [smem:$0x3F99]  }
0x1a: {  	s8 =	sadd.s32 $0xFFFFE003, lr  }
0x1b: {  	s9 =	sadd.s32 $0xFFFFFEF7, lr;
	s5 =	simm.s32 $0xFFFFFFFF;
	p2 =	slt.u32 s8, $0xFFFFF086  }
0x1c: {  	p1 =	slt.u32 s9, $0xF7A;
	s5 =	simm.s32 @!p2 $0x0  }
0x1d: {  	s5 =	simm.s32 @p1 $0x1;
	p0 =	seq.s32 s7, s2  }
0x1e: {  	s7 =	smul.u32 @!p0 $0xF7A, s2;
	p2 =	seq.s32 @!p0 s5, $0x0  }
0x1f: {  	s9 =	smul.u32 $0xF7A, s1;
	s8 =	simm.s32 @!p0 $0x1BF5;
	p2 =	por !p2, p0  }
0x20: {  	[sflag:s8] =	ssyncset.s32 @!p0 $0xFFFFF086;
	s6 =	sadd.s32 @!p0 s3, s7;
	s7 =	simm.s32 @!p0 $0x108  }
0x21: {  	s3 =	sadd.s32 s3, s9;
	s6 =	sadd.s32 @!p0 $0x88, s6;
	s7 =	simm.s32 @p2 $0x1082  }
0x22: {  	[simem:s7], [sflag:s8] =	dma.local @!p0 [hbm:s6], $0xF7A  }
0x23: {  	s9 =	sor.u32 $0xD0000000, s2;
	s6 =	simm.s32 $0x108;
	_ =	swait.ge @!p0 [sflag:s8], $0x0  }
0x24: {  	s3 =	sadd.s32 $0x88, s3;
	s6 =	simm.s32 @!p1 $0x1082;
	[sflag:s4] =	ssyncset.s32 $0xFFFFF086  }
0x25: {  	[simem:s6], [sflag:s4] =	dma.local [hbm:s3], $0xF7A  }
0x26: {  	[smem:$0x3F99] =	sst s1;
	(tag) =	ssettag s2;
	_ =	strace s9  }
0x27: {  	s1 =	sld [smem:$0x3FA9]  }
0x28: {  	s2 =	sld [smem:$0x3FAA]  }
0x29: {  	s4 =	sld [smem:$0x3FAC]  }
0x2a: {  	p0 =	seq.s32 s5, $0x0;
	s5 =	sld [smem:$0x3FAD]  }
0x2b: {  	s6 =	sld [smem:$0x3FAE]  }
0x2c: {  	s7 =	sld [smem:$0x3FAF]  }
0x2d: {  	s3 =	simm.s32 $0x108;
	s8 =	sld [smem:$0x3FB0]  }
0x2e: {  	s3 =	simm.s32 @!p0 $0x1082;
	s9 =	sld [smem:$0x3FB1]  }
0x2f: {  	lr =	sadd.s32 s0, s3;
	s0 =	sld [smem:$0x3FA8]  }
0x30: {  	s3 =	sld [smem:$0x3FAB]  }
0x31: {  	[smem:$0x3FB4] =	sst s10  }
0x32: {  	s10 =	sld [smem:$0x3FB2];
	_ =	sdelay $0x3  }
0x33: {  	p0 =	seq.s32 s10, $0x1;
	s10 =	sld [smem:$0x3FB4];
	_ =	sdelay $0x3  }
0x34: {  	[smem:$0x3FB4] =	sst s10  }
0x35: {  	s10 =	sld [smem:$0x3FB3];
	_ =	sdelay $0x3  }
0x36: {  	p1 =	seq.s32 s10, $0x1;
	s10 =	sld [smem:$0x3FB4];
	_ =	sdelay $0x3  }
0x37: {  	[smem:$0x3FB4] =	sst s10  }
0x38: {  	s10 =	sld [smem:$0x3FB5]  }
0x39: {  	_ = 	snop;
	(pc) =	sbr.ind lr, $3  }
0x3a: {  	_ = 	snop  }
0x3b: {  	_ = 	snop  }
0x3c: {  	p2 =	seq.s32 s10, $0x1;
	s10 =	sld [smem:$0x3FB4]  }
0x3d: {  	_ =	shalt  }
0x3e: {  	_ =	shalt  }
0x3f: {  	_ =	shalt  }
0x40: {  	_ =	shalt  }
0x41: {  	_ =	shalt  }
0x42: {  	_ =	shalt  }
0x43: {  	_ =	shalt  }
0x44: {  	_ =	shalt  }
0x45: {  	_ =	shalt  }
0x46: {  	_ =	shalt  }
0x47: {  	_ =	shalt  }
0x48: {  	_ =	shalt  }
0x49: {  	_ =	shalt  }
0x4a: {  	_ =	shalt  }
0x4b: {  	_ =	shalt  }
0x4c: {  	_ =	shalt  }
0x4d: {  	_ =	shalt  }
0x4e: {  	_ =	shalt  }
0x4f: {  	_ =	shalt  }
0x50: {  	_ =	shalt  }
0x51: {  	_ =	shalt  }
0x52: {  	_ =	shalt  }
0x53: {  	_ =	shalt  }
0x54: {  	_ =	shalt  }
0x55: {  	_ =	shalt  }
0x56: {  	_ =	shalt  }
0x57: {  	_ =	shalt  }
0x58: {  	_ =	shalt  }
0x59: {  	_ =	shalt  }
0x5a: {  	_ =	shalt  }
0x5b: {  	_ =	shalt  }
0x5c: {  	_ =	shalt  }
0x5d: {  	_ =	shalt  }
0x5e: {  	_ =	shalt  }
0x5f: {  	_ =	shalt  }
0x60: {  	_ =	shalt  }
0x61: {  	_ =	shalt  }
0x62: {  	_ =	shalt  }
0x63: {  	_ =	shalt  }
0x64: {  	_ =	shalt  }
0x65: {  	_ =	shalt  }
0x66: {  	_ =	shalt  }
0x67: {  	_ =	shalt  }
0x68: {  	_ =	shalt  }
0x69: {  	_ =	shalt  }
0x6a: {  	_ =	shalt  }
0x6b: {  	_ =	shalt  }
0x6c: {  	_ =	shalt  }
0x6d: {  	_ =	shalt  }
0x6e: {  	_ =	shalt  }
0x6f: {  	_ =	shalt  }
0x70: {  	_ =	shalt  }
0x71: {  	_ =	shalt  }
0x72: {  	_ =	shalt  }
0x73: {  	_ =	shalt  }
0x74: {  	_ =	shalt  }
0x75: {  	_ =	shalt  }
0x76: {  	_ =	shalt  }
0x77: {  	_ =	shalt  }
0x78: {  	_ =	shalt  }
0x79: {  	_ =	shalt  }
0x7a: {  	_ =	shalt  }
0x7b: {  	_ =	shalt  }
0x7c: {  	_ =	shalt  }
0x7d: {  	_ =	shalt  }
0x7e: {  	_ =	shalt  }
0x7f: {  	_ =	shalt  }
0x80: {  	_ =	shalt  }
0x81: {  	_ =	shalt  }
0x82: {  	_ =	shalt  }
0x83: {  	_ =	shalt  }
0x84: {  	_ =	shalt  }
0x85: {  	_ =	shalt  }
0x86: {  	_ =	shalt  }
0x87: {  	_ =	shalt  }
.Lfunc_end0:
.L_simem_size_0:
called_computation_lowered:
.L_overlay_start_0:
0x88: {  	s2 =	sld [smem:$0x3FD9]  }
0x89: {  	s3 =	sld [smem:$0x3FFE];
	_ =	sdelay $0x1  }
0x8a: {  	s1 =	srdreg.scid  }
0x8b: {  	s0 =	sand.u32 $0x1, s1  }
0x8c: {  	s17 =	sshll.u32 s0, $0xA;
	s2 =	sadd.s32 s3, s2  }
0x8d: {  	s2 =	sadd.s32 s2, s17  }
0x8e: {  	[smem:$0x3FC0] =	sst s2  }
0x8f: {  	_ = 	snop  }
0x90: {  	s2 =	sld [smem:$0x3FC8]  }
0x91: {  	s18 =	sld [smem:$0x3FD0];
	(tm) =	ssettm $0x1  }
0x92: {  	s4 =	sld [smem:$0x3FFB];
	_ =	sdelay $0x3  }
0x93: {  	_ =	strace s4  }
0x94: {  	s4 =	sld [smem:$0x3FFC];
	_ =	sdelay $0x3  }
0x95: {  	_ =	strace s4  }
0x96: {  	s4 =	sld [smem:$0x3FFD];
	_ =	sdelay $0x3  }
0x97: {  	_ =	strace s4  }
0x98: {  	_ =	strace $0x8FFFFFFF  }
0x99: {  	s19 =	sld [smem:$0x3FDB];
	_ =	sdelay $0x1  }
0x9a: {  	s5 =	simm.s32 $_scs_section_size  }
0x9b: {  	s6 =	simm.s32 $_size__tile_overlayer_lowered;
	s7 =	simm.s32 $_tile_overlayer_lowered  }
0x9c: {  	s22 =	simm.s32 $0x1BFF;
	s21 =	sshll.u32 s7, $0x1;
	s4 =	sadd.s32 s5, s19  }
0x9d: {  	s8 =	simm.s32 $0x0;
	s20 =	sshll.u32 s6, $0x1;
	s6 =	sadd.s32 s21, s4  }
0x9e: {  	[timem:s8], [sflag:s22] =	dma.local [hbm:s6], s20  }
0x9f: {  	_ =	swait.ge [sflag:s22], s20  }
0xa0: {  	s5 =	ssub.s32 $0x0, s20;
	[sflag:s22] =	ssyncset.done $0x0  }
0xa1: {  	[sflag:s22] =	ssyncadd.s32 s5;
	_ =	sdelay $0x1  }
0xa2: {  	s23 =	simm.s32 $0x1B8B  }
0xa3: {  	_ =	swait.ge [sflag:s23], $0x1  }
0xa4: {  	[sflag:s23] =	ssyncset.done $0x0  }
0xa5: {  	s25 =	simm.s32 $0x1B8E;
	s24 =	sld [smem:$0x3FFE];
	[sflag:s23] =	ssyncadd.s32 $0xFFFFFFFF  }
0xa6: {  	s26 =	simm.s32 $execute0_lowered;
	[smem:$0x3FD2] =	sst s25  }
0xa7: {  	s6 =	sshll.u32 s26, $0x1;
	_ =	strace $0x80000046;
	[dreg:$0x1] =	wrdreg $0xFFFFFFFF  }
0xa8: {  	s28 =	simm.s32 $_size_execute0_lowered;
	s4 =	sadd.s32 s4, s6;
	[dreg:$0x0] =	wrdreg $0x0  }
0xa9: {  	s6 =	sshll.u32 s28, $0x1;
	[dreg:$0x2] =	wrdreg s4  }
0xaa: {  	[dreg:$0x3] =	wrdreg s6  }
0xab: {  	[dreg:$0x4] =	wrdreg $0xC0  }
0xac: {  	_ =	task [dreg:s8], $0x5FFFF  }
0xad: {  	[dreg:$0x1] =	wrdreg $0xFFFFFFFF  }
0xae: {  	[dreg:$0x0] =	wrdreg $0x60  }
0xaf: {  	[dreg:$0x2] =	wrdreg s18  }
0xb0: {  	[dreg:$0x3] =	wrdreg s2  }
0xb1: {  	[dreg:$0x4] =	wrdreg s24  }
0xb2: {  	[dreg:$0x5] =	wrdreg $0x9  }
0xb3: {  	_ =	task.clear_ibuf [dreg:s8], $0x6FFFF;
	_ =	strace $0x90000046  }
0xb4: {  	s29 =	simm.s32 $0x9;
	_ =	strace $0x80000048  }
0xb5: {  	_ =	swait.ge [sflag:s29], $0x1  }
0xb6: {  	[sflag:s29] =	ssyncadd.s32 $0xFFFFFFFF  }
0xb7: {  	_ =	strace $0x90000048  }
0xb8: {  	_ =	sfence  }
0xb9: {  	s30 =	sld [smem:$0x0];
	_ =	sdelay $0x2  }
0xba: {  	s31 =	sshll.u32 s1, $0xD;
	s1 =	sshrl.u32 s1, $0x2  }
0xbb: {  	s3 =	sand.u32 $0x4000, s31;
	s1 =	sadd.s32 s1, s30  }
0xbc: {  	s0 =	sor.u32 s3, s0;
	s1 =	sshll.u32 s1, $0x11  }
0xbd: {  	s0 =	sor.u32 s1, s0  }
0xbe: {  	s0 =	sadd.s32 $0x8F2B, s0  }
0xbf: {  	[sflag:s0] =	ssyncadd.remote.s32 $0x1  }
0xc0: {  	_ =	sfence.sel $0xFFFF  }
0xc1: {  	[dreg:$0x0] =	wrdreg $0xFFFFFFFF;
	(pc) =	sbr.abs _section_cstart, $3  }
0xc2: {  	[dreg:$0x1] =	wrdreg $0xFFFFFFFF  }
0xc3: {  	_ =	task.clear_ibuf [dreg:s8], $0x2FFFF;
	_ =	strace $0x9FFFFFFF  }
0xc4: {  	(tm) =	ssettm $0x7FFFFFFF  }
0xc5: {  	_ =	shalt  }
tec
execute0_lowered:
.L_overlay_start_1:
0x0: {  	(tag) =	ssettag $0x1  }
0x1: {  	s2 =	rddreg [dreg:$0x0]  }
0x2: {  	s0 =	srdreg.scid;
	s1 =	rddreg [dreg:$0x1]  }
0x3: {  	s3 =	stileid.u32;
	s4 =	rddreg [dreg:$0x2]  }
0x4: {  	s31 =	simm.s32 $0x3;
	s9 =	simm.s32 $0x70;
	s10 =	simm.s32 $0x620  }
0x5: {  	s8 =	simm.s32 $0x1;
	s30 =	simm.s32 $0xE0;
	s29 =	simm.s32 $0x150  }
0x6: {  	s28 =	simm.s32 $0x1C0;
	p0 =	por $0x0, $0x0;
	s18 =	simm.s32 $0x4D0  }
0x7: {  	s16 =	simm.s32 $0x540;
	s0 =	sand.u32 $0x1, s0;
	s3 =	sshll.u32 s3, $0x1  }
0x8: {  	s14 =	simm.s32 $0x5B0;
	s4 =	sadd.s32 $0x1600, s4;
	s5 =	sor.u32 s0, s3  }
0x9: {  	s3 =	simm.s32 $0x0;
	s0 =	ssub.s32 $0x2, s0;
	s6 =	smul.u32 $0xC4, s5  }
0xa: {  	[smem:$0x7FF] =	sst s3;
	s7 =	smul.u32 $0x24C00, s5;
	s24 =	sshrl.u32 s0, $0x1  }
0xb: {  	s5 =	smul.u32 $0x4980, s5;
	_ =	strace $0x80000047;
	s0 =	ssub.s32 s0, s24  }
0xc: {  	s24 =	simm.s32 $0x310;
	s1 =	sadd.s32 s1, s6;
	s20 =	sshrl.u32 s7, $0x3  }
0xd: {  	s21 =	sadd.s32 s4, s5;
	s0 =	smax.u32 s0, $0x1;
	s7 =	simm.s32 $0x3020  }
0xe: {  	s5 =	simm.s32 $0x2;
	[dreg:$0x4] =	wrdreg s1;
	s4 =	sadd.s32 s4, s20  }
0xf: {  	[dreg:$0x5] =	wrdreg s21;
	p1 =	sne.s32 s0, $0x1;
	s1 =	sadd.s32 $0xFFFFFFFF, s0  }
0x10: {  	s20 =	simm.s32 $0x460;
	s22 =	sadd.s32 $0x540, s4;
	s23 =	sadd.s32 $0xA80, s4  }
0x11: {  	s25 =	sadd.s32 $0xFC0, s4;
	s26 =	sadd.s32 $0x1500, s4;
	s21 =	sadd.s32 $0x1A40, s4  }
0x12: {  	s19 =	sadd.s32 $0x1F80, s4;
	s17 =	sadd.s32 $0x24C0, s4;
	s0 =	rddreg [dreg:$0x4]  }
.Ltmp0:
0x13: {  	s15 =	sadd.s32 $0x2A00, s4;
	[dreg:$0x6] =	wrdreg s22;
	(pc) =	sbr.rel @!p1 .LBB2_3-.Ltmp0, $4  }
0x14: {  	s13 =	sadd.s32 $0x2F40, s4;
	s12 =	sadd.s32 $0x3480, s4;
	[dreg:$0x7] =	wrdreg s23  }
0x15: {  	s11 =	sadd.s32 $0x39C0, s4;
	s6 =	sadd.s32 $0x3F00, s4;
	[dreg:$0x8] =	wrdreg s25  }
0x16: {  	s4 =	sadd.s32 $0x4440, s4;
	[dreg:$0x9] =	wrdreg s26;
	s26 =	simm.s32 $0x230  }
0x17: {  	s25 =	simm.s32 $0x2A0;
	s23 =	simm.s32 $0x380;
	s22 =	simm.s32 $0x3F0  }
0x18: {  	[tilespmem:s3], [sflag:$0x3] =	stream.linear.gather [hbm4b:s0+s3], $0x620, $0x38;
	[tilespmem:$0x5A20] =	vst v63  }
0x19: {  	_ =	swait.ge [sflag:s31], $0x620  }
0x1a: {  	[sflag:s31] =	ssyncset.done $0x0  }
0x1b: {  	[sflag:s31] =	ssyncadd.s32 $0xFFFFF9E0  }
0x1c: {  	[tilespmem:s10], [sflag:$0x1] =	stream.indirect.gather [hbm4b:s2+s9], $0x60, s3, s9, $0xb8;
	[tilespmem:$0x5A20] =	vst v63  }
0x1d: {  	_ =	swait.ge [sflag:s8], $0x2A00  }
0x1e: {  	[sflag:s8] =	ssyncset.done $0x0  }
0x1f: {  	[sflag:s8] =	ssyncadd.s32 $0xFFFFD600  }
0x20: {  	[tilespmem:s7], [sflag:$0x1] =	stream.indirect.gather [hbm4b:s2+s9], $0x60, s9, s9, $0xb8;
	[tilespmem:$0x5A20] =	vst v63  }
0x21: {  	s0 =	rddreg [dreg:$0x5]  }
0x22: {  	[hbm4b:s0+s3] =	stream.linear.scatter [tilespmem:s10], [sflag:$0x2], $0x2A00, $0x38;
	[tilespmem:$0x5A20] =	vst v63  }
0x23: {  	_ =	swait.ge [sflag:s8], $0x2A00  }
0x24: {  	[sflag:s8] =	ssyncset.done $0x0  }
0x25: {  	[sflag:s8] =	ssyncadd.s32 $0xFFFFD600  }
0x26: {  	_ =	swait.ge [sflag:s5], $0x2A00  }
0x27: {  	[sflag:s5] =	ssyncset.done $0x0  }
0x28: {  	[sflag:s5] =	ssyncadd.s32 $0xFFFFD600  }
0x29: {  	[tilespmem:s10], [sflag:$0x1] =	stream.indirect.gather [hbm4b:s2+s9], $0x60, s30, s9, $0xb8;
	[tilespmem:$0x5A20] =	vst v63  }
0x2a: {  	s0 =	rddreg [dreg:$0x6]  }
0x2b: {  	[hbm4b:s0+s3] =	stream.linear.scatter [tilespmem:s7], [sflag:$0x2], $0x2A00, $0x38;
	[tilespmem:$0x5A20] =	vst v63  }
0x2c: {  	_ =	swait.ge [sflag:s8], $0x2A00  }
0x2d: {  	[sflag:s8] =	ssyncset.done $0x0  }
0x2e: {  	[sflag:s8] =	ssyncadd.s32 $0xFFFFD600  }
0x2f: {  	_ =	swait.ge [sflag:s5], $0x2A00  }
0x30: {  	[sflag:s5] =	ssyncset.done $0x0  }
0x31: {  	[sflag:s5] =	ssyncadd.s32 $0xFFFFD600  }
0x32: {  	[tilespmem:s7], [sflag:$0x1] =	stream.indirect.gather [hbm4b:s2+s9], $0x60, s29, s9, $0xb8;
	[tilespmem:$0x5A20] =	vst v63  }
0x33: {  	s0 =	rddreg [dreg:$0x7]  }
0x34: {  	[hbm4b:s0+s3] =	stream.linear.scatter [tilespmem:s10], [sflag:$0x2], $0x2A00, $0x38;
	[tilespmem:$0x5A20] =	vst v63  }
0x35: {  	_ =	swait.ge [sflag:s8], $0x2A00  }
0x36: {  	[sflag:s8] =	ssyncset.done $0x0  }
0x37: {  	[sflag:s8] =	ssyncadd.s32 $0xFFFFD600  }
0x38: {  	_ =	swait.ge [sflag:s5], $0x2A00  }
0x39: {  	[sflag:s5] =	ssyncset.done $0x0  }
0x3a: {  	[sflag:s5] =	ssyncadd.s32 $0xFFFFD600  }
0x3b: {  	[tilespmem:s10], [sflag:$0x1] =	stream.indirect.gather [hbm4b:s2+s9], $0x60, s28, s9, $0xb8;
	[tilespmem:$0x5A20] =	vst v63  }
0x3c: {  	s0 =	rddreg [dreg:$0x8]  }
0x3d: {  	[hbm4b:s0+s3] =	stream.linear.scatter [tilespmem:s7], [sflag:$0x2], $0x2A00, $0x38;
	[tilespmem:$0x5A20] =	vst v63  }
0x3e: {  	_ =	swait.ge [sflag:s8], $0x2A00  }
0x3f: {  	[sflag:s8] =	ssyncset.done $0x0  }
0x40: {  	[sflag:s8] =	ssyncadd.s32 $0xFFFFD600  }
0x41: {  	_ =	swait.ge [sflag:s5], $0x2A00  }
0x42: {  	[sflag:s5] =	ssyncset.done $0x0  }
0x43: {  	[sflag:s5] =	ssyncadd.s32 $0xFFFFD600  }
0x44: {  	[tilespmem:s7], [sflag:$0x1] =	stream.indirect.gather [hbm4b:s2+s9], $0x60, s26, s9, $0xb8;
	[tilespmem:$0x5A20] =	vst v63  }
0x45: {  	s0 =	rddreg [dreg:$0x9]  }
0x46: {  	[hbm4b:s0+s3] =	stream.linear.scatter [tilespmem:s10], [sflag:$0x2], $0x2A00, $0x38;
	[tilespmem:$0x5A20] =	vst v63  }
0x47: {  	_ =	swait.ge [sflag:s8], $0x2A00  }
0x48: {  	[sflag:s8] =	ssyncset.done $0x0  }
0x49: {  	[sflag:s8] =	ssyncadd.s32 $0xFFFFD600  }
0x4a: {  	_ =	swait.ge [sflag:s5], $0x2A00  }
0x4b: {  	[sflag:s5] =	ssyncset.done $0x0  }
0x4c: {  	[sflag:s5] =	ssyncadd.s32 $0xFFFFD600  }
0x4d: {  	[tilespmem:s10], [sflag:$0x1] =	stream.indirect.gather [hbm4b:s2+s9], $0x60, s25, s9, $0xb8;
	[tilespmem:$0x5A20] =	vst v63  }
0x4e: {  	_ = 	snop  }
0x4f: {  	[hbm4b:s21+s3] =	stream.linear.scatter [tilespmem:s7], [sflag:$0x2], $0x2A00, $0x38;
	[tilespmem:$0x5A20] =	vst v63  }
0x50: {  	_ =	swait.ge [sflag:s8], $0x2A00  }
0x51: {  	[sflag:s8] =	ssyncset.done $0x0  }
0x52: {  	[sflag:s8] =	ssyncadd.s32 $0xFFFFD600  }
0x53: {  	_ =	swait.ge [sflag:s5], $0x2A00  }
0x54: {  	[sflag:s5] =	ssyncset.done $0x0  }
0x55: {  	[sflag:s5] =	ssyncadd.s32 $0xFFFFD600  }
0x56: {  	[tilespmem:s7], [sflag:$0x1] =	stream.indirect.gather [hbm4b:s2+s9], $0x60, s24, s9, $0xb8;
	[tilespmem:$0x5A20] =	vst v63  }
0x57: {  	_ = 	snop  }
0x58: {  	[hbm4b:s19+s3] =	stream.linear.scatter [tilespmem:s10], [sflag:$0x2], $0x2A00, $0x38;
	[tilespmem:$0x5A20] =	vst v63  }
0x59: {  	_ =	swait.ge [sflag:s8], $0x2A00  }
0x5a: {  	[sflag:s8] =	ssyncset.done $0x0  }
0x5b: {  	[sflag:s8] =	ssyncadd.s32 $0xFFFFD600  }
0x5c: {  	_ =	swait.ge [sflag:s5], $0x2A00  }
0x5d: {  	[sflag:s5] =	ssyncset.done $0x0  }
0x5e: {  	[sflag:s5] =	ssyncadd.s32 $0xFFFFD600  }
0x5f: {  	[tilespmem:s10], [sflag:$0x1] =	stream.indirect.gather [hbm4b:s2+s9], $0x60, s23, s9, $0xb8;
	[tilespmem:$0x5A20] =	vst v63  }
0x60: {  	_ = 	snop  }
0x61: {  	[hbm4b:s17+s3] =	stream.linear.scatter [tilespmem:s7], [sflag:$0x2], $0x2A00, $0x38;
	[tilespmem:$0x5A20] =	vst v63  }
0x62: {  	_ =	swait.ge [sflag:s8], $0x2A00  }
0x63: {  	[sflag:s8] =	ssyncset.done $0x0  }
0x64: {  	[sflag:s8] =	ssyncadd.s32 $0xFFFFD600  }
0x65: {  	_ =	swait.ge [sflag:s5], $0x2A00  }
0x66: {  	[sflag:s5] =	ssyncset.done $0x0  }
0x67: {  	[sflag:s5] =	ssyncadd.s32 $0xFFFFD600  }
0x68: {  	[tilespmem:s7], [sflag:$0x1] =	stream.indirect.gather [hbm4b:s2+s9], $0x60, s22, s9, $0xb8;
	[tilespmem:$0x5A20] =	vst v63  }
0x69: {  	_ = 	snop  }
0x6a: {  	[hbm4b:s15+s3] =	stream.linear.scatter [tilespmem:s10], [sflag:$0x2], $0x2A00, $0x38;
	[tilespmem:$0x5A20] =	vst v63  }
0x6b: {  	_ =	swait.ge [sflag:s8], $0x2A00  }
0x6c: {  	[sflag:s8] =	ssyncset.done $0x0  }
0x6d: {  	[sflag:s8] =	ssyncadd.s32 $0xFFFFD600  }
0x6e: {  	_ =	swait.ge [sflag:s5], $0x2A00  }
0x6f: {  	[sflag:s5] =	ssyncset.done $0x0  }
0x70: {  	[sflag:s5] =	ssyncadd.s32 $0xFFFFD600  }
0x71: {  	[tilespmem:s10], [sflag:$0x1] =	stream.indirect.gather [hbm4b:s2+s9], $0x60, s20, s9, $0xb8;
	[tilespmem:$0x5A20] =	vst v63  }
0x72: {  	_ = 	snop  }
0x73: {  	[hbm4b:s13+s3] =	stream.linear.scatter [tilespmem:s7], [sflag:$0x2], $0x2A00, $0x38;
	[tilespmem:$0x5A20] =	vst v63  }
0x74: {  	_ =	swait.ge [sflag:s8], $0x2A00  }
0x75: {  	[sflag:s8] =	ssyncset.done $0x0  }
0x76: {  	[sflag:s8] =	ssyncadd.s32 $0xFFFFD600  }
0x77: {  	_ =	swait.ge [sflag:s5], $0x2A00  }
0x78: {  	[sflag:s5] =	ssyncset.done $0x0  }
0x79: {  	[sflag:s5] =	ssyncadd.s32 $0xFFFFD600  }
0x7a: {  	[tilespmem:s7], [sflag:$0x1] =	stream.indirect.gather [hbm4b:s2+s9], $0x60, s18, s9, $0xb8;
	[tilespmem:$0x5A20] =	vst v63  }
0x7b: {  	_ = 	snop  }
0x7c: {  	[hbm4b:s12+s3] =	stream.linear.scatter [tilespmem:s10], [sflag:$0x2], $0x2A00, $0x38;
	[tilespmem:$0x5A20] =	vst v63  }
0x7d: {  	_ =	swait.ge [sflag:s8], $0x2A00  }
0x7e: {  	[sflag:s8] =	ssyncset.done $0x0  }
0x7f: {  	[sflag:s8] =	ssyncadd.s32 $0xFFFFD600  }
0x80: {  	_ =	swait.ge [sflag:s5], $0x2A00  }
0x81: {  	[sflag:s5] =	ssyncset.done $0x0  }
0x82: {  	[sflag:s5] =	ssyncadd.s32 $0xFFFFD600  }
0x83: {  	[tilespmem:s10], [sflag:$0x1] =	stream.indirect.gather [hbm4b:s2+s9], $0x60, s16, s9, $0xb8;
	[tilespmem:$0x5A20] =	vst v63  }
0x84: {  	_ = 	snop  }
0x85: {  	[hbm4b:s11+s3] =	stream.linear.scatter [tilespmem:s7], [sflag:$0x2], $0x2A00, $0x38;
	[tilespmem:$0x5A20] =	vst v63  }
0x86: {  	_ =	swait.ge [sflag:s8], $0x2A00  }
0x87: {  	[sflag:s8] =	ssyncset.done $0x0  }
0x88: {  	[sflag:s8] =	ssyncadd.s32 $0xFFFFD600  }
0x89: {  	_ =	swait.ge [sflag:s5], $0x2A00  }
0x8a: {  	[sflag:s5] =	ssyncset.done $0x0  }
0x8b: {  	[sflag:s5] =	ssyncadd.s32 $0xFFFFD600  }
0x8c: {  	[tilespmem:s7], [sflag:$0x1] =	stream.indirect.gather [hbm4b:s2+s9], $0x60, s14, s9, $0xb8;
	[tilespmem:$0x5A20] =	vst v63  }
0x8d: {  	_ = 	snop  }
0x8e: {  	[hbm4b:s6+s3] =	stream.linear.scatter [tilespmem:s10], [sflag:$0x2], $0x2A00, $0x38;
	[tilespmem:$0x5A20] =	vst v63  }
0x8f: {  	_ =	swait.ge [sflag:s8], $0x2A00  }
0x90: {  	[sflag:s8] =	ssyncset.done $0x0  }
0x91: {  	[sflag:s8] =	ssyncadd.s32 $0xFFFFD600  }
0x92: {  	p1 =	sne.s32 s1, $0x1;
	_ =	swait.ge [sflag:s5], $0x2A00  }
.Ltmp1:
0x93: {  	[sflag:s5] =	ssyncset.done $0x0;
	(pc) =	sbr.rel @!p1 .LBB2_3-.Ltmp1, $4  }
0x94: {  	[sflag:s5] =	ssyncadd.s32 $0xFFFFD600  }
0x95: {  	[hbm4b:s4+s3] =	stream.linear.scatter [tilespmem:s7], [sflag:$0x2], $0x2A00, $0x38;
	[tilespmem:$0x5A20] =	vst v63  }
0x96: {  	s1 =	sadd.s32 $0xFFFFFFFF, s1;
	_ =	swait.ge [sflag:s5], $0x2A00  }
0x97: {  	p0 =	por $0x1, $0x1;
	s0 =	rddreg [dreg:$0x4];
	[sflag:s5] =	ssyncset.done $0x0  }
.LBB2_2:
0x98: {  	[sflag:s5] =	ssyncadd.s32 $0xFFFFD600  }
0x99: {  	[tilespmem:s3], [sflag:$0x3] =	stream.linear.gather [hbm4b:s0+s3], $0x620, $0x38;
	[tilespmem:$0x5A20] =	vst v63  }
0x9a: {  	_ =	swait.ge [sflag:s31], $0x620  }
0x9b: {  	[sflag:s31] =	ssyncset.done $0x0  }
0x9c: {  	[sflag:s31] =	ssyncadd.s32 $0xFFFFF9E0  }
0x9d: {  	[tilespmem:s10], [sflag:$0x1] =	stream.indirect.gather [hbm4b:s2+s9], $0x60, s3, s9, $0xb8;
	[tilespmem:$0x5A20] =	vst v63  }
0x9e: {  	_ =	swait.ge [sflag:s8], $0x2A00  }
0x9f: {  	[sflag:s8] =	ssyncset.done $0x0  }
0xa0: {  	[sflag:s8] =	ssyncadd.s32 $0xFFFFD600  }
0xa1: {  	[tilespmem:s7], [sflag:$0x1] =	stream.indirect.gather [hbm4b:s2+s9], $0x60, s9, s9, $0xb8;
	[tilespmem:$0x5A20] =	vst v63  }
0xa2: {  	s0 =	rddreg [dreg:$0x5]  }
0xa3: {  	[hbm4b:s0+s3] =	stream.linear.scatter [tilespmem:s10], [sflag:$0x2], $0x2A00, $0x38;
	[tilespmem:$0x5A20] =	vst v63  }
0xa4: {  	_ =	swait.ge [sflag:s8], $0x2A00  }
0xa5: {  	[sflag:s8] =	ssyncset.done $0x0  }
0xa6: {  	[sflag:s8] =	ssyncadd.s32 $0xFFFFD600  }
0xa7: {  	_ =	swait.ge [sflag:s5], $0x2A00  }
0xa8: {  	[sflag:s5] =	ssyncset.done $0x0  }
0xa9: {  	[sflag:s5] =	ssyncadd.s32 $0xFFFFD600  }
0xaa: {  	[tilespmem:s10], [sflag:$0x1] =	stream.indirect.gather [hbm4b:s2+s9], $0x60, s30, s9, $0xb8;
	[tilespmem:$0x5A20] =	vst v63  }
0xab: {  	s0 =	rddreg [dreg:$0x6]  }
0xac: {  	[hbm4b:s0+s3] =	stream.linear.scatter [tilespmem:s7], [sflag:$0x2], $0x2A00, $0x38;
	[tilespmem:$0x5A20] =	vst v63  }
0xad: {  	_ =	swait.ge [sflag:s8], $0x2A00  }
0xae: {  	[sflag:s8] =	ssyncset.done $0x0  }
0xaf: {  	[sflag:s8] =	ssyncadd.s32 $0xFFFFD600  }
0xb0: {  	_ =	swait.ge [sflag:s5], $0x2A00  }
0xb1: {  	[sflag:s5] =	ssyncset.done $0x0  }
0xb2: {  	[sflag:s5] =	ssyncadd.s32 $0xFFFFD600  }
0xb3: {  	[tilespmem:s7], [sflag:$0x1] =	stream.indirect.gather [hbm4b:s2+s9], $0x60, s29, s9, $0xb8;
	[tilespmem:$0x5A20] =	vst v63  }
0xb4: {  	s0 =	rddreg [dreg:$0x7]  }
0xb5: {  	[hbm4b:s0+s3] =	stream.linear.scatter [tilespmem:s10], [sflag:$0x2], $0x2A00, $0x38;
	[tilespmem:$0x5A20] =	vst v63  }
0xb6: {  	_ =	swait.ge [sflag:s8], $0x2A00  }
0xb7: {  	[sflag:s8] =	ssyncset.done $0x0  }
0xb8: {  	[sflag:s8] =	ssyncadd.s32 $0xFFFFD600  }
0xb9: {  	_ =	swait.ge [sflag:s5], $0x2A00  }
0xba: {  	[sflag:s5] =	ssyncset.done $0x0  }
0xbb: {  	[sflag:s5] =	ssyncadd.s32 $0xFFFFD600  }
0xbc: {  	[tilespmem:s10], [sflag:$0x1] =	stream.indirect.gather [hbm4b:s2+s9], $0x60, s28, s9, $0xb8;
	[tilespmem:$0x5A20] =	vst v63  }
0xbd: {  	s0 =	rddreg [dreg:$0x8]  }
0xbe: {  	[hbm4b:s0+s3] =	stream.linear.scatter [tilespmem:s7], [sflag:$0x2], $0x2A00, $0x38;
	[tilespmem:$0x5A20] =	vst v63  }
0xbf: {  	_ =	swait.ge [sflag:s8], $0x2A00  }
0xc0: {  	[sflag:s8] =	ssyncset.done $0x0  }
0xc1: {  	[sflag:s8] =	ssyncadd.s32 $0xFFFFD600  }
0xc2: {  	_ =	swait.ge [sflag:s5], $0x2A00  }
0xc3: {  	[sflag:s5] =	ssyncset.done $0x0  }
0xc4: {  	[sflag:s5] =	ssyncadd.s32 $0xFFFFD600  }
0xc5: {  	[tilespmem:s7], [sflag:$0x1] =	stream.indirect.gather [hbm4b:s2+s9], $0x60, s26, s9, $0xb8;
	[tilespmem:$0x5A20] =	vst v63  }
0xc6: {  	s0 =	rddreg [dreg:$0x9]  }
0xc7: {  	[hbm4b:s0+s3] =	stream.linear.scatter [tilespmem:s10], [sflag:$0x2], $0x2A00, $0x38;
	[tilespmem:$0x5A20] =	vst v63  }
0xc8: {  	_ =	swait.ge [sflag:s8], $0x2A00  }
0xc9: {  	[sflag:s8] =	ssyncset.done $0x0  }
0xca: {  	[sflag:s8] =	ssyncadd.s32 $0xFFFFD600  }
0xcb: {  	_ =	swait.ge [sflag:s5], $0x2A00  }
0xcc: {  	[sflag:s5] =	ssyncset.done $0x0  }
0xcd: {  	[sflag:s5] =	ssyncadd.s32 $0xFFFFD600  }
0xce: {  	[tilespmem:s10], [sflag:$0x1] =	stream.indirect.gather [hbm4b:s2+s9], $0x60, s25, s9, $0xb8;
	[tilespmem:$0x5A20] =	vst v63  }
0xcf: {  	_ = 	snop  }
0xd0: {  	[hbm4b:s21+s3] =	stream.linear.scatter [tilespmem:s7], [sflag:$0x2], $0x2A00, $0x38;
	[tilespmem:$0x5A20] =	vst v63  }
0xd1: {  	_ =	swait.ge [sflag:s8], $0x2A00  }
0xd2: {  	[sflag:s8] =	ssyncset.done $0x0  }
0xd3: {  	[sflag:s8] =	ssyncadd.s32 $0xFFFFD600  }
0xd4: {  	_ =	swait.ge [sflag:s5], $0x2A00  }
0xd5: {  	[sflag:s5] =	ssyncset.done $0x0  }
0xd6: {  	[sflag:s5] =	ssyncadd.s32 $0xFFFFD600  }
0xd7: {  	[tilespmem:s7], [sflag:$0x1] =	stream.indirect.gather [hbm4b:s2+s9], $0x60, s24, s9, $0xb8;
	[tilespmem:$0x5A20] =	vst v63  }
0xd8: {  	_ = 	snop  }
0xd9: {  	[hbm4b:s19+s3] =	stream.linear.scatter [tilespmem:s10], [sflag:$0x2], $0x2A00, $0x38;
	[tilespmem:$0x5A20] =	vst v63  }
0xda: {  	_ =	swait.ge [sflag:s8], $0x2A00  }
0xdb: {  	[sflag:s8] =	ssyncset.done $0x0  }
0xdc: {  	[sflag:s8] =	ssyncadd.s32 $0xFFFFD600  }
0xdd: {  	_ =	swait.ge [sflag:s5], $0x2A00  }
0xde: {  	[sflag:s5] =	ssyncset.done $0x0  }
0xdf: {  	[sflag:s5] =	ssyncadd.s32 $0xFFFFD600  }
0xe0: {  	[tilespmem:s10], [sflag:$0x1] =	stream.indirect.gather [hbm4b:s2+s9], $0x60, s23, s9, $0xb8;
	[tilespmem:$0x5A20] =	vst v63  }
0xe1: {  	_ = 	snop  }
0xe2: {  	[hbm4b:s17+s3] =	stream.linear.scatter [tilespmem:s7], [sflag:$0x2], $0x2A00, $0x38;
	[tilespmem:$0x5A20] =	vst v63  }
0xe3: {  	_ =	swait.ge [sflag:s8], $0x2A00  }
0xe4: {  	[sflag:s8] =	ssyncset.done $0x0  }
0xe5: {  	[sflag:s8] =	ssyncadd.s32 $0xFFFFD600  }
0xe6: {  	_ =	swait.ge [sflag:s5], $0x2A00  }
0xe7: {  	[sflag:s5] =	ssyncset.done $0x0  }
0xe8: {  	[sflag:s5] =	ssyncadd.s32 $0xFFFFD600  }
0xe9: {  	[tilespmem:s7], [sflag:$0x1] =	stream.indirect.gather [hbm4b:s2+s9], $0x60, s22, s9, $0xb8;
	[tilespmem:$0x5A20] =	vst v63  }
0xea: {  	_ = 	snop  }
0xeb: {  	[hbm4b:s15+s3] =	stream.linear.scatter [tilespmem:s10], [sflag:$0x2], $0x2A00, $0x38;
	[tilespmem:$0x5A20] =	vst v63  }
0xec: {  	_ =	swait.ge [sflag:s8], $0x2A00  }
0xed: {  	[sflag:s8] =	ssyncset.done $0x0  }
0xee: {  	[sflag:s8] =	ssyncadd.s32 $0xFFFFD600  }
0xef: {  	_ =	swait.ge [sflag:s5], $0x2A00  }
0xf0: {  	[sflag:s5] =	ssyncset.done $0x0  }
0xf1: {  	[sflag:s5] =	ssyncadd.s32 $0xFFFFD600  }
0xf2: {  	[tilespmem:s10], [sflag:$0x1] =	stream.indirect.gather [hbm4b:s2+s9], $0x60, s20, s9, $0xb8;
	[tilespmem:$0x5A20] =	vst v63  }
0xf3: {  	_ = 	snop  }
0xf4: {  	[hbm4b:s13+s3] =	stream.linear.scatter [tilespmem:s7], [sflag:$0x2], $0x2A00, $0x38;
	[tilespmem:$0x5A20] =	vst v63  }
0xf5: {  	_ =	swait.ge [sflag:s8], $0x2A00  }
0xf6: {  	[sflag:s8] =	ssyncset.done $0x0  }
0xf7: {  	[sflag:s8] =	ssyncadd.s32 $0xFFFFD600  }
0xf8: {  	_ =	swait.ge [sflag:s5], $0x2A00  }
0xf9: {  	[sflag:s5] =	ssyncset.done $0x0  }
0xfa: {  	[sflag:s5] =	ssyncadd.s32 $0xFFFFD600  }
0xfb: {  	[tilespmem:s7], [sflag:$0x1] =	stream.indirect.gather [hbm4b:s2+s9], $0x60, s18, s9, $0xb8;
	[tilespmem:$0x5A20] =	vst v63  }
0xfc: {  	_ = 	snop  }
0xfd: {  	[hbm4b:s12+s3] =	stream.linear.scatter [tilespmem:s10], [sflag:$0x2], $0x2A00, $0x38;
	[tilespmem:$0x5A20] =	vst v63  }
0xfe: {  	_ =	swait.ge [sflag:s8], $0x2A00  }
0xff: {  	[sflag:s8] =	ssyncset.done $0x0  }
0x100: {  	[sflag:s8] =	ssyncadd.s32 $0xFFFFD600  }
0x101: {  	_ =	swait.ge [sflag:s5], $0x2A00  }
0x102: {  	[sflag:s5] =	ssyncset.done $0x0  }
0x103: {  	[sflag:s5] =	ssyncadd.s32 $0xFFFFD600  }
0x104: {  	[tilespmem:s10], [sflag:$0x1] =	stream.indirect.gather [hbm4b:s2+s9], $0x60, s16, s9, $0xb8;
	[tilespmem:$0x5A20] =	vst v63  }
0x105: {  	_ = 	snop  }
0x106: {  	[hbm4b:s11+s3] =	stream.linear.scatter [tilespmem:s7], [sflag:$0x2], $0x2A00, $0x38;
	[tilespmem:$0x5A20] =	vst v63  }
0x107: {  	_ =	swait.ge [sflag:s8], $0x2A00  }
0x108: {  	[sflag:s8] =	ssyncset.done $0x0  }
0x109: {  	[sflag:s8] =	ssyncadd.s32 $0xFFFFD600  }
0x10a: {  	_ =	swait.ge [sflag:s5], $0x2A00  }
0x10b: {  	[sflag:s5] =	ssyncset.done $0x0  }
0x10c: {  	[sflag:s5] =	ssyncadd.s32 $0xFFFFD600  }
0x10d: {  	[tilespmem:s7], [sflag:$0x1] =	stream.indirect.gather [hbm4b:s2+s9], $0x60, s14, s9, $0xb8;
	[tilespmem:$0x5A20] =	vst v63  }
0x10e: {  	_ = 	snop  }
0x10f: {  	[hbm4b:s6+s3] =	stream.linear.scatter [tilespmem:s10], [sflag:$0x2], $0x2A00, $0x38;
	[tilespmem:$0x5A20] =	vst v63  }
0x110: {  	_ =	swait.ge [sflag:s8], $0x2A00  }
0x111: {  	[sflag:s8] =	ssyncset.done $0x0  }
0x112: {  	[sflag:s8] =	ssyncadd.s32 $0xFFFFD600  }
0x113: {  	p1 =	sne.s32 s1, $0x1;
	_ =	swait.ge [sflag:s5], $0x2A00  }
.Ltmp2:
0x114: {  	[sflag:s5] =	ssyncset.done $0x0;
	(pc) =	sbr.rel @p1 .LBB2_2-.Ltmp2, $4  }
0x115: {  	[sflag:s5] =	ssyncadd.s32 $0xFFFFD600  }
0x116: {  	[hbm4b:s4+s3] =	stream.linear.scatter [tilespmem:s7], [sflag:$0x2], $0x2A00, $0x38;
	[tilespmem:$0x5A20] =	vst v63  }
0x117: {  	_ =	swait.ge [sflag:s5], $0x2A00  }
0x118: {  	s1 =	sadd.s32 $0xFFFFFFFF, s1;
	s0 =	rddreg [dreg:$0x4];
	[sflag:s5] =	ssyncset.done $0x0  }
.LBB2_3:
0x119: {  	[sflag:s5] =	ssyncadd.s32 @p0 $0xFFFFD600  }
0x11a: {  	[tilespmem:s3], [sflag:$0x3] =	stream.linear.gather [hbm4b:s0+s3], $0x620, $0x38;
	[tilespmem:$0x5A20] =	vst v63  }
0x11b: {  	_ =	swait.ge [sflag:s31], $0x620  }
0x11c: {  	[sflag:s31] =	ssyncset.done $0x0  }
0x11d: {  	[sflag:s31] =	ssyncadd.s32 $0xFFFFF9E0  }
0x11e: {  	[tilespmem:s10], [sflag:$0x1] =	stream.indirect.gather [hbm4b:s2+s9], $0x60, s3, s9, $0xb8;
	[tilespmem:$0x5A20] =	vst v63  }
0x11f: {  	_ =	swait.ge [sflag:s8], $0x2A00  }
0x120: {  	[sflag:s8] =	ssyncset.done $0x0  }
0x121: {  	[sflag:s8] =	ssyncadd.s32 $0xFFFFD600  }
0x122: {  	[tilespmem:s7], [sflag:$0x1] =	stream.indirect.gather [hbm4b:s2+s9], $0x60, s9, s9, $0xb8;
	[tilespmem:$0x5A20] =	vst v63  }
0x123: {  	s1 =	rddreg [dreg:$0x5]  }
0x124: {  	[hbm4b:s1+s3] =	stream.linear.scatter [tilespmem:s10], [sflag:$0x2], $0x2A00, $0x38;
	[tilespmem:$0x5A20] =	vst v63  }
0x125: {  	_ =	swait.ge [sflag:s8], $0x2A00  }
0x126: {  	[sflag:s8] =	ssyncset.done $0x0  }
0x127: {  	[sflag:s8] =	ssyncadd.s32 $0xFFFFD600  }
0x128: {  	_ =	swait.ge [sflag:s5], $0x2A00  }
0x129: {  	[sflag:s5] =	ssyncset.done $0x0  }
0x12a: {  	[sflag:s5] =	ssyncadd.s32 $0xFFFFD600  }
0x12b: {  	[tilespmem:s10], [sflag:$0x1] =	stream.indirect.gather [hbm4b:s2+s9], $0x60, s30, s9, $0xb8;
	[tilespmem:$0x5A20] =	vst v63  }
0x12c: {  	s31 =	rddreg [dreg:$0x6]  }
0x12d: {  	[hbm4b:s31+s3] =	stream.linear.scatter [tilespmem:s7], [sflag:$0x2], $0x2A00, $0x38;
	[tilespmem:$0x5A20] =	vst v63  }
0x12e: {  	_ =	swait.ge [sflag:s8], $0x2A00  }
0x12f: {  	[sflag:s8] =	ssyncset.done $0x0  }
0x130: {  	[sflag:s8] =	ssyncadd.s32 $0xFFFFD600  }
0x131: {  	_ =	swait.ge [sflag:s5], $0x2A00  }
0x132: {  	[sflag:s5] =	ssyncset.done $0x0  }
0x133: {  	[sflag:s5] =	ssyncadd.s32 $0xFFFFD600  }
0x134: {  	[tilespmem:s7], [sflag:$0x1] =	stream.indirect.gather [hbm4b:s2+s9], $0x60, s29, s9, $0xb8;
	[tilespmem:$0x5A20] =	vst v63  }
0x135: {  	s1 =	rddreg [dreg:$0x7]  }
0x136: {  	[hbm4b:s1+s3] =	stream.linear.scatter [tilespmem:s10], [sflag:$0x2], $0x2A00, $0x38;
	[tilespmem:$0x5A20] =	vst v63  }
0x137: {  	_ =	swait.ge [sflag:s8], $0x2A00  }
0x138: {  	[sflag:s8] =	ssyncset.done $0x0  }
0x139: {  	[sflag:s8] =	ssyncadd.s32 $0xFFFFD600  }
0x13a: {  	_ =	swait.ge [sflag:s5], $0x2A00  }
0x13b: {  	[sflag:s5] =	ssyncset.done $0x0  }
0x13c: {  	[sflag:s5] =	ssyncadd.s32 $0xFFFFD600  }
0x13d: {  	[tilespmem:s10], [sflag:$0x1] =	stream.indirect.gather [hbm4b:s2+s9], $0x60, s28, s9, $0xb8;
	[tilespmem:$0x5A20] =	vst v63  }
0x13e: {  	s29 =	rddreg [dreg:$0x8]  }
0x13f: {  	[hbm4b:s29+s3] =	stream.linear.scatter [tilespmem:s7], [sflag:$0x2], $0x2A00, $0x38;
	[tilespmem:$0x5A20] =	vst v63  }
0x140: {  	_ =	swait.ge [sflag:s8], $0x2A00  }
0x141: {  	[sflag:s8] =	ssyncset.done $0x0  }
0x142: {  	[sflag:s8] =	ssyncadd.s32 $0xFFFFD600  }
0x143: {  	_ =	swait.ge [sflag:s5], $0x2A00  }
0x144: {  	[sflag:s5] =	ssyncset.done $0x0  }
0x145: {  	[sflag:s5] =	ssyncadd.s32 $0xFFFFD600  }
0x146: {  	[tilespmem:s7], [sflag:$0x1] =	stream.indirect.gather [hbm4b:s2+s9], $0x60, s26, s9, $0xb8;
	[tilespmem:$0x5A20] =	vst v63  }
0x147: {  	s30 =	rddreg [dreg:$0x9]  }
0x148: {  	[hbm4b:s30+s3] =	stream.linear.scatter [tilespmem:s10], [sflag:$0x2], $0x2A00, $0x38;
	[tilespmem:$0x5A20] =	vst v63  }
0x149: {  	_ =	swait.ge [sflag:s8], $0x2A00  }
0x14a: {  	[sflag:s8] =	ssyncset.done $0x0  }
0x14b: {  	[sflag:s8] =	ssyncadd.s32 $0xFFFFD600  }
0x14c: {  	_ =	swait.ge [sflag:s5], $0x2A00  }
0x14d: {  	[sflag:s5] =	ssyncset.done $0x0  }
0x14e: {  	[sflag:s5] =	ssyncadd.s32 $0xFFFFD600  }
0x14f: {  	[tilespmem:s10], [sflag:$0x1] =	stream.indirect.gather [hbm4b:s2+s9], $0x60, s25, s9, $0xb8;
	[tilespmem:$0x5A20] =	vst v63  }
0x150: {  	_ = 	snop  }
0x151: {  	[hbm4b:s21+s3] =	stream.linear.scatter [tilespmem:s7], [sflag:$0x2], $0x2A00, $0x38;
	[tilespmem:$0x5A20] =	vst v63  }
0x152: {  	_ =	swait.ge [sflag:s8], $0x2A00  }
0x153: {  	[sflag:s8] =	ssyncset.done $0x0  }
0x154: {  	[sflag:s8] =	ssyncadd.s32 $0xFFFFD600  }
0x155: {  	_ =	swait.ge [sflag:s5], $0x2A00  }
0x156: {  	[sflag:s5] =	ssyncset.done $0x0  }
0x157: {  	[sflag:s5] =	ssyncadd.s32 $0xFFFFD600  }
0x158: {  	[tilespmem:s7], [sflag:$0x1] =	stream.indirect.gather [hbm4b:s2+s9], $0x60, s24, s9, $0xb8;
	[tilespmem:$0x5A20] =	vst v63  }
0x159: {  	_ = 	snop  }
0x15a: {  	[hbm4b:s19+s3] =	stream.linear.scatter [tilespmem:s10], [sflag:$0x2], $0x2A00, $0x38;
	[tilespmem:$0x5A20] =	vst v63  }
0x15b: {  	_ =	swait.ge [sflag:s8], $0x2A00  }
0x15c: {  	[sflag:s8] =	ssyncset.done $0x0  }
0x15d: {  	[sflag:s8] =	ssyncadd.s32 $0xFFFFD600  }
0x15e: {  	_ =	swait.ge [sflag:s5], $0x2A00  }
0x15f: {  	[sflag:s5] =	ssyncset.done $0x0  }
0x160: {  	[sflag:s5] =	ssyncadd.s32 $0xFFFFD600  }
0x161: {  	[tilespmem:s10], [sflag:$0x1] =	stream.indirect.gather [hbm4b:s2+s9], $0x60, s23, s9, $0xb8;
	[tilespmem:$0x5A20] =	vst v63  }
0x162: {  	_ = 	snop  }
0x163: {  	[hbm4b:s17+s3] =	stream.linear.scatter [tilespmem:s7], [sflag:$0x2], $0x2A00, $0x38;
	[tilespmem:$0x5A20] =	vst v63  }
0x164: {  	_ =	swait.ge [sflag:s8], $0x2A00  }
0x165: {  	[sflag:s8] =	ssyncset.done $0x0  }
0x166: {  	[sflag:s8] =	ssyncadd.s32 $0xFFFFD600  }
0x167: {  	_ =	swait.ge [sflag:s5], $0x2A00  }
0x168: {  	[sflag:s5] =	ssyncset.done $0x0  }
0x169: {  	[sflag:s5] =	ssyncadd.s32 $0xFFFFD600  }
0x16a: {  	[tilespmem:s7], [sflag:$0x1] =	stream.indirect.gather [hbm4b:s2+s9], $0x60, s22, s9, $0xb8;
	[tilespmem:$0x5A20] =	vst v63  }
0x16b: {  	_ = 	snop  }
0x16c: {  	[hbm4b:s15+s3] =	stream.linear.scatter [tilespmem:s10], [sflag:$0x2], $0x2A00, $0x38;
	[tilespmem:$0x5A20] =	vst v63  }
0x16d: {  	_ =	swait.ge [sflag:s8], $0x2A00  }
0x16e: {  	[sflag:s8] =	ssyncset.done $0x0  }
0x16f: {  	[sflag:s8] =	ssyncadd.s32 $0xFFFFD600  }
0x170: {  	_ =	swait.ge [sflag:s5], $0x2A00  }
0x171: {  	[sflag:s5] =	ssyncset.done $0x0  }
0x172: {  	[sflag:s5] =	ssyncadd.s32 $0xFFFFD600  }
0x173: {  	[tilespmem:s10], [sflag:$0x1] =	stream.indirect.gather [hbm4b:s2+s9], $0x60, s20, s9, $0xb8;
	[tilespmem:$0x5A20] =	vst v63  }
0x174: {  	_ = 	snop  }
0x175: {  	[hbm4b:s13+s3] =	stream.linear.scatter [tilespmem:s7], [sflag:$0x2], $0x2A00, $0x38;
	[tilespmem:$0x5A20] =	vst v63  }
0x176: {  	_ =	swait.ge [sflag:s8], $0x2A00  }
0x177: {  	[sflag:s8] =	ssyncset.done $0x0  }
0x178: {  	[sflag:s8] =	ssyncadd.s32 $0xFFFFD600  }
0x179: {  	_ =	swait.ge [sflag:s5], $0x2A00  }
0x17a: {  	[sflag:s5] =	ssyncset.done $0x0  }
0x17b: {  	[sflag:s5] =	ssyncadd.s32 $0xFFFFD600  }
0x17c: {  	[tilespmem:s7], [sflag:$0x1] =	stream.indirect.gather [hbm4b:s2+s9], $0x60, s18, s9, $0xb8;
	[tilespmem:$0x5A20] =	vst v63  }
0x17d: {  	_ = 	snop  }
0x17e: {  	[hbm4b:s12+s3] =	stream.linear.scatter [tilespmem:s10], [sflag:$0x2], $0x2A00, $0x38;
	[tilespmem:$0x5A20] =	vst v63  }
0x17f: {  	_ =	swait.ge [sflag:s8], $0x2A00  }
0x180: {  	[sflag:s8] =	ssyncset.done $0x0  }
0x181: {  	[sflag:s8] =	ssyncadd.s32 $0xFFFFD600  }
0x182: {  	_ =	swait.ge [sflag:s5], $0x2A00  }
0x183: {  	[sflag:s5] =	ssyncset.done $0x0  }
0x184: {  	[sflag:s5] =	ssyncadd.s32 $0xFFFFD600  }
0x185: {  	[tilespmem:s10], [sflag:$0x1] =	stream.indirect.gather [hbm4b:s2+s9], $0x60, s16, s9, $0xb8;
	[tilespmem:$0x5A20] =	vst v63  }
0x186: {  	_ = 	snop  }
0x187: {  	[hbm4b:s11+s3] =	stream.linear.scatter [tilespmem:s7], [sflag:$0x2], $0x2A00, $0x38;
	[tilespmem:$0x5A20] =	vst v63  }
0x188: {  	_ =	swait.ge [sflag:s8], $0x2A00  }
0x189: {  	[sflag:s8] =	ssyncset.done $0x0  }
0x18a: {  	[sflag:s8] =	ssyncadd.s32 $0xFFFFD600  }
0x18b: {  	_ =	swait.ge [sflag:s5], $0x2A00  }
0x18c: {  	[sflag:s5] =	ssyncset.done $0x0  }
0x18d: {  	[sflag:s5] =	ssyncadd.s32 $0xFFFFD600  }
0x18e: {  	[tilespmem:s7], [sflag:$0x1] =	stream.indirect.gather [hbm4b:s2+s9], $0x60, s14, s9, $0xb8;
	[tilespmem:$0x5A20] =	vst v63  }
0x18f: {  	_ = 	snop  }
0x190: {  	[hbm4b:s6+s3] =	stream.linear.scatter [tilespmem:s10], [sflag:$0x2], $0x2A00, $0x38;
	[tilespmem:$0x5A20] =	vst v63  }
0x191: {  	_ =	swait.ge [sflag:s8], $0x2A00  }
0x192: {  	[sflag:s8] =	ssyncset.done $0x0  }
0x193: {  	[sflag:s8] =	ssyncadd.s32 $0xFFFFD600  }
0x194: {  	_ =	swait.ge [sflag:s5], $0x2A00  }
0x195: {  	[sflag:s5] =	ssyncset.done $0x0  }
0x196: {  	[sflag:s5] =	ssyncadd.s32 $0xFFFFD600  }
0x197: {  	[hbm4b:s4+s3] =	stream.linear.scatter [tilespmem:s7], [sflag:$0x2], $0x2A00, $0x38;
	[tilespmem:$0x5A20] =	vst v63  }
0x198: {  	_ =	swait.ge [sflag:s5], $0x2A00  }
0x199: {  	[sflag:s5] =	ssyncset.done $0x0  }
0x19a: {  	[sflag:s5] =	ssyncadd.s32 $0xFFFFD600  }
0x19b: {  	_ =	sfence.sel $0x180000  }
0x19c: {  	[bflag:$0x0] =	sbarrier.arrive $0xFFFF  }
0x19d: {  	_ =	strace $0x90000047  }
0x19e: {  	s31 =	stileid.u32;
	[bflag:$0x2] =	sbarrier.arrive $0xFFFF  }
0x19f: {  	p0 =	sne.s32 s31, $0x0;
	s0 =	rddreg [dreg:$0x3]  }
0x1a0: {  	s0 =	sadd.s32 @!p0 $0x100000, s0  }
0x1a1: {  	[sflag:s0] =	ssyncadd.tile.s32 @!p0 $0x1;
	_ =	shalt  }
.Lfunc_end2:
_tile_overlayer_lowered:
.L_overlay_start_2:
0x1a2: {  	(tag) =	ssettag $0x2  }
0x1a3: {  	s0 =	rddreg [dreg:$0x0];
	s2 =	stileid.u32  }
0x1a4: {  	s1 =	rddreg [dreg:$0x1];
	p0 =	sne.s32 s2, $0x0  }
0x1a5: {  	s3 =	rddreg [dreg:$0x2];
	[bflag:$0x3] =	sbarrier.arrive $0xFFFF;
	s2 =	simm.s32 @!p0 $0x1C03  }
0x1a6: {  	[timem:s3], [sflag:s2] =	dma.local @!p0 [hbm:s0], s1  }
0x1a7: {  	s0 =	simm.s32 @!p0 $0x3  }
0x1a8: {  	_ =	swait.ge @!p0 [sflag:s0], s1  }
0x1a9: {  	s1 =	ssub.s32 @!p0 $0x0, s1;
	[sflag:s0] =	ssyncset.done @!p0 $0x0  }
0x1aa: {  	[sflag:s0] =	ssyncadd.s32 @!p0 s1  }
0x1ab: {  	[bflag:$0x3] =	sbarrier.arrive $0xFFFF  }
0x1ac: {  	_ =	shalt  }

// kernel: kernel.8.cloned.1.call-start
scs
__scs_entry_jumppad:
0x0: {  	(pc) =	sbr.rel $0x88, $3  }
0x1: {  	(tag) =	ssettag $0x0;
	lr =	simm.s32 $0x1  }
0x2: {  	[smem:$0x3F99] =	sst lr;
	_ =	strace $0xD0000000  }
0x3: {  	_ = 	snop  }
0x4: {  	_ = 	snop  }
0x5: {  	_ = 	snop  }
0x6: {  	_ = 	snop  }
0x7: {  	_ = 	snop  }
__scs_overlays_trampoline_lowered:
0x8: {  	[smem:$0x3FA8] =	sst s0  }
0x9: {  	[smem:$0x3FA9] =	sst s1  }
0xa: {  	[smem:$0x3FAA] =	sst s2  }
0xb: {  	[smem:$0x3FAB] =	sst s3  }
0xc: {  	[smem:$0x3FAC] =	sst s4  }
0xd: {  	[smem:$0x3FAD] =	sst s5  }
0xe: {  	[smem:$0x3FAE] =	sst s6  }
0xf: {  	[smem:$0x3FAF] =	sst s7  }
0x10: {  	[smem:$0x3FB0] =	sst s8  }
0x11: {  	[smem:$0x3FB1] =	sst s9;
	s0 =	simm.s32 @!p0 $0x0  }
0x12: {  	s1 =	sld [smem:$0x3F97];
	s0 =	simm.s32 @p0 $0x1  }
0x13: {  	[smem:$0x3FB2] =	sst s0;
	s0 =	simm.s32 @!p1 $0x0  }
0x14: {  	s2 =	sld [smem:$0x3F96];
	s0 =	simm.s32 @p1 $0x1  }
0x15: {  	[smem:$0x3FB3] =	sst s0;
	s0 =	simm.s32 @!p2 $0x0  }
0x16: {  	s3 =	sld [smem:$0x3FDB];
	s0 =	simm.s32 @p2 $0x1  }
0x17: {  	s4 =	simm.s32 $0x1BF5;
	[smem:$0x3FB5] =	sst s0  }
0x18: {  	s0 =	sld [smem:$0x3F98];
	_ =	swait.ge [sflag:s4], $0x0  }
0x19: {  	s7 =	sld [smem:$0x3F99]  }
0x1a: {  	s8 =	sadd.s32 $0xFFFFE003, lr  }
0x1b: {  	s9 =	sadd.s32 $0xFFFFFEF7, lr;
	s5 =	simm.s32 $0xFFFFFFFF;
	p2 =	slt.u32 s8, $0xFFFFF086  }
0x1c: {  	p1 =	slt.u32 s9, $0xF7A;
	s5 =	simm.s32 @!p2 $0x0  }
0x1d: {  	s5 =	simm.s32 @p1 $0x1;
	p0 =	seq.s32 s7, s2  }
0x1e: {  	s7 =	smul.u32 @!p0 $0xF7A, s2;
	p2 =	seq.s32 @!p0 s5, $0x0  }
0x1f: {  	s9 =	smul.u32 $0xF7A, s1;
	s8 =	simm.s32 @!p0 $0x1BF5;
	p2 =	por !p2, p0  }
0x20: {  	[sflag:s8] =	ssyncset.s32 @!p0 $0xFFFFF086;
	s6 =	sadd.s32 @!p0 s3, s7;
	s7 =	simm.s32 @!p0 $0x108  }
0x21: {  	s3 =	sadd.s32 s3, s9;
	s6 =	sadd.s32 @!p0 $0x88, s6;
	s7 =	simm.s32 @p2 $0x1082  }
0x22: {  	[simem:s7], [sflag:s8] =	dma.local @!p0 [hbm:s6], $0xF7A  }
0x23: {  	s9 =	sor.u32 $0xD0000000, s2;
	s6 =	simm.s32 $0x108;
	_ =	swait.ge @!p0 [sflag:s8], $0x0  }
0x24: {  	s3 =	sadd.s32 $0x88, s3;
	s6 =	simm.s32 @!p1 $0x1082;
	[sflag:s4] =	ssyncset.s32 $0xFFFFF086  }
0x25: {  	[simem:s6], [sflag:s4] =	dma.local [hbm:s3], $0xF7A  }
0x26: {  	[smem:$0x3F99] =	sst s1;
	(tag) =	ssettag s2;
	_ =	strace s9  }
0x27: {  	s1 =	sld [smem:$0x3FA9]  }
0x28: {  	s2 =	sld [smem:$0x3FAA]  }
0x29: {  	s4 =	sld [smem:$0x3FAC]  }
0x2a: {  	p0 =	seq.s32 s5, $0x0;
	s5 =	sld [smem:$0x3FAD]  }
0x2b: {  	s6 =	sld [smem:$0x3FAE]  }
0x2c: {  	s7 =	sld [smem:$0x3FAF]  }
0x2d: {  	s3 =	simm.s32 $0x108;
	s8 =	sld [smem:$0x3FB0]  }
0x2e: {  	s3 =	simm.s32 @!p0 $0x1082;
	s9 =	sld [smem:$0x3FB1]  }
0x2f: {  	lr =	sadd.s32 s0, s3;
	s0 =	sld [smem:$0x3FA8]  }
0x30: {  	s3 =	sld [smem:$0x3FAB]  }
0x31: {  	[smem:$0x3FB4] =	sst s10  }
0x32: {  	s10 =	sld [smem:$0x3FB2];
	_ =	sdelay $0x3  }
0x33: {  	p0 =	seq.s32 s10, $0x1;
	s10 =	sld [smem:$0x3FB4];
	_ =	sdelay $0x3  }
0x34: {  	[smem:$0x3FB4] =	sst s10  }
0x35: {  	s10 =	sld [smem:$0x3FB3];
	_ =	sdelay $0x3  }
0x36: {  	p1 =	seq.s32 s10, $0x1;
	s10 =	sld [smem:$0x3FB4];
	_ =	sdelay $0x3  }
0x37: {  	[smem:$0x3FB4] =	sst s10  }
0x38: {  	s10 =	sld [smem:$0x3FB5]  }
0x39: {  	_ = 	snop;
	(pc) =	sbr.ind lr, $3  }
0x3a: {  	_ = 	snop  }
0x3b: {  	_ = 	snop  }
0x3c: {  	p2 =	seq.s32 s10, $0x1;
	s10 =	sld [smem:$0x3FB4]  }
0x3d: {  	_ =	shalt  }
0x3e: {  	_ =	shalt  }
0x3f: {  	_ =	shalt  }
0x40: {  	_ =	shalt  }
0x41: {  	_ =	shalt  }
0x42: {  	_ =	shalt  }
0x43: {  	_ =	shalt  }
0x44: {  	_ =	shalt  }
0x45: {  	_ =	shalt  }
0x46: {  	_ =	shalt  }
0x47: {  	_ =	shalt  }
0x48: {  	_ =	shalt  }
0x49: {  	_ =	shalt  }
0x4a: {  	_ =	shalt  }
0x4b: {  	_ =	shalt  }
0x4c: {  	_ =	shalt  }
0x4d: {  	_ =	shalt  }
0x4e: {  	_ =	shalt  }
0x4f: {  	_ =	shalt  }
0x50: {  	_ =	shalt  }
0x51: {  	_ =	shalt  }
0x52: {  	_ =	shalt  }
0x53: {  	_ =	shalt  }
0x54: {  	_ =	shalt  }
0x55: {  	_ =	shalt  }
0x56: {  	_ =	shalt  }
0x57: {  	_ =	shalt  }
0x58: {  	_ =	shalt  }
0x59: {  	_ =	shalt  }
0x5a: {  	_ =	shalt  }
0x5b: {  	_ =	shalt  }
0x5c: {  	_ =	shalt  }
0x5d: {  	_ =	shalt  }
0x5e: {  	_ =	shalt  }
0x5f: {  	_ =	shalt  }
0x60: {  	_ =	shalt  }
0x61: {  	_ =	shalt  }
0x62: {  	_ =	shalt  }
0x63: {  	_ =	shalt  }
0x64: {  	_ =	shalt  }
0x65: {  	_ =	shalt  }
0x66: {  	_ =	shalt  }
0x67: {  	_ =	shalt  }
0x68: {  	_ =	shalt  }
0x69: {  	_ =	shalt  }
0x6a: {  	_ =	shalt  }
0x6b: {  	_ =	shalt  }
0x6c: {  	_ =	shalt  }
0x6d: {  	_ =	shalt  }
0x6e: {  	_ =	shalt  }
0x6f: {  	_ =	shalt  }
0x70: {  	_ =	shalt  }
0x71: {  	_ =	shalt  }
0x72: {  	_ =	shalt  }
0x73: {  	_ =	shalt  }
0x74: {  	_ =	shalt  }
0x75: {  	_ =	shalt  }
0x76: {  	_ =	shalt  }
0x77: {  	_ =	shalt  }
0x78: {  	_ =	shalt  }
0x79: {  	_ =	shalt  }
0x7a: {  	_ =	shalt  }
0x7b: {  	_ =	shalt  }
0x7c: {  	_ =	shalt  }
0x7d: {  	_ =	shalt  }
0x7e: {  	_ =	shalt  }
0x7f: {  	_ =	shalt  }
0x80: {  	_ =	shalt  }
0x81: {  	_ =	shalt  }
0x82: {  	_ =	shalt  }
0x83: {  	_ =	shalt  }
0x84: {  	_ =	shalt  }
0x85: {  	_ =	shalt  }
0x86: {  	_ =	shalt  }
0x87: {  	_ =	shalt  }
.Lfunc_end0:
.L_simem_size_0:
called_computation.1_lowered:
.L_overlay_start_0:
0x88: {  	s2 =	sld [smem:$0x3FD9]  }
0x89: {  	s3 =	sld [smem:$0x3FFE];
	_ =	sdelay $0x1  }
0x8a: {  	s1 =	srdreg.scid  }
0x8b: {  	s0 =	sand.u32 $0x1, s1  }
0x8c: {  	s17 =	sshll.u32 s0, $0xA;
	s2 =	sadd.s32 s3, s2  }
0x8d: {  	s2 =	sadd.s32 s2, s17  }
0x8e: {  	[smem:$0x3FC0] =	sst s2  }
0x8f: {  	_ = 	snop  }
0x90: {  	s2 =	sld [smem:$0x3FC8]  }
0x91: {  	s18 =	sld [smem:$0x3FD0];
	(tm) =	ssettm $0x1  }
0x92: {  	s4 =	sld [smem:$0x3FFB];
	_ =	sdelay $0x3  }
0x93: {  	_ =	strace s4  }
0x94: {  	s4 =	sld [smem:$0x3FFC];
	_ =	sdelay $0x3  }
0x95: {  	_ =	strace s4  }
0x96: {  	s4 =	sld [smem:$0x3FFD];
	_ =	sdelay $0x3  }
0x97: {  	_ =	strace s4  }
0x98: {  	_ =	strace $0x8FFFFFFF  }
0x99: {  	s19 =	sld [smem:$0x3FDB];
	_ =	sdelay $0x1  }
0x9a: {  	s5 =	simm.s32 $_scs_section_size  }
0x9b: {  	s6 =	simm.s32 $_size__tile_overlayer_lowered;
	s7 =	simm.s32 $_tile_overlayer_lowered  }
0x9c: {  	s22 =	simm.s32 $0x1BFF;
	s21 =	sshll.u32 s7, $0x1;
	s4 =	sadd.s32 s5, s19  }
0x9d: {  	s8 =	simm.s32 $0x0;
	s20 =	sshll.u32 s6, $0x1;
	s6 =	sadd.s32 s21, s4  }
0x9e: {  	[timem:s8], [sflag:s22] =	dma.local [hbm:s6], s20  }
0x9f: {  	_ =	swait.ge [sflag:s22], s20  }
0xa0: {  	s5 =	ssub.s32 $0x0, s20;
	[sflag:s22] =	ssyncset.done $0x0  }
0xa1: {  	[sflag:s22] =	ssyncadd.s32 s5;
	_ =	sdelay $0x1  }
0xa2: {  	s23 =	simm.s32 $0x1B8B  }
0xa3: {  	_ =	swait.ge [sflag:s23], $0x1  }
0xa4: {  	[sflag:s23] =	ssyncset.done $0x0  }
0xa5: {  	s25 =	simm.s32 $0x1B8E;
	s24 =	sld [smem:$0x3FFE];
	[sflag:s23] =	ssyncadd.s32 $0xFFFFFFFF  }
0xa6: {  	s26 =	simm.s32 $execute0_lowered;
	[smem:$0x3FD2] =	sst s25  }
0xa7: {  	s6 =	sshll.u32 s26, $0x1;
	_ =	strace $0x80000049;
	[dreg:$0x1] =	wrdreg $0xFFFFFFFF  }
0xa8: {  	s28 =	simm.s32 $_size_execute0_lowered;
	s4 =	sadd.s32 s4, s6;
	[dreg:$0x0] =	wrdreg $0x0  }
0xa9: {  	s6 =	sshll.u32 s28, $0x1;
	[dreg:$0x2] =	wrdreg s4  }
0xaa: {  	[dreg:$0x3] =	wrdreg s6  }
0xab: {  	[dreg:$0x4] =	wrdreg $0xC0  }
0xac: {  	_ =	task [dreg:s8], $0x5FFFF  }
0xad: {  	[dreg:$0x1] =	wrdreg $0xFFFFFFFF  }
0xae: {  	[dreg:$0x0] =	wrdreg $0x60  }
0xaf: {  	[dreg:$0x2] =	wrdreg s18  }
0xb0: {  	[dreg:$0x3] =	wrdreg s2  }
0xb1: {  	[dreg:$0x4] =	wrdreg s24  }
0xb2: {  	[dreg:$0x5] =	wrdreg $0x9  }
0xb3: {  	_ =	task.clear_ibuf [dreg:s8], $0x6FFFF;
	_ =	strace $0x90000049  }
0xb4: {  	s29 =	simm.s32 $0x9;
	_ =	strace $0x8000004B  }
0xb5: {  	_ =	swait.ge [sflag:s29], $0x1  }
0xb6: {  	[sflag:s29] =	ssyncadd.s32 $0xFFFFFFFF  }
0xb7: {  	_ =	strace $0x9000004B  }
0xb8: {  	_ =	sfence  }
0xb9: {  	s30 =	sld [smem:$0x0];
	_ =	sdelay $0x2  }
0xba: {  	s31 =	sshll.u32 s1, $0xD;
	s1 =	sshrl.u32 s1, $0x2  }
0xbb: {  	s3 =	sand.u32 $0x4000, s31;
	s1 =	sadd.s32 s1, s30  }
0xbc: {  	s0 =	sor.u32 s3, s0;
	s1 =	sshll.u32 s1, $0x11  }
0xbd: {  	s0 =	sor.u32 s1, s0  }
0xbe: {  	s0 =	sadd.s32 $0x8F2B, s0  }
0xbf: {  	[sflag:s0] =	ssyncadd.remote.s32 $0x1  }
0xc0: {  	_ =	sfence.sel $0xFFFF  }
0xc1: {  	[dreg:$0x0] =	wrdreg $0xFFFFFFFF;
	(pc) =	sbr.abs _section_cstart, $3  }
0xc2: {  	[dreg:$0x1] =	wrdreg $0xFFFFFFFF  }
0xc3: {  	_ =	task.clear_ibuf [dreg:s8], $0x2FFFF;
	_ =	strace $0x9FFFFFFF  }
0xc4: {  	(tm) =	ssettm $0x7FFFFFFF  }
0xc5: {  	_ =	shalt  }
tec
execute0_lowered:
.L_overlay_start_1:
0x0: {  	(tag) =	ssettag $0x1  }
0x1: {  	s1 =	rddreg [dreg:$0x0]  }
0x2: {  	s0 =	srdreg.scid;
	s3 =	rddreg [dreg:$0x1]  }
0x3: {  	s2 =	stileid.u32;
	s5 =	rddreg [dreg:$0x2]  }
0x4: {  	s31 =	simm.s32 $0x3;
	s9 =	simm.s32 $0x620;
	s8 =	simm.s32 $0x1  }
0x5: {  	s30 =	simm.s32 $0xE0;
	s29 =	simm.s32 $0x150;
	s28 =	simm.s32 $0x1C0  }
0x6: {  	p0 =	por $0x0, $0x0;
	s0 =	sand.u32 $0x1, s0;
	s2 =	sshll.u32 s2, $0x1  }
0x7: {  	s19 =	simm.s32 $0x3F0;
	s17 =	simm.s32 $0x460;
	s4 =	sor.u32 s0, s2  }
0x8: {  	s15 =	simm.s32 $0x4D0;
	s13 =	simm.s32 $0x540;
	s6 =	smul.u32 $0xC4, s4  }
0x9: {  	s2 =	simm.s32 $0x0;
	s0 =	ssub.s32 $0x2, s0;
	s7 =	smul.u32 $0x24C00, s4  }
0xa: {  	[smem:$0x7FF] =	sst s2;
	s4 =	smul.u32 $0x4980, s4;
	s24 =	sshrl.u32 s0, $0x1  }
0xb: {  	s12 =	simm.s32 $0x5B0;
	_ =	strace $0x8000004A;
	s0 =	ssub.s32 s0, s24  }
0xc: {  	s3 =	sadd.s32 s3, s6;
	s21 =	sshrl.u32 s7, $0x3;
	s4 =	sadd.s32 s1, s4  }
0xd: {  	s0 =	smax.u32 s0, $0x1;
	s6 =	simm.s32 $0x70;
	[dreg:$0x4] =	wrdreg s3  }
0xe: {  	s1 =	sadd.s32 s1, s21;
	s3 =	sadd.s32 $0x1600, s5;
	[dreg:$0x5] =	wrdreg s4  }
0xf: {  	s5 =	simm.s32 $0x3020;
	s4 =	simm.s32 $0x2;
	p1 =	sne.s32 s0, $0x1  }
0x10: {  	s21 =	simm.s32 $0x380;
	s22 =	sadd.s32 $0x540, s1;
	s23 =	sadd.s32 $0xA80, s1  }
0x11: {  	s25 =	sadd.s32 $0xFC0, s1;
	s26 =	sadd.s32 $0x1500, s1;
	s24 =	sadd.s32 $0x1A40, s1  }
0x12: {  	s20 =	sadd.s32 $0x24C0, s1;
	s18 =	sadd.s32 $0x2A00, s1;
	[dreg:$0x6] =	wrdreg s22  }
.Ltmp0:
0x13: {  	s16 =	sadd.s32 $0x2F40, s1;
	[dreg:$0x7] =	wrdreg s23;
	(pc) =	sbr.rel @!p1 .LBB2_3-.Ltmp0, $4  }
0x14: {  	s14 =	sadd.s32 $0x3480, s1;
	s11 =	sadd.s32 $0x39C0, s1;
	[dreg:$0x8] =	wrdreg s25  }
0x15: {  	s10 =	sadd.s32 $0x3F00, s1;
	s7 =	sadd.s32 $0x4440, s1;
	[dreg:$0x9] =	wrdreg s26  }
0x16: {  	s22 =	sadd.s32 $0x1F80, s1;
	s26 =	simm.s32 $0x230;
	s25 =	simm.s32 $0x2A0  }
0x17: {  	s23 =	simm.s32 $0x310;
	s1 =	sadd.s32 $0xFFFFFFFF, s0;
	s0 =	rddreg [dreg:$0x4]  }
0x18: {  	[tilespmem:s2], [sflag:$0x3] =	stream.linear.gather [hbm4b:s0+s2], $0x620, $0x38;
	[tilespmem:$0x5A20] =	vst v63  }
0x19: {  	_ =	swait.ge [sflag:s31], $0x620  }
0x1a: {  	[sflag:s31] =	ssyncset.done $0x0  }
0x1b: {  	s0 =	rddreg [dreg:$0x5];
	[sflag:s31] =	ssyncadd.s32 $0xFFFFF9E0  }
0x1c: {  	[tilespmem:s9], [sflag:$0x1] =	stream.linear.gather [hbm4b:s0+s2], $0x2A00, $0x38;
	[tilespmem:$0x5A20] =	vst v63  }
0x1d: {  	_ =	swait.ge [sflag:s8], $0x2A00  }
0x1e: {  	[sflag:s8] =	ssyncset.done $0x0  }
0x1f: {  	s0 =	rddreg [dreg:$0x6];
	[sflag:s8] =	ssyncadd.s32 $0xFFFFD600  }
0x20: {  	[tilespmem:s5], [sflag:$0x1] =	stream.linear.gather [hbm4b:s0+s2], $0x2A00, $0x38;
	[tilespmem:$0x5A20] =	vst v63  }
0x21: {  	_ = 	snop  }
0x22: {  	[hbm4b:s3+s6] =	stream.indirect.scatter [tilespmem:s9], [sflag:$0x2], $0x60, s2, s6, $0xb8;
	[tilespmem:$0x5A20] =	vst v63  }
0x23: {  	_ =	swait.ge [sflag:s8], $0x2A00  }
0x24: {  	[sflag:s8] =	ssyncset.done $0x0  }
0x25: {  	[sflag:s8] =	ssyncadd.s32 $0xFFFFD600  }
0x26: {  	_ =	swait.ge [sflag:s4], $0x2A00  }
0x27: {  	[sflag:s4] =	ssyncset.done $0x0  }
0x28: {  	s0 =	rddreg [dreg:$0x7];
	[sflag:s4] =	ssyncadd.s32 $0xFFFFD600  }
0x29: {  	[tilespmem:s9], [sflag:$0x1] =	stream.linear.gather [hbm4b:s0+s2], $0x2A00, $0x38;
	[tilespmem:$0x5A20] =	vst v63  }
0x2a: {  	_ = 	snop  }
0x2b: {  	[hbm4b:s3+s6] =	stream.indirect.scatter [tilespmem:s5], [sflag:$0x2], $0x60, s6, s6, $0xb8;
	[tilespmem:$0x5A20] =	vst v63  }
0x2c: {  	_ =	swait.ge [sflag:s8], $0x2A00  }
0x2d: {  	[sflag:s8] =	ssyncset.done $0x0  }
0x2e: {  	[sflag:s8] =	ssyncadd.s32 $0xFFFFD600  }
0x2f: {  	_ =	swait.ge [sflag:s4], $0x2A00  }
0x30: {  	[sflag:s4] =	ssyncset.done $0x0  }
0x31: {  	s0 =	rddreg [dreg:$0x8];
	[sflag:s4] =	ssyncadd.s32 $0xFFFFD600  }
0x32: {  	[tilespmem:s5], [sflag:$0x1] =	stream.linear.gather [hbm4b:s0+s2], $0x2A00, $0x38;
	[tilespmem:$0x5A20] =	vst v63  }
0x33: {  	_ = 	snop  }
0x34: {  	[hbm4b:s3+s6] =	stream.indirect.scatter [tilespmem:s9], [sflag:$0x2], $0x60, s30, s6, $0xb8;
	[tilespmem:$0x5A20] =	vst v63  }
0x35: {  	_ =	swait.ge [sflag:s8], $0x2A00  }
0x36: {  	[sflag:s8] =	ssyncset.done $0x0  }
0x37: {  	[sflag:s8] =	ssyncadd.s32 $0xFFFFD600  }
0x38: {  	_ =	swait.ge [sflag:s4], $0x2A00  }
0x39: {  	[sflag:s4] =	ssyncset.done $0x0  }
0x3a: {  	s0 =	rddreg [dreg:$0x9];
	[sflag:s4] =	ssyncadd.s32 $0xFFFFD600  }
0x3b: {  	[tilespmem:s9], [sflag:$0x1] =	stream.linear.gather [hbm4b:s0+s2], $0x2A00, $0x38;
	[tilespmem:$0x5A20] =	vst v63  }
0x3c: {  	_ = 	snop  }
0x3d: {  	[hbm4b:s3+s6] =	stream.indirect.scatter [tilespmem:s5], [sflag:$0x2], $0x60, s29, s6, $0xb8;
	[tilespmem:$0x5A20] =	vst v63  }
0x3e: {  	_ =	swait.ge [sflag:s8], $0x2A00  }
0x3f: {  	[sflag:s8] =	ssyncset.done $0x0  }
0x40: {  	[sflag:s8] =	ssyncadd.s32 $0xFFFFD600  }
0x41: {  	_ =	swait.ge [sflag:s4], $0x2A00  }
0x42: {  	[sflag:s4] =	ssyncset.done $0x0  }
0x43: {  	[sflag:s4] =	ssyncadd.s32 $0xFFFFD600  }
0x44: {  	[tilespmem:s5], [sflag:$0x1] =	stream.linear.gather [hbm4b:s24+s2], $0x2A00, $0x38;
	[tilespmem:$0x5A20] =	vst v63  }
0x45: {  	_ = 	snop  }
0x46: {  	[hbm4b:s3+s6] =	stream.indirect.scatter [tilespmem:s9], [sflag:$0x2], $0x60, s28, s6, $0xb8;
	[tilespmem:$0x5A20] =	vst v63  }
0x47: {  	_ =	swait.ge [sflag:s8], $0x2A00  }
0x48: {  	[sflag:s8] =	ssyncset.done $0x0  }
0x49: {  	[sflag:s8] =	ssyncadd.s32 $0xFFFFD600  }
0x4a: {  	_ =	swait.ge [sflag:s4], $0x2A00  }
0x4b: {  	[sflag:s4] =	ssyncset.done $0x0  }
0x4c: {  	[sflag:s4] =	ssyncadd.s32 $0xFFFFD600  }
0x4d: {  	[tilespmem:s9], [sflag:$0x1] =	stream.linear.gather [hbm4b:s22+s2], $0x2A00, $0x38;
	[tilespmem:$0x5A20] =	vst v63  }
0x4e: {  	_ = 	snop  }
0x4f: {  	[hbm4b:s3+s6] =	stream.indirect.scatter [tilespmem:s5], [sflag:$0x2], $0x60, s26, s6, $0xb8;
	[tilespmem:$0x5A20] =	vst v63  }
0x50: {  	_ =	swait.ge [sflag:s8], $0x2A00  }
0x51: {  	[sflag:s8] =	ssyncset.done $0x0  }
0x52: {  	[sflag:s8] =	ssyncadd.s32 $0xFFFFD600  }
0x53: {  	_ =	swait.ge [sflag:s4], $0x2A00  }
0x54: {  	[sflag:s4] =	ssyncset.done $0x0  }
0x55: {  	[sflag:s4] =	ssyncadd.s32 $0xFFFFD600  }
0x56: {  	[tilespmem:s5], [sflag:$0x1] =	stream.linear.gather [hbm4b:s20+s2], $0x2A00, $0x38;
	[tilespmem:$0x5A20] =	vst v63  }
0x57: {  	_ = 	snop  }
0x58: {  	[hbm4b:s3+s6] =	stream.indirect.scatter [tilespmem:s9], [sflag:$0x2], $0x60, s25, s6, $0xb8;
	[tilespmem:$0x5A20] =	vst v63  }
0x59: {  	_ =	swait.ge [sflag:s8], $0x2A00  }
0x5a: {  	[sflag:s8] =	ssyncset.done $0x0  }
0x5b: {  	[sflag:s8] =	ssyncadd.s32 $0xFFFFD600  }
0x5c: {  	_ =	swait.ge [sflag:s4], $0x2A00  }
0x5d: {  	[sflag:s4] =	ssyncset.done $0x0  }
0x5e: {  	[sflag:s4] =	ssyncadd.s32 $0xFFFFD600  }
0x5f: {  	[tilespmem:s9], [sflag:$0x1] =	stream.linear.gather [hbm4b:s18+s2], $0x2A00, $0x38;
	[tilespmem:$0x5A20] =	vst v63  }
0x60: {  	_ = 	snop  }
0x61: {  	[hbm4b:s3+s6] =	stream.indirect.scatter [tilespmem:s5], [sflag:$0x2], $0x60, s23, s6, $0xb8;
	[tilespmem:$0x5A20] =	vst v63  }
0x62: {  	_ =	swait.ge [sflag:s8], $0x2A00  }
0x63: {  	[sflag:s8] =	ssyncset.done $0x0  }
0x64: {  	[sflag:s8] =	ssyncadd.s32 $0xFFFFD600  }
0x65: {  	_ =	swait.ge [sflag:s4], $0x2A00  }
0x66: {  	[sflag:s4] =	ssyncset.done $0x0  }
0x67: {  	[sflag:s4] =	ssyncadd.s32 $0xFFFFD600  }
0x68: {  	[tilespmem:s5], [sflag:$0x1] =	stream.linear.gather [hbm4b:s16+s2], $0x2A00, $0x38;
	[tilespmem:$0x5A20] =	vst v63  }
0x69: {  	_ = 	snop  }
0x6a: {  	[hbm4b:s3+s6] =	stream.indirect.scatter [tilespmem:s9], [sflag:$0x2], $0x60, s21, s6, $0xb8;
	[tilespmem:$0x5A20] =	vst v63  }
0x6b: {  	_ =	swait.ge [sflag:s8], $0x2A00  }
0x6c: {  	[sflag:s8] =	ssyncset.done $0x0  }
0x6d: {  	[sflag:s8] =	ssyncadd.s32 $0xFFFFD600  }
0x6e: {  	_ =	swait.ge [sflag:s4], $0x2A00  }
0x6f: {  	[sflag:s4] =	ssyncset.done $0x0  }
0x70: {  	[sflag:s4] =	ssyncadd.s32 $0xFFFFD600  }
0x71: {  	[tilespmem:s9], [sflag:$0x1] =	stream.linear.gather [hbm4b:s14+s2], $0x2A00, $0x38;
	[tilespmem:$0x5A20] =	vst v63  }
0x72: {  	_ = 	snop  }
0x73: {  	[hbm4b:s3+s6] =	stream.indirect.scatter [tilespmem:s5], [sflag:$0x2], $0x60, s19, s6, $0xb8;
	[tilespmem:$0x5A20] =	vst v63  }
0x74: {  	_ =	swait.ge [sflag:s8], $0x2A00  }
0x75: {  	[sflag:s8] =	ssyncset.done $0x0  }
0x76: {  	[sflag:s8] =	ssyncadd.s32 $0xFFFFD600  }
0x77: {  	_ =	swait.ge [sflag:s4], $0x2A00  }
0x78: {  	[sflag:s4] =	ssyncset.done $0x0  }
0x79: {  	[sflag:s4] =	ssyncadd.s32 $0xFFFFD600  }
0x7a: {  	[tilespmem:s5], [sflag:$0x1] =	stream.linear.gather [hbm4b:s11+s2], $0x2A00, $0x38;
	[tilespmem:$0x5A20] =	vst v63  }
0x7b: {  	_ = 	snop  }
0x7c: {  	[hbm4b:s3+s6] =	stream.indirect.scatter [tilespmem:s9], [sflag:$0x2], $0x60, s17, s6, $0xb8;
	[tilespmem:$0x5A20] =	vst v63  }
0x7d: {  	_ =	swait.ge [sflag:s8], $0x2A00  }
0x7e: {  	[sflag:s8] =	ssyncset.done $0x0  }
0x7f: {  	[sflag:s8] =	ssyncadd.s32 $0xFFFFD600  }
0x80: {  	_ =	swait.ge [sflag:s4], $0x2A00  }
0x81: {  	[sflag:s4] =	ssyncset.done $0x0  }
0x82: {  	[sflag:s4] =	ssyncadd.s32 $0xFFFFD600  }
0x83: {  	[tilespmem:s9], [sflag:$0x1] =	stream.linear.gather [hbm4b:s10+s2], $0x2A00, $0x38;
	[tilespmem:$0x5A20] =	vst v63  }
0x84: {  	_ = 	snop  }
0x85: {  	[hbm4b:s3+s6] =	stream.indirect.scatter [tilespmem:s5], [sflag:$0x2], $0x60, s15, s6, $0xb8;
	[tilespmem:$0x5A20] =	vst v63  }
0x86: {  	_ =	swait.ge [sflag:s8], $0x2A00  }
0x87: {  	[sflag:s8] =	ssyncset.done $0x0  }
0x88: {  	[sflag:s8] =	ssyncadd.s32 $0xFFFFD600  }
0x89: {  	_ =	swait.ge [sflag:s4], $0x2A00  }
0x8a: {  	[sflag:s4] =	ssyncset.done $0x0  }
0x8b: {  	[sflag:s4] =	ssyncadd.s32 $0xFFFFD600  }
0x8c: {  	[tilespmem:s5], [sflag:$0x1] =	stream.linear.gather [hbm4b:s7+s2], $0x2A00, $0x38;
	[tilespmem:$0x5A20] =	vst v63  }
0x8d: {  	_ = 	snop  }
0x8e: {  	[hbm4b:s3+s6] =	stream.indirect.scatter [tilespmem:s9], [sflag:$0x2], $0x60, s13, s6, $0xb8;
	[tilespmem:$0x5A20] =	vst v63  }
0x8f: {  	_ =	swait.ge [sflag:s8], $0x2A00  }
0x90: {  	[sflag:s8] =	ssyncset.done $0x0  }
0x91: {  	[sflag:s8] =	ssyncadd.s32 $0xFFFFD600  }
0x92: {  	p1 =	sne.s32 s1, $0x1;
	_ =	swait.ge [sflag:s4], $0x2A00  }
.Ltmp1:
0x93: {  	[sflag:s4] =	ssyncset.done $0x0;
	(pc) =	sbr.rel @!p1 .LBB2_3-.Ltmp1, $4  }
0x94: {  	[sflag:s4] =	ssyncadd.s32 $0xFFFFD600  }
0x95: {  	[hbm4b:s3+s6] =	stream.indirect.scatter [tilespmem:s5], [sflag:$0x2], $0x60, s12, s6, $0xb8;
	[tilespmem:$0x5A20] =	vst v63  }
0x96: {  	s1 =	sadd.s32 $0xFFFFFFFF, s1;
	_ =	swait.ge [sflag:s4], $0x2A00  }
0x97: {  	p0 =	por $0x1, $0x1;
	s0 =	rddreg [dreg:$0x4];
	[sflag:s4] =	ssyncset.done $0x0  }
.LBB2_2:
0x98: {  	[sflag:s4] =	ssyncadd.s32 $0xFFFFD600  }
0x99: {  	[tilespmem:s2], [sflag:$0x3] =	stream.linear.gather [hbm4b:s0+s2], $0x620, $0x38;
	[tilespmem:$0x5A20] =	vst v63  }
0x9a: {  	_ =	swait.ge [sflag:s31], $0x620  }
0x9b: {  	[sflag:s31] =	ssyncset.done $0x0  }
0x9c: {  	s0 =	rddreg [dreg:$0x5];
	[sflag:s31] =	ssyncadd.s32 $0xFFFFF9E0  }
0x9d: {  	[tilespmem:s9], [sflag:$0x1] =	stream.linear.gather [hbm4b:s0+s2], $0x2A00, $0x38;
	[tilespmem:$0x5A20] =	vst v63  }
0x9e: {  	_ =	swait.ge [sflag:s8], $0x2A00  }
0x9f: {  	[sflag:s8] =	ssyncset.done $0x0  }
0xa0: {  	s0 =	rddreg [dreg:$0x6];
	[sflag:s8] =	ssyncadd.s32 $0xFFFFD600  }
0xa1: {  	[tilespmem:s5], [sflag:$0x1] =	stream.linear.gather [hbm4b:s0+s2], $0x2A00, $0x38;
	[tilespmem:$0x5A20] =	vst v63  }
0xa2: {  	_ = 	snop  }
0xa3: {  	[hbm4b:s3+s6] =	stream.indirect.scatter [tilespmem:s9], [sflag:$0x2], $0x60, s2, s6, $0xb8;
	[tilespmem:$0x5A20] =	vst v63  }
0xa4: {  	_ =	swait.ge [sflag:s8], $0x2A00  }
0xa5: {  	[sflag:s8] =	ssyncset.done $0x0  }
0xa6: {  	[sflag:s8] =	ssyncadd.s32 $0xFFFFD600  }
0xa7: {  	_ =	swait.ge [sflag:s4], $0x2A00  }
0xa8: {  	[sflag:s4] =	ssyncset.done $0x0  }
0xa9: {  	s0 =	rddreg [dreg:$0x7];
	[sflag:s4] =	ssyncadd.s32 $0xFFFFD600  }
0xaa: {  	[tilespmem:s9], [sflag:$0x1] =	stream.linear.gather [hbm4b:s0+s2], $0x2A00, $0x38;
	[tilespmem:$0x5A20] =	vst v63  }
0xab: {  	_ = 	snop  }
0xac: {  	[hbm4b:s3+s6] =	stream.indirect.scatter [tilespmem:s5], [sflag:$0x2], $0x60, s6, s6, $0xb8;
	[tilespmem:$0x5A20] =	vst v63  }
0xad: {  	_ =	swait.ge [sflag:s8], $0x2A00  }
0xae: {  	[sflag:s8] =	ssyncset.done $0x0  }
0xaf: {  	[sflag:s8] =	ssyncadd.s32 $0xFFFFD600  }
0xb0: {  	_ =	swait.ge [sflag:s4], $0x2A00  }
0xb1: {  	[sflag:s4] =	ssyncset.done $0x0  }
0xb2: {  	s0 =	rddreg [dreg:$0x8];
	[sflag:s4] =	ssyncadd.s32 $0xFFFFD600  }
0xb3: {  	[tilespmem:s5], [sflag:$0x1] =	stream.linear.gather [hbm4b:s0+s2], $0x2A00, $0x38;
	[tilespmem:$0x5A20] =	vst v63  }
0xb4: {  	_ = 	snop  }
0xb5: {  	[hbm4b:s3+s6] =	stream.indirect.scatter [tilespmem:s9], [sflag:$0x2], $0x60, s30, s6, $0xb8;
	[tilespmem:$0x5A20] =	vst v63  }
0xb6: {  	_ =	swait.ge [sflag:s8], $0x2A00  }
0xb7: {  	[sflag:s8] =	ssyncset.done $0x0  }
0xb8: {  	[sflag:s8] =	ssyncadd.s32 $0xFFFFD600  }
0xb9: {  	_ =	swait.ge [sflag:s4], $0x2A00  }
0xba: {  	[sflag:s4] =	ssyncset.done $0x0  }
0xbb: {  	s0 =	rddreg [dreg:$0x9];
	[sflag:s4] =	ssyncadd.s32 $0xFFFFD600  }
0xbc: {  	[tilespmem:s9], [sflag:$0x1] =	stream.linear.gather [hbm4b:s0+s2], $0x2A00, $0x38;
	[tilespmem:$0x5A20] =	vst v63  }
0xbd: {  	_ = 	snop  }
0xbe: {  	[hbm4b:s3+s6] =	stream.indirect.scatter [tilespmem:s5], [sflag:$0x2], $0x60, s29, s6, $0xb8;
	[tilespmem:$0x5A20] =	vst v63  }
0xbf: {  	_ =	swait.ge [sflag:s8], $0x2A00  }
0xc0: {  	[sflag:s8] =	ssyncset.done $0x0  }
0xc1: {  	[sflag:s8] =	ssyncadd.s32 $0xFFFFD600  }
0xc2: {  	_ =	swait.ge [sflag:s4], $0x2A00  }
0xc3: {  	[sflag:s4] =	ssyncset.done $0x0  }
0xc4: {  	[sflag:s4] =	ssyncadd.s32 $0xFFFFD600  }
0xc5: {  	[tilespmem:s5], [sflag:$0x1] =	stream.linear.gather [hbm4b:s24+s2], $0x2A00, $0x38;
	[tilespmem:$0x5A20] =	vst v63  }
0xc6: {  	_ = 	snop  }
0xc7: {  	[hbm4b:s3+s6] =	stream.indirect.scatter [tilespmem:s9], [sflag:$0x2], $0x60, s28, s6, $0xb8;
	[tilespmem:$0x5A20] =	vst v63  }
0xc8: {  	_ =	swait.ge [sflag:s8], $0x2A00  }
0xc9: {  	[sflag:s8] =	ssyncset.done $0x0  }
0xca: {  	[sflag:s8] =	ssyncadd.s32 $0xFFFFD600  }
0xcb: {  	_ =	swait.ge [sflag:s4], $0x2A00  }
0xcc: {  	[sflag:s4] =	ssyncset.done $0x0  }
0xcd: {  	[sflag:s4] =	ssyncadd.s32 $0xFFFFD600  }
0xce: {  	[tilespmem:s9], [sflag:$0x1] =	stream.linear.gather [hbm4b:s22+s2], $0x2A00, $0x38;
	[tilespmem:$0x5A20] =	vst v63  }
0xcf: {  	_ = 	snop  }
0xd0: {  	[hbm4b:s3+s6] =	stream.indirect.scatter [tilespmem:s5], [sflag:$0x2], $0x60, s26, s6, $0xb8;
	[tilespmem:$0x5A20] =	vst v63  }
0xd1: {  	_ =	swait.ge [sflag:s8], $0x2A00  }
0xd2: {  	[sflag:s8] =	ssyncset.done $0x0  }
0xd3: {  	[sflag:s8] =	ssyncadd.s32 $0xFFFFD600  }
0xd4: {  	_ =	swait.ge [sflag:s4], $0x2A00  }
0xd5: {  	[sflag:s4] =	ssyncset.done $0x0  }
0xd6: {  	[sflag:s4] =	ssyncadd.s32 $0xFFFFD600  }
0xd7: {  	[tilespmem:s5], [sflag:$0x1] =	stream.linear.gather [hbm4b:s20+s2], $0x2A00, $0x38;
	[tilespmem:$0x5A20] =	vst v63  }
0xd8: {  	_ = 	snop  }
0xd9: {  	[hbm4b:s3+s6] =	stream.indirect.scatter [tilespmem:s9], [sflag:$0x2], $0x60, s25, s6, $0xb8;
	[tilespmem:$0x5A20] =	vst v63  }
0xda: {  	_ =	swait.ge [sflag:s8], $0x2A00  }
0xdb: {  	[sflag:s8] =	ssyncset.done $0x0  }
0xdc: {  	[sflag:s8] =	ssyncadd.s32 $0xFFFFD600  }
0xdd: {  	_ =	swait.ge [sflag:s4], $0x2A00  }
0xde: {  	[sflag:s4] =	ssyncset.done $0x0  }
0xdf: {  	[sflag:s4] =	ssyncadd.s32 $0xFFFFD600  }
0xe0: {  	[tilespmem:s9], [sflag:$0x1] =	stream.linear.gather [hbm4b:s18+s2], $0x2A00, $0x38;
	[tilespmem:$0x5A20] =	vst v63  }
0xe1: {  	_ = 	snop  }
0xe2: {  	[hbm4b:s3+s6] =	stream.indirect.scatter [tilespmem:s5], [sflag:$0x2], $0x60, s23, s6, $0xb8;
	[tilespmem:$0x5A20] =	vst v63  }
0xe3: {  	_ =	swait.ge [sflag:s8], $0x2A00  }
0xe4: {  	[sflag:s8] =	ssyncset.done $0x0  }
0xe5: {  	[sflag:s8] =	ssyncadd.s32 $0xFFFFD600  }
0xe6: {  	_ =	swait.ge [sflag:s4], $0x2A00  }
0xe7: {  	[sflag:s4] =	ssyncset.done $0x0  }
0xe8: {  	[sflag:s4] =	ssyncadd.s32 $0xFFFFD600  }
0xe9: {  	[tilespmem:s5], [sflag:$0x1] =	stream.linear.gather [hbm4b:s16+s2], $0x2A00, $0x38;
	[tilespmem:$0x5A20] =	vst v63  }
0xea: {  	_ = 	snop  }
0xeb: {  	[hbm4b:s3+s6] =	stream.indirect.scatter [tilespmem:s9], [sflag:$0x2], $0x60, s21, s6, $0xb8;
	[tilespmem:$0x5A20] =	vst v63  }
0xec: {  	_ =	swait.ge [sflag:s8], $0x2A00  }
0xed: {  	[sflag:s8] =	ssyncset.done $0x0  }
0xee: {  	[sflag:s8] =	ssyncadd.s32 $0xFFFFD600  }
0xef: {  	_ =	swait.ge [sflag:s4], $0x2A00  }
0xf0: {  	[sflag:s4] =	ssyncset.done $0x0  }
0xf1: {  	[sflag:s4] =	ssyncadd.s32 $0xFFFFD600  }
0xf2: {  	[tilespmem:s9], [sflag:$0x1] =	stream.linear.gather [hbm4b:s14+s2], $0x2A00, $0x38;
	[tilespmem:$0x5A20] =	vst v63  }
0xf3: {  	_ = 	snop  }
0xf4: {  	[hbm4b:s3+s6] =	stream.indirect.scatter [tilespmem:s5], [sflag:$0x2], $0x60, s19, s6, $0xb8;
	[tilespmem:$0x5A20] =	vst v63  }
0xf5: {  	_ =	swait.ge [sflag:s8], $0x2A00  }
0xf6: {  	[sflag:s8] =	ssyncset.done $0x0  }
0xf7: {  	[sflag:s8] =	ssyncadd.s32 $0xFFFFD600  }
0xf8: {  	_ =	swait.ge [sflag:s4], $0x2A00  }
0xf9: {  	[sflag:s4] =	ssyncset.done $0x0  }
0xfa: {  	[sflag:s4] =	ssyncadd.s32 $0xFFFFD600  }
0xfb: {  	[tilespmem:s5], [sflag:$0x1] =	stream.linear.gather [hbm4b:s11+s2], $0x2A00, $0x38;
	[tilespmem:$0x5A20] =	vst v63  }
0xfc: {  	_ = 	snop  }
0xfd: {  	[hbm4b:s3+s6] =	stream.indirect.scatter [tilespmem:s9], [sflag:$0x2], $0x60, s17, s6, $0xb8;
	[tilespmem:$0x5A20] =	vst v63  }
0xfe: {  	_ =	swait.ge [sflag:s8], $0x2A00  }
0xff: {  	[sflag:s8] =	ssyncset.done $0x0  }
0x100: {  	[sflag:s8] =	ssyncadd.s32 $0xFFFFD600  }
0x101: {  	_ =	swait.ge [sflag:s4], $0x2A00  }
0x102: {  	[sflag:s4] =	ssyncset.done $0x0  }
0x103: {  	[sflag:s4] =	ssyncadd.s32 $0xFFFFD600  }
0x104: {  	[tilespmem:s9], [sflag:$0x1] =	stream.linear.gather [hbm4b:s10+s2], $0x2A00, $0x38;
	[tilespmem:$0x5A20] =	vst v63  }
0x105: {  	_ = 	snop  }
0x106: {  	[hbm4b:s3+s6] =	stream.indirect.scatter [tilespmem:s5], [sflag:$0x2], $0x60, s15, s6, $0xb8;
	[tilespmem:$0x5A20] =	vst v63  }
0x107: {  	_ =	swait.ge [sflag:s8], $0x2A00  }
0x108: {  	[sflag:s8] =	ssyncset.done $0x0  }
0x109: {  	[sflag:s8] =	ssyncadd.s32 $0xFFFFD600  }
0x10a: {  	_ =	swait.ge [sflag:s4], $0x2A00  }
0x10b: {  	[sflag:s4] =	ssyncset.done $0x0  }
0x10c: {  	[sflag:s4] =	ssyncadd.s32 $0xFFFFD600  }
0x10d: {  	[tilespmem:s5], [sflag:$0x1] =	stream.linear.gather [hbm4b:s7+s2], $0x2A00, $0x38;
	[tilespmem:$0x5A20] =	vst v63  }
0x10e: {  	_ = 	snop  }
0x10f: {  	[hbm4b:s3+s6] =	stream.indirect.scatter [tilespmem:s9], [sflag:$0x2], $0x60, s13, s6, $0xb8;
	[tilespmem:$0x5A20] =	vst v63  }
0x110: {  	_ =	swait.ge [sflag:s8], $0x2A00  }
0x111: {  	[sflag:s8] =	ssyncset.done $0x0  }
0x112: {  	[sflag:s8] =	ssyncadd.s32 $0xFFFFD600  }
0x113: {  	p1 =	sne.s32 s1, $0x1;
	_ =	swait.ge [sflag:s4], $0x2A00  }
.Ltmp2:
0x114: {  	[sflag:s4] =	ssyncset.done $0x0;
	(pc) =	sbr.rel @p1 .LBB2_2-.Ltmp2, $4  }
0x115: {  	[sflag:s4] =	ssyncadd.s32 $0xFFFFD600  }
0x116: {  	[hbm4b:s3+s6] =	stream.indirect.scatter [tilespmem:s5], [sflag:$0x2], $0x60, s12, s6, $0xb8;
	[tilespmem:$0x5A20] =	vst v63  }
0x117: {  	_ =	swait.ge [sflag:s4], $0x2A00  }
0x118: {  	s1 =	sadd.s32 $0xFFFFFFFF, s1;
	s0 =	rddreg [dreg:$0x4];
	[sflag:s4] =	ssyncset.done $0x0  }
.LBB2_3:
0x119: {  	[sflag:s4] =	ssyncadd.s32 @p0 $0xFFFFD600  }
0x11a: {  	[tilespmem:s2], [sflag:$0x3] =	stream.linear.gather [hbm4b:s0+s2], $0x620, $0x38;
	[tilespmem:$0x5A20] =	vst v63  }
0x11b: {  	_ =	swait.ge [sflag:s31], $0x620  }
0x11c: {  	[sflag:s31] =	ssyncset.done $0x0  }
0x11d: {  	s1 =	rddreg [dreg:$0x5];
	[sflag:s31] =	ssyncadd.s32 $0xFFFFF9E0  }
0x11e: {  	[tilespmem:s9], [sflag:$0x1] =	stream.linear.gather [hbm4b:s1+s2], $0x2A00, $0x38;
	[tilespmem:$0x5A20] =	vst v63  }
0x11f: {  	_ =	swait.ge [sflag:s8], $0x2A00  }
0x120: {  	[sflag:s8] =	ssyncset.done $0x0  }
0x121: {  	s1 =	rddreg [dreg:$0x6];
	[sflag:s8] =	ssyncadd.s32 $0xFFFFD600  }
0x122: {  	[tilespmem:s5], [sflag:$0x1] =	stream.linear.gather [hbm4b:s1+s2], $0x2A00, $0x38;
	[tilespmem:$0x5A20] =	vst v63  }
0x123: {  	_ = 	snop  }
0x124: {  	[hbm4b:s3+s6] =	stream.indirect.scatter [tilespmem:s9], [sflag:$0x2], $0x60, s2, s6, $0xb8;
	[tilespmem:$0x5A20] =	vst v63  }
0x125: {  	_ =	swait.ge [sflag:s8], $0x2A00  }
0x126: {  	[sflag:s8] =	ssyncset.done $0x0  }
0x127: {  	[sflag:s8] =	ssyncadd.s32 $0xFFFFD600  }
0x128: {  	_ =	swait.ge [sflag:s4], $0x2A00  }
0x129: {  	[sflag:s4] =	ssyncset.done $0x0  }
0x12a: {  	s31 =	rddreg [dreg:$0x7];
	[sflag:s4] =	ssyncadd.s32 $0xFFFFD600  }
0x12b: {  	[tilespmem:s9], [sflag:$0x1] =	stream.linear.gather [hbm4b:s31+s2], $0x2A00, $0x38;
	[tilespmem:$0x5A20] =	vst v63  }
0x12c: {  	_ = 	snop  }
0x12d: {  	[hbm4b:s3+s6] =	stream.indirect.scatter [tilespmem:s5], [sflag:$0x2], $0x60, s6, s6, $0xb8;
	[tilespmem:$0x5A20] =	vst v63  }
0x12e: {  	_ =	swait.ge [sflag:s8], $0x2A00  }
0x12f: {  	[sflag:s8] =	ssyncset.done $0x0  }
0x130: {  	[sflag:s8] =	ssyncadd.s32 $0xFFFFD600  }
0x131: {  	_ =	swait.ge [sflag:s4], $0x2A00  }
0x132: {  	[sflag:s4] =	ssyncset.done $0x0  }
0x133: {  	s1 =	rddreg [dreg:$0x8];
	[sflag:s4] =	ssyncadd.s32 $0xFFFFD600  }
0x134: {  	[tilespmem:s5], [sflag:$0x1] =	stream.linear.gather [hbm4b:s1+s2], $0x2A00, $0x38;
	[tilespmem:$0x5A20] =	vst v63  }
0x135: {  	_ = 	snop  }
0x136: {  	[hbm4b:s3+s6] =	stream.indirect.scatter [tilespmem:s9], [sflag:$0x2], $0x60, s30, s6, $0xb8;
	[tilespmem:$0x5A20] =	vst v63  }
0x137: {  	_ =	swait.ge [sflag:s8], $0x2A00  }
0x138: {  	[sflag:s8] =	ssyncset.done $0x0  }
0x139: {  	[sflag:s8] =	ssyncadd.s32 $0xFFFFD600  }
0x13a: {  	_ =	swait.ge [sflag:s4], $0x2A00  }
0x13b: {  	[sflag:s4] =	ssyncset.done $0x0  }
0x13c: {  	s30 =	rddreg [dreg:$0x9];
	[sflag:s4] =	ssyncadd.s32 $0xFFFFD600  }
0x13d: {  	[tilespmem:s9], [sflag:$0x1] =	stream.linear.gather [hbm4b:s30+s2], $0x2A00, $0x38;
	[tilespmem:$0x5A20] =	vst v63  }
0x13e: {  	_ = 	snop  }
0x13f: {  	[hbm4b:s3+s6] =	stream.indirect.scatter [tilespmem:s5], [sflag:$0x2], $0x60, s29, s6, $0xb8;
	[tilespmem:$0x5A20] =	vst v63  }
0x140: {  	_ =	swait.ge [sflag:s8], $0x2A00  }
0x141: {  	[sflag:s8] =	ssyncset.done $0x0  }
0x142: {  	[sflag:s8] =	ssyncadd.s32 $0xFFFFD600  }
0x143: {  	_ =	swait.ge [sflag:s4], $0x2A00  }
0x144: {  	[sflag:s4] =	ssyncset.done $0x0  }
0x145: {  	[sflag:s4] =	ssyncadd.s32 $0xFFFFD600  }
0x146: {  	[tilespmem:s5], [sflag:$0x1] =	stream.linear.gather [hbm4b:s24+s2], $0x2A00, $0x38;
	[tilespmem:$0x5A20] =	vst v63  }
0x147: {  	_ = 	snop  }
0x148: {  	[hbm4b:s3+s6] =	stream.indirect.scatter [tilespmem:s9], [sflag:$0x2], $0x60, s28, s6, $0xb8;
	[tilespmem:$0x5A20] =	vst v63  }
0x149: {  	_ =	swait.ge [sflag:s8], $0x2A00  }
0x14a: {  	[sflag:s8] =	ssyncset.done $0x0  }
0x14b: {  	[sflag:s8] =	ssyncadd.s32 $0xFFFFD600  }
0x14c: {  	_ =	swait.ge [sflag:s4], $0x2A00  }
0x14d: {  	[sflag:s4] =	ssyncset.done $0x0  }
0x14e: {  	[sflag:s4] =	ssyncadd.s32 $0xFFFFD600  }
0x14f: {  	[tilespmem:s9], [sflag:$0x1] =	stream.linear.gather [hbm4b:s22+s2], $0x2A00, $0x38;
	[tilespmem:$0x5A20] =	vst v63  }
0x150: {  	_ = 	snop  }
0x151: {  	[hbm4b:s3+s6] =	stream.indirect.scatter [tilespmem:s5], [sflag:$0x2], $0x60, s26, s6, $0xb8;
	[tilespmem:$0x5A20] =	vst v63  }
0x152: {  	_ =	swait.ge [sflag:s8], $0x2A00  }
0x153: {  	[sflag:s8] =	ssyncset.done $0x0  }
0x154: {  	[sflag:s8] =	ssyncadd.s32 $0xFFFFD600  }
0x155: {  	_ =	swait.ge [sflag:s4], $0x2A00  }
0x156: {  	[sflag:s4] =	ssyncset.done $0x0  }
0x157: {  	[sflag:s4] =	ssyncadd.s32 $0xFFFFD600  }
0x158: {  	[tilespmem:s5], [sflag:$0x1] =	stream.linear.gather [hbm4b:s20+s2], $0x2A00, $0x38;
	[tilespmem:$0x5A20] =	vst v63  }
0x159: {  	_ = 	snop  }
0x15a: {  	[hbm4b:s3+s6] =	stream.indirect.scatter [tilespmem:s9], [sflag:$0x2], $0x60, s25, s6, $0xb8;
	[tilespmem:$0x5A20] =	vst v63  }
0x15b: {  	_ =	swait.ge [sflag:s8], $0x2A00  }
0x15c: {  	[sflag:s8] =	ssyncset.done $0x0  }
0x15d: {  	[sflag:s8] =	ssyncadd.s32 $0xFFFFD600  }
0x15e: {  	_ =	swait.ge [sflag:s4], $0x2A00  }
0x15f: {  	[sflag:s4] =	ssyncset.done $0x0  }
0x160: {  	[sflag:s4] =	ssyncadd.s32 $0xFFFFD600  }
0x161: {  	[tilespmem:s9], [sflag:$0x1] =	stream.linear.gather [hbm4b:s18+s2], $0x2A00, $0x38;
	[tilespmem:$0x5A20] =	vst v63  }
0x162: {  	_ = 	snop  }
0x163: {  	[hbm4b:s3+s6] =	stream.indirect.scatter [tilespmem:s5], [sflag:$0x2], $0x60, s23, s6, $0xb8;
	[tilespmem:$0x5A20] =	vst v63  }
0x164: {  	_ =	swait.ge [sflag:s8], $0x2A00  }
0x165: {  	[sflag:s8] =	ssyncset.done $0x0  }
0x166: {  	[sflag:s8] =	ssyncadd.s32 $0xFFFFD600  }
0x167: {  	_ =	swait.ge [sflag:s4], $0x2A00  }
0x168: {  	[sflag:s4] =	ssyncset.done $0x0  }
0x169: {  	[sflag:s4] =	ssyncadd.s32 $0xFFFFD600  }
0x16a: {  	[tilespmem:s5], [sflag:$0x1] =	stream.linear.gather [hbm4b:s16+s2], $0x2A00, $0x38;
	[tilespmem:$0x5A20] =	vst v63  }
0x16b: {  	_ = 	snop  }
0x16c: {  	[hbm4b:s3+s6] =	stream.indirect.scatter [tilespmem:s9], [sflag:$0x2], $0x60, s21, s6, $0xb8;
	[tilespmem:$0x5A20] =	vst v63  }
0x16d: {  	_ =	swait.ge [sflag:s8], $0x2A00  }
0x16e: {  	[sflag:s8] =	ssyncset.done $0x0  }
0x16f: {  	[sflag:s8] =	ssyncadd.s32 $0xFFFFD600  }
0x170: {  	_ =	swait.ge [sflag:s4], $0x2A00  }
0x171: {  	[sflag:s4] =	ssyncset.done $0x0  }
0x172: {  	[sflag:s4] =	ssyncadd.s32 $0xFFFFD600  }
0x173: {  	[tilespmem:s9], [sflag:$0x1] =	stream.linear.gather [hbm4b:s14+s2], $0x2A00, $0x38;
	[tilespmem:$0x5A20] =	vst v63  }
0x174: {  	_ = 	snop  }
0x175: {  	[hbm4b:s3+s6] =	stream.indirect.scatter [tilespmem:s5], [sflag:$0x2], $0x60, s19, s6, $0xb8;
	[tilespmem:$0x5A20] =	vst v63  }
0x176: {  	_ =	swait.ge [sflag:s8], $0x2A00  }
0x177: {  	[sflag:s8] =	ssyncset.done $0x0  }
0x178: {  	[sflag:s8] =	ssyncadd.s32 $0xFFFFD600  }
0x179: {  	_ =	swait.ge [sflag:s4], $0x2A00  }
0x17a: {  	[sflag:s4] =	ssyncset.done $0x0  }
0x17b: {  	[sflag:s4] =	ssyncadd.s32 $0xFFFFD600  }
0x17c: {  	[tilespmem:s5], [sflag:$0x1] =	stream.linear.gather [hbm4b:s11+s2], $0x2A00, $0x38;
	[tilespmem:$0x5A20] =	vst v63  }
0x17d: {  	_ = 	snop  }
0x17e: {  	[hbm4b:s3+s6] =	stream.indirect.scatter [tilespmem:s9], [sflag:$0x2], $0x60, s17, s6, $0xb8;
	[tilespmem:$0x5A20] =	vst v63  }
0x17f: {  	_ =	swait.ge [sflag:s8], $0x2A00  }
0x180: {  	[sflag:s8] =	ssyncset.done $0x0  }
0x181: {  	[sflag:s8] =	ssyncadd.s32 $0xFFFFD600  }
0x182: {  	_ =	swait.ge [sflag:s4], $0x2A00  }
0x183: {  	[sflag:s4] =	ssyncset.done $0x0  }
0x184: {  	[sflag:s4] =	ssyncadd.s32 $0xFFFFD600  }
0x185: {  	[tilespmem:s9], [sflag:$0x1] =	stream.linear.gather [hbm4b:s10+s2], $0x2A00, $0x38;
	[tilespmem:$0x5A20] =	vst v63  }
0x186: {  	_ = 	snop  }
0x187: {  	[hbm4b:s3+s6] =	stream.indirect.scatter [tilespmem:s5], [sflag:$0x2], $0x60, s15, s6, $0xb8;
	[tilespmem:$0x5A20] =	vst v63  }
0x188: {  	_ =	swait.ge [sflag:s8], $0x2A00  }
0x189: {  	[sflag:s8] =	ssyncset.done $0x0  }
0x18a: {  	[sflag:s8] =	ssyncadd.s32 $0xFFFFD600  }
0x18b: {  	_ =	swait.ge [sflag:s4], $0x2A00  }
0x18c: {  	[sflag:s4] =	ssyncset.done $0x0  }
0x18d: {  	[sflag:s4] =	ssyncadd.s32 $0xFFFFD600  }
0x18e: {  	[tilespmem:s5], [sflag:$0x1] =	stream.linear.gather [hbm4b:s7+s2], $0x2A00, $0x38;
	[tilespmem:$0x5A20] =	vst v63  }
0x18f: {  	_ = 	snop  }
0x190: {  	[hbm4b:s3+s6] =	stream.indirect.scatter [tilespmem:s9], [sflag:$0x2], $0x60, s13, s6, $0xb8;
	[tilespmem:$0x5A20] =	vst v63  }
0x191: {  	_ =	swait.ge [sflag:s8], $0x2A00  }
0x192: {  	[sflag:s8] =	ssyncset.done $0x0  }
0x193: {  	[sflag:s8] =	ssyncadd.s32 $0xFFFFD600  }
0x194: {  	_ =	swait.ge [sflag:s4], $0x2A00  }
0x195: {  	[sflag:s4] =	ssyncset.done $0x0  }
0x196: {  	[sflag:s4] =	ssyncadd.s32 $0xFFFFD600  }
0x197: {  	[hbm4b:s3+s6] =	stream.indirect.scatter [tilespmem:s5], [sflag:$0x2], $0x60, s12, s6, $0xb8;
	[tilespmem:$0x5A20] =	vst v63  }
0x198: {  	_ =	swait.ge [sflag:s4], $0x2A00  }
0x199: {  	[sflag:s4] =	ssyncset.done $0x0  }
0x19a: {  	[sflag:s4] =	ssyncadd.s32 $0xFFFFD600  }
0x19b: {  	_ =	sfence.sel $0x180000  }
0x19c: {  	[bflag:$0x0] =	sbarrier.arrive $0xFFFF  }
0x19d: {  	_ =	strace $0x9000004A  }
0x19e: {  	s31 =	stileid.u32;
	[bflag:$0x2] =	sbarrier.arrive $0xFFFF  }
0x19f: {  	p0 =	sne.s32 s31, $0x0;
	s0 =	rddreg [dreg:$0x3]  }
0x1a0: {  	s0 =	sadd.s32 @!p0 $0x100000, s0  }
0x1a1: {  	[sflag:s0] =	ssyncadd.tile.s32 @!p0 $0x1;
	_ =	shalt  }
.Lfunc_end2:
_tile_overlayer_lowered:
.L_overlay_start_2:
0x1a2: {  	(tag) =	ssettag $0x2  }
0x1a3: {  	s0 =	rddreg [dreg:$0x0];
	s2 =	stileid.u32  }
0x1a4: {  	s1 =	rddreg [dreg:$0x1];
	p0 =	sne.s32 s2, $0x0  }
0x1a5: {  	s3 =	rddreg [dreg:$0x2];
	[bflag:$0x3] =	sbarrier.arrive $0xFFFF;
	s2 =	simm.s32 @!p0 $0x1C03  }
0x1a6: {  	[timem:s3], [sflag:s2] =	dma.local @!p0 [hbm:s0], s1  }
0x1a7: {  	s0 =	simm.s32 @!p0 $0x3  }
0x1a8: {  	_ =	swait.ge @!p0 [sflag:s0], s1  }
0x1a9: {  	s1 =	ssub.s32 @!p0 $0x0, s1;
	[sflag:s0] =	ssyncset.done @!p0 $0x0  }
0x1aa: {  	[sflag:s0] =	ssyncadd.s32 @!p0 s1  }
0x1ab: {  	[bflag:$0x3] =	sbarrier.arrive $0xFFFF  }
0x1ac: {  	_ =	shalt  }

</sc_bundles>
